<compile_context>
chip_gen: v7x
topology: tpu7x:2x2x1
jax: 0.10.2.dev20260603
libtpu: 0.0.44.dev20260713+nightly
codegen_flags: <defaults>
</compile_context>

<pallas_src>
import jax
import jax.numpy as jnp
from jax import lax
from jax.experimental import pallas as pl
from jax.experimental.pallas import tpu as pltpu
from jax.experimental.pallas import tpu_sc as plsc

D = 64
NC, NS, L = 2, 16, 16
NW = NC * NS

B = 4096
C = 200
RB = B // 128
N_ITEMS = C * RB
ITEMS_PER_W = N_ITEMS // NW


def _transpose_block(g, idx_v, ts, rloc, colbase):

    def body(i, c2):
        r0 = i * 8
        for u in range(8):
            r = r0 + u
            colv = colbase + r
            for k in range(4):
                v = g[r, pl.ds(k * L, L)]
                plsc.store_scatter(ts[k], [rloc, colv], v)
        return c2

    lax.fori_loop(0, 16, body, 0, unroll=False)

    def mred(j, acc):
        return acc | (idx_v[pl.ds(j * L, L)] == 0)

    mv = lax.fori_loop(1, 8, mred, idx_v[pl.ds(0, L)] == 0)
    nz = plsc.all_reduce_population_count(mv)[0]

    @pl.when(nz > 0)
    def _fixup():
        zeros = jnp.zeros((L,), jnp.float32)

        def fix_group(j, c3):
            m = idx_v[pl.ds(j * L, L)] == 0
            rv = j * L + lax.iota(jnp.int32, L)

            def make_fh(tk):
                def fh(h, c4):
                    rows = lax.broadcast(h // 8, (L,))
                    cols = (h % 8) * 128 + rv
                    plsc.store_scatter(tk, [rows, cols], zeros, mask=m)
                    return c4
                return fh

            for kk in range(4):
                lax.fori_loop(0, L, make_fh(ts[kk]), 0)
            return c3

        lax.fori_loop(0, 8, fix_group, 0)


def _emb_body(table_hbm, idx_hbm, out_hbm,
              idx0, idx1, g0, g1,
              ta0, tb0, tc0, td0, ta1, tb1, tc1, td1,
              isem0, isem1, gsem0, gsem1, wsem0, wsem1):
    wid = lax.axis_index("s") * NC + lax.axis_index("c")
    m0 = wid * ITEMS_PER_W

    idx_bufs = (idx0, idx1)
    g_bufs = (g0, g1)
    t_bufs = ((ta0, tb0, tc0, td0), (ta1, tb1, tc1, td1))
    isems = (isem0, isem1)
    gsems = (gsem0, gsem1)
    wsems = (wsem0, wsem1)

    lane = lax.iota(jnp.int32, L)
    rloc = lane // 8
    colbase = (lane % 8) * 128

    def idx_src(j):
        m = m0 + j
        c = m // RB
        rb = m % RB
        return idx_hbm.at[pl.ds(c * B + rb * 128, 128)]

    def out_quarters(j):
        m = m0 + j
        c = m // RB
        rb = m % RB
        return tuple(out_hbm.at[c, pl.ds(2 * k, 2), rb] for k in range(4))

    def write_item(j, p):
        for k in range(4):
            pltpu.async_copy(t_bufs[p][k], out_quarters(j)[k], wsems[p])

    def drain_item(j, p):
        for k in range(4):
            pltpu.make_async_copy(t_bufs[p][k], out_quarters(j)[k],
                                  wsems[p]).wait()

    pltpu.async_copy(idx_src(0), idx0, isem0)
    pltpu.async_copy(idx_src(1), idx1, isem1)
    pltpu.make_async_copy(idx_src(0), idx0, isem0).wait()
    pltpu.async_copy(table_hbm.at[idx0], g0, gsem0)

    def phase(j, p):
        q = 1 - p

        pltpu.make_async_copy(table_hbm.at[idx_bufs[p]], g_bufs[p],
                              gsems[p]).wait()

        @pl.when(j + 2 < ITEMS_PER_W)
        def _pref():
            pltpu.async_copy(idx_src(j + 2), idx_bufs[p], isems[p])

        @pl.when(j + 1 < ITEMS_PER_W)
        def _next():
            pltpu.make_async_copy(idx_src(j + 1), idx_bufs[q],
                                  isems[q]).wait()
            pltpu.async_copy(table_hbm.at[idx_bufs[q]], g_bufs[q],
                             gsems[q])

        @pl.when(j >= 2)
        def _drain():
            drain_item(j - 2, p)

        _transpose_block(g_bufs[p], idx_bufs[p], t_bufs[p], rloc, colbase)

        write_item(j, p)

    def body(i, carry):
        phase(i * 2, 0)
        phase(i * 2 + 1, 1)
        return carry

    lax.fori_loop(0, ITEMS_PER_W // 2, body, 0)

    drain_item(ITEMS_PER_W - 2, 0)
    drain_item(ITEMS_PER_W - 1, 1)


def _emb(idx_t, table):
    mesh = plsc.VectorSubcoreMesh(core_axis_name="c", subcore_axis_name="s")
    f = pl.kernel(
        _emb_body,
        out_type=jax.ShapeDtypeStruct((C, 8, RB, 1024), jnp.float32),
        mesh=mesh,
        compiler_params=pltpu.CompilerParams(needs_layout_passes=False,
                                             use_tc_tiling_on_sc=False),
        scratch_types=[
            pltpu.VMEM((128,), jnp.int32),
            pltpu.VMEM((128,), jnp.int32),
            pltpu.VMEM((128, D), jnp.float32),
            pltpu.VMEM((128, D), jnp.float32),
            pltpu.VMEM((2, 1024), jnp.float32),
            pltpu.VMEM((2, 1024), jnp.float32),
            pltpu.VMEM((2, 1024), jnp.float32),
            pltpu.VMEM((2, 1024), jnp.float32),
            pltpu.VMEM((2, 1024), jnp.float32),
            pltpu.VMEM((2, 1024), jnp.float32),
            pltpu.VMEM((2, 1024), jnp.float32),
            pltpu.VMEM((2, 1024), jnp.float32),
            pltpu.SemaphoreType.DMA,
            pltpu.SemaphoreType.DMA,
            pltpu.SemaphoreType.DMA,
            pltpu.SemaphoreType.DMA,
            pltpu.SemaphoreType.DMA,
            pltpu.SemaphoreType.DMA,
        ],
    )
    return f(table, idx_t)


def kernel(inputs, shared_weights):
    idx_t = inputs.T.reshape(-1).astype(jnp.int32)
    out5 = _emb(idx_t, shared_weights)
    out = out5.reshape(C, 8, RB, 8, 128)
    return out.transpose(2, 4, 0, 1, 3).reshape(B, C, D)

# --- scband reference (transcript-rebuilt; emitter-appended) ---
"""Pipeline reference for scband-embedding-layer-90391881712151 (READ-ONLY COPY).

The authoritative reference and input builder live on the scoring server;
editing this copy changes nothing except your own understanding.
"""

import jax, jax.numpy as jnp
import numpy as np

VOCAB = 1000000
HIDDEN = 64

def setup_inputs(seed: int = 0) -> dict:
    key = jax.random.key(seed)
    k1, k2 = jax.random.split(key)
    inputs = jax.random.randint(k1, (4096, 200), 0, VOCAB, dtype=jnp.int64 if jax.config.jax_enable_x64 else jnp.int32)
    shared_weights = jax.random.normal(k2, (VOCAB, HIDDEN), dtype=jnp.float32) * 0.01
    return {"inputs": inputs, "shared_weights": shared_weights}

def reference(inputs, shared_weights):
    # mask out padding token id 0
    mask = jnp.not_equal(inputs, 0).astype(jnp.float32)
    idx = inputs.astype(jnp.int32)
    embeddings = jnp.take(shared_weights, idx, axis=0)
    embeddings = embeddings * mask[..., None]
    return embeddings

if __name__ == "__main__":
    import jax
    _d = setup_inputs()
    print(jax.jit(kernel)(*tuple(_d.values())))

</pallas_src>

<mosaic_0001>
#map = affine_map<(d0, d1) -> (0, 0)>
#map1 = affine_map<(d0, d1) -> (0)>
#map2 = affine_map<(d0, d1) -> (0, 0, 0, 0)>
module attributes {stable_mosaic.version = 14 : i64} {
  func.func @_emb_body(%arg0: i32, %arg1: i32, %arg2: memref<1000000x64xf32, #tpu.memory_space<hbm>>, %arg3: memref<819200xi32, #tpu.memory_space<hbm>>, %arg4: memref<200x8x32x1024xf32, #tpu.memory_space<hbm>>, %arg5: memref<128xi32, #tpu.memory_space<vmem>>, %arg6: memref<128xi32, #tpu.memory_space<vmem>>, %arg7: memref<128x64xf32, #tpu.memory_space<vmem>>, %arg8: memref<128x64xf32, #tpu.memory_space<vmem>>, %arg9: memref<2x1024xf32, #tpu.memory_space<vmem>>, %arg10: memref<2x1024xf32, #tpu.memory_space<vmem>>, %arg11: memref<2x1024xf32, #tpu.memory_space<vmem>>, %arg12: memref<2x1024xf32, #tpu.memory_space<vmem>>, %arg13: memref<2x1024xf32, #tpu.memory_space<vmem>>, %arg14: memref<2x1024xf32, #tpu.memory_space<vmem>>, %arg15: memref<2x1024xf32, #tpu.memory_space<vmem>>, %arg16: memref<2x1024xf32, #tpu.memory_space<vmem>>, %arg17: memref<!tpu.dma_semaphore, #tpu.memory_space<semaphore_mem>>, %arg18: memref<!tpu.dma_semaphore, #tpu.memory_space<semaphore_mem>>, %arg19: memref<!tpu.dma_semaphore, #tpu.memory_space<semaphore_mem>>, %arg20: memref<!tpu.dma_semaphore, #tpu.memory_space<semaphore_mem>>, %arg21: memref<!tpu.dma_semaphore, #tpu.memory_space<semaphore_mem>>, %arg22: memref<!tpu.dma_semaphore, #tpu.memory_space<semaphore_mem>>) attributes {dimension_semantics = [#tpu.dimension_semantics<core_parallel>, #tpu.dimension_semantics<subcore_parallel>], iteration_bounds = array<i64: 2, 16>, scalar_prefetch = 0 : i64, scratch_operands = 18 : i64, tpu.core_type = #tpu.core_type<sc_vector_subcore>, window_params = [{transform_indices = #map}, {transform_indices = #map1}, {transform_indices = #map2}]} {
    %mul3A = arith.constant 2 : i32
    %mul3A_0 = arith.muli %arg1, %mul3A : i32
    %add3A = arith.addi %mul3A_0, %arg0 : i32
    %mul3A_1 = arith.constant 200 : i32
    %mul3A_2 = arith.muli %add3A, %mul3A_1 : i32
    %iota3A = tpu.iota {dimensions = array<i32: 0>} : vector<16xi32>
    %jit3A = arith.constant 8 : i32
    %div3A = vector.broadcast %jit3A : i32 to vector<16xi32>
    %div3A_3 = arith.divsi %iota3A, %div3A : vector<16xi32>
    %sign3A = arith.constant 0 : i32
    %sign3A_4 = vector.broadcast %sign3A : i32 to vector<16xi32>
    %sign3A_5 = arith.cmpi sgt, %iota3A, %sign3A_4 : vector<16xi32>
    %sign3A_6 = arith.extui %sign3A_5 : vector<16xi1> to vector<16xi32>
    %sign3A_7 = arith.constant 0 : i32
    %sign3A_8 = vector.broadcast %sign3A_7 : i32 to vector<16xi32>
    %sign3A_9 = arith.cmpi slt, %iota3A, %sign3A_8 : vector<16xi32>
    %sign3A_10 = arith.extui %sign3A_9 : vector<16xi1> to vector<16xi32>
    %sign3A_11 = arith.subi %sign3A_6, %sign3A_10 : vector<16xi32>
    %sign3A_12 = arith.constant 0 : i32
    %sign3A_13 = arith.cmpi sgt, %jit3A, %sign3A_12 : i32
    %sign3A_14 = arith.extui %sign3A_13 : i1 to i32
    %sign3A_15 = arith.constant 0 : i32
    %sign3A_16 = arith.cmpi slt, %jit3A, %sign3A_15 : i32
    %sign3A_17 = arith.extui %sign3A_16 : i1 to i32
    %sign3A_18 = arith.subi %sign3A_14, %sign3A_17 : i32
    %ne3A = vector.broadcast %sign3A_18 : i32 to vector<16xi32>
    %ne3A_19 = arith.cmpi ne, %sign3A_11, %ne3A : vector<16xi32>
    %rem3A = vector.broadcast %jit3A : i32 to vector<16xi32>
    %rem3A_20 = arith.remsi %iota3A, %rem3A : vector<16xi32>
    %ne3A_21 = arith.constant 0 : i32
    %ne3A_22 = vector.broadcast %ne3A_21 : i32 to vector<16xi32>
    %ne3A_23 = arith.cmpi ne, %rem3A_20, %ne3A_22 : vector<16xi32>
    %and3A = arith.andi %ne3A_19, %ne3A_23 : vector<16xi1>
    %sub3A = arith.constant 1 : i32
    %sub3A_24 = vector.broadcast %sub3A : i32 to vector<16xi32>
    %sub3A_25 = arith.subi %div3A_3, %sub3A_24 : vector<16xi32>
    %select_n3A = arith.select %and3A, %sub3A_25, %div3A_3 : vector<16xi1>, vector<16xi32>
    %jit3A_26 = arith.constant 8 : i32
    %eq3A = arith.constant 0 : i32
    %eq3A_27 = arith.cmpi eq, %jit3A_26, %eq3A : i32
    %jit3A_28 = arith.constant 1 : i32
    %select_n3A_29 = arith.select %eq3A_27, %jit3A_28, %jit3A_26 : i32
    %rem3A_30 = vector.broadcast %select_n3A_29 : i32 to vector<16xi32>
    %rem3A_31 = arith.remsi %iota3A, %rem3A_30 : vector<16xi32>
    %ne3A_32 = arith.constant 0 : i32
    %ne3A_33 = vector.broadcast %ne3A_32 : i32 to vector<16xi32>
    %ne3A_34 = arith.cmpi ne, %rem3A_31, %ne3A_33 : vector<16xi32>
    %lt3A = arith.constant 0 : i32
    %lt3A_35 = vector.broadcast %lt3A : i32 to vector<16xi32>
    %lt3A_36 = arith.cmpi slt, %rem3A_31, %lt3A_35 : vector<16xi32>
    %lt3A_37 = arith.constant 0 : i32
    %lt3A_38 = arith.cmpi slt, %select_n3A_29, %lt3A_37 : i32
    %ne3A_39 = vector.broadcast %lt3A_38 : i1 to vector<16xi1>
    %ne3A_40 = vector.broadcast %ne3A_39 : vector<16xi1> to vector<16xi1>
    %ne3A_41 = arith.xori %lt3A_36, %ne3A_40 : vector<16xi1>
    %and3A_42 = arith.andi %ne3A_41, %ne3A_34 : vector<16xi1>
    %add3A_43 = vector.broadcast %select_n3A_29 : i32 to vector<16xi32>
    %add3A_44 = arith.addi %rem3A_31, %add3A_43 : vector<16xi32>
    %select_n3A_45 = arith.select %and3A_42, %add3A_44, %rem3A_31 : vector<16xi1>, vector<16xi32>
    %mul3A_46 = arith.constant 128 : i32
    %mul3A_47 = vector.broadcast %mul3A_46 : i32 to vector<16xi32>
    %mul3A_48 = arith.muli %select_n3A_45, %mul3A_47 : vector<16xi32>
    %add3A_49 = arith.constant 0 : i32
    %add3A_50 = arith.addi %mul3A_2, %add3A_49 : i32
    %jit3A_51 = arith.constant 32 : i32
    %div3A_52 = arith.divsi %add3A_50, %jit3A_51 : i32
    %sign3A_53 = arith.constant 0 : i32
    %sign3A_54 = arith.cmpi sgt, %add3A_50, %sign3A_53 : i32
    %sign3A_55 = arith.extui %sign3A_54 : i1 to i32
    %sign3A_56 = arith.constant 0 : i32
    %sign3A_57 = arith.cmpi slt, %add3A_50, %sign3A_56 : i32
    %sign3A_58 = arith.extui %sign3A_57 : i1 to i32
    %sign3A_59 = arith.subi %sign3A_55, %sign3A_58 : i32
    %sign3A_60 = arith.constant 0 : i32
    %sign3A_61 = arith.cmpi sgt, %jit3A_51, %sign3A_60 : i32
    %sign3A_62 = arith.extui %sign3A_61 : i1 to i32
    %sign3A_63 = arith.constant 0 : i32
    %sign3A_64 = arith.cmpi slt, %jit3A_51, %sign3A_63 : i32
    %sign3A_65 = arith.extui %sign3A_64 : i1 to i32
    %sign3A_66 = arith.subi %sign3A_62, %sign3A_65 : i32
    %ne3A_67 = arith.cmpi ne, %sign3A_59, %sign3A_66 : i32
    %rem3A_68 = arith.remsi %add3A_50, %jit3A_51 : i32
    %ne3A_69 = arith.constant 0 : i32
    %ne3A_70 = arith.cmpi ne, %rem3A_68, %ne3A_69 : i32
    %and3A_71 = arith.andi %ne3A_67, %ne3A_70 : i1
    %sub3A_72 = arith.constant 1 : i32
    %sub3A_73 = arith.subi %div3A_52, %sub3A_72 : i32
    %select_n3A_74 = arith.select %and3A_71, %sub3A_73, %div3A_52 : i32
    %jit3A_75 = arith.constant 32 : i32
    %eq3A_76 = arith.constant 0 : i32
    %eq3A_77 = arith.cmpi eq, %jit3A_75, %eq3A_76 : i32
    %jit3A_78 = arith.constant 1 : i32
    %select_n3A_79 = arith.select %eq3A_77, %jit3A_78, %jit3A_75 : i32
    %rem3A_80 = arith.remsi %add3A_50, %select_n3A_79 : i32
    %ne3A_81 = arith.constant 0 : i32
    %ne3A_82 = arith.cmpi ne, %rem3A_80, %ne3A_81 : i32
    %lt3A_83 = arith.constant 0 : i32
    %lt3A_84 = arith.cmpi slt, %rem3A_80, %lt3A_83 : i32
    %lt3A_85 = arith.constant 0 : i32
    %lt3A_86 = arith.cmpi slt, %select_n3A_79, %lt3A_85 : i32
    %ne3A_87 = arith.xori %lt3A_84, %lt3A_86 : i1
    %and3A_88 = arith.andi %ne3A_87, %ne3A_82 : i1
    %add3A_89 = arith.addi %rem3A_80, %select_n3A_79 : i32
    %select_n3A_90 = arith.select %and3A_88, %add3A_89, %rem3A_80 : i32
    %mul3A_91 = arith.constant 4096 : i32
    %mul3A_92 = arith.muli %select_n3A_74, %mul3A_91 : i32
    %mul3A_93 = arith.constant 128 : i32
    %mul3A_94 = arith.muli %select_n3A_90, %mul3A_93 : i32
    %add3A_95 = arith.addi %mul3A_92, %mul3A_94 : i32
    %dma_start3A = tpu.memref_slice %arg3[%add3A_95] : memref<819200xi32, #tpu.memory_space<hbm>> -> memref<128xi32, #tpu.memory_space<hbm>>
    %dma_start3A_96 = tpu.memref_slice %arg3[%add3A_95] : memref<819200xi32, #tpu.memory_space<hbm>> -> memref<128xi32, #tpu.memory_space<hbm>>
    tpu.enqueue_dma source(%dma_start3A_96 : memref<128xi32, #tpu.memory_space<hbm>>) target(%arg5 : memref<128xi32, #tpu.memory_space<vmem>>) target_semaphore(%arg17 : memref<!tpu.dma_semaphore, #tpu.memory_space<semaphore_mem>>)
    %add3A_97 = arith.constant 1 : i32
    %add3A_98 = arith.addi %mul3A_2, %add3A_97 : i32
    %jit3A_99 = arith.constant 32 : i32
    %div3A_100 = arith.divsi %add3A_98, %jit3A_99 : i32
    %sign3A_101 = arith.constant 0 : i32
    %sign3A_102 = arith.cmpi sgt, %add3A_98, %sign3A_101 : i32
    %sign3A_103 = arith.extui %sign3A_102 : i1 to i32
    %sign3A_104 = arith.constant 0 : i32
    %sign3A_105 = arith.cmpi slt, %add3A_98, %sign3A_104 : i32
    %sign3A_106 = arith.extui %sign3A_105 : i1 to i32
    %sign3A_107 = arith.subi %sign3A_103, %sign3A_106 : i32
    %sign3A_108 = arith.constant 0 : i32
    %sign3A_109 = arith.cmpi sgt, %jit3A_99, %sign3A_108 : i32
    %sign3A_110 = arith.extui %sign3A_109 : i1 to i32
    %sign3A_111 = arith.constant 0 : i32
    %sign3A_112 = arith.cmpi slt, %jit3A_99, %sign3A_111 : i32
    %sign3A_113 = arith.extui %sign3A_112 : i1 to i32
    %sign3A_114 = arith.subi %sign3A_110, %sign3A_113 : i32
    %ne3A_115 = arith.cmpi ne, %sign3A_107, %sign3A_114 : i32
    %rem3A_116 = arith.remsi %add3A_98, %jit3A_99 : i32
    %ne3A_117 = arith.constant 0 : i32
    %ne3A_118 = arith.cmpi ne, %rem3A_116, %ne3A_117 : i32
    %and3A_119 = arith.andi %ne3A_115, %ne3A_118 : i1
    %sub3A_120 = arith.constant 1 : i32
    %sub3A_121 = arith.subi %div3A_100, %sub3A_120 : i32
    %select_n3A_122 = arith.select %and3A_119, %sub3A_121, %div3A_100 : i32
    %jit3A_123 = arith.constant 32 : i32
    %eq3A_124 = arith.constant 0 : i32
    %eq3A_125 = arith.cmpi eq, %jit3A_123, %eq3A_124 : i32
    %jit3A_126 = arith.constant 1 : i32
    %select_n3A_127 = arith.select %eq3A_125, %jit3A_126, %jit3A_123 : i32
    %rem3A_128 = arith.remsi %add3A_98, %select_n3A_127 : i32
    %ne3A_129 = arith.constant 0 : i32
    %ne3A_130 = arith.cmpi ne, %rem3A_128, %ne3A_129 : i32
    %lt3A_131 = arith.constant 0 : i32
    %lt3A_132 = arith.cmpi slt, %rem3A_128, %lt3A_131 : i32
    %lt3A_133 = arith.constant 0 : i32
    %lt3A_134 = arith.cmpi slt, %select_n3A_127, %lt3A_133 : i32
    %ne3A_135 = arith.xori %lt3A_132, %lt3A_134 : i1
    %and3A_136 = arith.andi %ne3A_135, %ne3A_130 : i1
    %add3A_137 = arith.addi %rem3A_128, %select_n3A_127 : i32
    %select_n3A_138 = arith.select %and3A_136, %add3A_137, %rem3A_128 : i32
    %mul3A_139 = arith.constant 4096 : i32
    %mul3A_140 = arith.muli %select_n3A_122, %mul3A_139 : i32
    %mul3A_141 = arith.constant 128 : i32
    %mul3A_142 = arith.muli %select_n3A_138, %mul3A_141 : i32
    %add3A_143 = arith.addi %mul3A_140, %mul3A_142 : i32
    %dma_start3A_144 = tpu.memref_slice %arg3[%add3A_143] : memref<819200xi32, #tpu.memory_space<hbm>> -> memref<128xi32, #tpu.memory_space<hbm>>
    %dma_start3A_145 = tpu.memref_slice %arg3[%add3A_143] : memref<819200xi32, #tpu.memory_space<hbm>> -> memref<128xi32, #tpu.memory_space<hbm>>
    tpu.enqueue_dma source(%dma_start3A_145 : memref<128xi32, #tpu.memory_space<hbm>>) target(%arg6 : memref<128xi32, #tpu.memory_space<vmem>>) target_semaphore(%arg18 : memref<!tpu.dma_semaphore, #tpu.memory_space<semaphore_mem>>)
    %add3A_146 = arith.constant 0 : i32
    %add3A_147 = arith.addi %mul3A_2, %add3A_146 : i32
    %jit3A_148 = arith.constant 32 : i32
    %div3A_149 = arith.divsi %add3A_147, %jit3A_148 : i32
    %sign3A_150 = arith.constant 0 : i32
    %sign3A_151 = arith.cmpi sgt, %add3A_147, %sign3A_150 : i32
    %sign3A_152 = arith.extui %sign3A_151 : i1 to i32
    %sign3A_153 = arith.constant 0 : i32
    %sign3A_154 = arith.cmpi slt, %add3A_147, %sign3A_153 : i32
    %sign3A_155 = arith.extui %sign3A_154 : i1 to i32
    %sign3A_156 = arith.subi %sign3A_152, %sign3A_155 : i32
    %sign3A_157 = arith.constant 0 : i32
    %sign3A_158 = arith.cmpi sgt, %jit3A_148, %sign3A_157 : i32
    %sign3A_159 = arith.extui %sign3A_158 : i1 to i32
    %sign3A_160 = arith.constant 0 : i32
    %sign3A_161 = arith.cmpi slt, %jit3A_148, %sign3A_160 : i32
    %sign3A_162 = arith.extui %sign3A_161 : i1 to i32
    %sign3A_163 = arith.subi %sign3A_159, %sign3A_162 : i32
    %ne3A_164 = arith.cmpi ne, %sign3A_156, %sign3A_163 : i32
    %rem3A_165 = arith.remsi %add3A_147, %jit3A_148 : i32
    %ne3A_166 = arith.constant 0 : i32
    %ne3A_167 = arith.cmpi ne, %rem3A_165, %ne3A_166 : i32
    %and3A_168 = arith.andi %ne3A_164, %ne3A_167 : i1
    %sub3A_169 = arith.constant 1 : i32
    %sub3A_170 = arith.subi %div3A_149, %sub3A_169 : i32
    %select_n3A_171 = arith.select %and3A_168, %sub3A_170, %div3A_149 : i32
    %jit3A_172 = arith.constant 32 : i32
    %eq3A_173 = arith.constant 0 : i32
    %eq3A_174 = arith.cmpi eq, %jit3A_172, %eq3A_173 : i32
    %jit3A_175 = arith.constant 1 : i32
    %select_n3A_176 = arith.select %eq3A_174, %jit3A_175, %jit3A_172 : i32
    %rem3A_177 = arith.remsi %add3A_147, %select_n3A_176 : i32
    %ne3A_178 = arith.constant 0 : i32
    %ne3A_179 = arith.cmpi ne, %rem3A_177, %ne3A_178 : i32
    %lt3A_180 = arith.constant 0 : i32
    %lt3A_181 = arith.cmpi slt, %rem3A_177, %lt3A_180 : i32
    %lt3A_182 = arith.constant 0 : i32
    %lt3A_183 = arith.cmpi slt, %select_n3A_176, %lt3A_182 : i32
    %ne3A_184 = arith.xori %lt3A_181, %lt3A_183 : i1
    %and3A_185 = arith.andi %ne3A_184, %ne3A_179 : i1
    %add3A_186 = arith.addi %rem3A_177, %select_n3A_176 : i32
    %select_n3A_187 = arith.select %and3A_185, %add3A_186, %rem3A_177 : i32
    %mul3A_188 = arith.constant 4096 : i32
    %mul3A_189 = arith.muli %select_n3A_171, %mul3A_188 : i32
    %mul3A_190 = arith.constant 128 : i32
    %mul3A_191 = arith.muli %select_n3A_187, %mul3A_190 : i32
    %add3A_192 = arith.addi %mul3A_189, %mul3A_191 : i32
    %dma_wait3A = tpu.memref_slice %arg3[%add3A_192] : memref<819200xi32, #tpu.memory_space<hbm>> -> memref<128xi32, #tpu.memory_space<hbm>>
    %dma_wait3A_193 = tpu.memref_slice %arg3[%add3A_192] : memref<819200xi32, #tpu.memory_space<hbm>> -> memref<128xi32, #tpu.memory_space<hbm>>
    tpu.wait_dma2 semaphore(%arg17 : memref<!tpu.dma_semaphore, #tpu.memory_space<semaphore_mem>>) src(%dma_wait3A_193 : memref<128xi32, #tpu.memory_space<hbm>>) dst(%arg5 : memref<128xi32, #tpu.memory_space<vmem>>)
    %dma_start3A_194 = arith.constant 0 : i32
    %dma_start3A_195 = arith.constant 0 : i32
    %dma_start3A_196 = tpu.memref_slice %arg2[%dma_start3A_194, %dma_start3A_195] : memref<1000000x64xf32, #tpu.memory_space<hbm>> -> memref<1000000x64xf32, #tpu.memory_space<hbm>>
    tpu.enqueue_indirect_dma source(%dma_start3A_196 : memref<1000000x64xf32, #tpu.memory_space<hbm>>) target(%arg7 : memref<128x64xf32, #tpu.memory_space<vmem>>) offsets(%arg5 : memref<128xi32, #tpu.memory_space<vmem>>) semaphore(%arg19 : memref<!tpu.dma_semaphore, #tpu.memory_space<semaphore_mem>>)
    %scan3A = arith.constant 0 : i32
    %scan3A_197 = arith.constant 0 : i32
    %scan3A_198 = arith.constant 100 : i32
    %scan3A_199 = arith.addi %scan3A_197, %scan3A_198 : i32
    %scan3A_200 = arith.constant 1 : i32
    scf.for %scan3A_602 = %scan3A_197 to %scan3A_199 step %scan3A_200  : i32 {
      %mul3A_603 = arith.constant 2 : i32
      %mul3A_604 = arith.muli %scan3A_602, %mul3A_603 : i32
      %dma_wait3A_605 = arith.constant 0 : i32
      %dma_wait3A_606 = arith.constant 0 : i32
      %dma_wait3A_607 = tpu.memref_slice %arg2[%dma_wait3A_605, %dma_wait3A_606] : memref<1000000x64xf32, #tpu.memory_space<hbm>> -> memref<1000000x64xf32, #tpu.memory_space<hbm>>
      tpu.wait_indirect_dma semaphore(%arg19 : memref<!tpu.dma_semaphore, #tpu.memory_space<semaphore_mem>>) src(%dma_wait3A_607 : memref<1000000x64xf32, #tpu.memory_space<hbm>>) dst(%arg7 : memref<128x64xf32, #tpu.memory_space<vmem>>)
      %add3A_608 = arith.constant 2 : i32
      %add3A_609 = arith.addi %mul3A_604, %add3A_608 : i32
      %lt3A_610 = arith.constant 200 : i32
      %lt3A_611 = arith.cmpi slt, %add3A_609, %lt3A_610 : i32
      %convert_element_type3A = arith.extui %lt3A_611 : i1 to i32
      %cond3A = arith.constant 0 : i32
      %cond3A_612 = arith.cmpi ne, %convert_element_type3A, %cond3A : i32
      scf.if %cond3A_612 {
        %add3A_1087 = arith.constant 2 : i32
        %add3A_1088 = arith.addi %mul3A_604, %add3A_1087 : i32
        %add3A_1089 = arith.addi %mul3A_2, %add3A_1088 : i32
        %jit3A_1090 = arith.constant 32 : i32
        %div3A_1091 = arith.divsi %add3A_1089, %jit3A_1090 : i32
        %sign3A_1092 = arith.constant 0 : i32
        %sign3A_1093 = arith.cmpi sgt, %add3A_1089, %sign3A_1092 : i32
        %sign3A_1094 = arith.extui %sign3A_1093 : i1 to i32
        %sign3A_1095 = arith.constant 0 : i32
        %sign3A_1096 = arith.cmpi slt, %add3A_1089, %sign3A_1095 : i32
        %sign3A_1097 = arith.extui %sign3A_1096 : i1 to i32
        %sign3A_1098 = arith.subi %sign3A_1094, %sign3A_1097 : i32
        %sign3A_1099 = arith.constant 0 : i32
        %sign3A_1100 = arith.cmpi sgt, %jit3A_1090, %sign3A_1099 : i32
        %sign3A_1101 = arith.extui %sign3A_1100 : i1 to i32
        %sign3A_1102 = arith.constant 0 : i32
        %sign3A_1103 = arith.cmpi slt, %jit3A_1090, %sign3A_1102 : i32
        %sign3A_1104 = arith.extui %sign3A_1103 : i1 to i32
        %sign3A_1105 = arith.subi %sign3A_1101, %sign3A_1104 : i32
        %ne3A_1106 = arith.cmpi ne, %sign3A_1098, %sign3A_1105 : i32
        %rem3A_1107 = arith.remsi %add3A_1089, %jit3A_1090 : i32
        %ne3A_1108 = arith.constant 0 : i32
        %ne3A_1109 = arith.cmpi ne, %rem3A_1107, %ne3A_1108 : i32
        %and3A_1110 = arith.andi %ne3A_1106, %ne3A_1109 : i1
        %sub3A_1111 = arith.constant 1 : i32
        %sub3A_1112 = arith.subi %div3A_1091, %sub3A_1111 : i32
        %select_n3A_1113 = arith.select %and3A_1110, %sub3A_1112, %div3A_1091 : i32
        %jit3A_1114 = arith.constant 32 : i32
        %eq3A_1115 = arith.constant 0 : i32
        %eq3A_1116 = arith.cmpi eq, %jit3A_1114, %eq3A_1115 : i32
        %jit3A_1117 = arith.constant 1 : i32
        %select_n3A_1118 = arith.select %eq3A_1116, %jit3A_1117, %jit3A_1114 : i32
        %rem3A_1119 = arith.remsi %add3A_1089, %select_n3A_1118 : i32
        %ne3A_1120 = arith.constant 0 : i32
        %ne3A_1121 = arith.cmpi ne, %rem3A_1119, %ne3A_1120 : i32
        %lt3A_1122 = arith.constant 0 : i32
        %lt3A_1123 = arith.cmpi slt, %rem3A_1119, %lt3A_1122 : i32
        %lt3A_1124 = arith.constant 0 : i32
        %lt3A_1125 = arith.cmpi slt, %select_n3A_1118, %lt3A_1124 : i32
        %ne3A_1126 = arith.xori %lt3A_1123, %lt3A_1125 : i1
        %and3A_1127 = arith.andi %ne3A_1126, %ne3A_1121 : i1
        %add3A_1128 = arith.addi %rem3A_1119, %select_n3A_1118 : i32
        %select_n3A_1129 = arith.select %and3A_1127, %add3A_1128, %rem3A_1119 : i32
        %mul3A_1130 = arith.constant 4096 : i32
        %mul3A_1131 = arith.muli %select_n3A_1113, %mul3A_1130 : i32
        %mul3A_1132 = arith.constant 128 : i32
        %mul3A_1133 = arith.muli %select_n3A_1129, %mul3A_1132 : i32
        %add3A_1134 = arith.addi %mul3A_1131, %mul3A_1133 : i32
        %dma_start3A_1135 = tpu.memref_slice %arg3[%add3A_1134] : memref<819200xi32, #tpu.memory_space<hbm>> -> memref<128xi32, #tpu.memory_space<hbm>>
        %dma_start3A_1136 = tpu.memref_slice %arg3[%add3A_1134] : memref<819200xi32, #tpu.memory_space<hbm>> -> memref<128xi32, #tpu.memory_space<hbm>>
        tpu.enqueue_dma source(%dma_start3A_1136 : memref<128xi32, #tpu.memory_space<hbm>>) target(%arg5 : memref<128xi32, #tpu.memory_space<vmem>>) target_semaphore(%arg17 : memref<!tpu.dma_semaphore, #tpu.memory_space<semaphore_mem>>)
      } else {
      }
      %add3A_613 = arith.constant 1 : i32
      %add3A_614 = arith.addi %mul3A_604, %add3A_613 : i32
      %lt3A_615 = arith.constant 200 : i32
      %lt3A_616 = arith.cmpi slt, %add3A_614, %lt3A_615 : i32
      %convert_element_type3A_617 = arith.extui %lt3A_616 : i1 to i32
      %cond3A_618 = arith.constant 0 : i32
      %cond3A_619 = arith.cmpi ne, %convert_element_type3A_617, %cond3A_618 : i32
      scf.if %cond3A_619 {
        %add3A_1087 = arith.constant 1 : i32
        %add3A_1088 = arith.addi %mul3A_604, %add3A_1087 : i32
        %add3A_1089 = arith.addi %mul3A_2, %add3A_1088 : i32
        %jit3A_1090 = arith.constant 32 : i32
        %div3A_1091 = arith.divsi %add3A_1089, %jit3A_1090 : i32
        %sign3A_1092 = arith.constant 0 : i32
        %sign3A_1093 = arith.cmpi sgt, %add3A_1089, %sign3A_1092 : i32
        %sign3A_1094 = arith.extui %sign3A_1093 : i1 to i32
        %sign3A_1095 = arith.constant 0 : i32
        %sign3A_1096 = arith.cmpi slt, %add3A_1089, %sign3A_1095 : i32
        %sign3A_1097 = arith.extui %sign3A_1096 : i1 to i32
        %sign3A_1098 = arith.subi %sign3A_1094, %sign3A_1097 : i32
        %sign3A_1099 = arith.constant 0 : i32
        %sign3A_1100 = arith.cmpi sgt, %jit3A_1090, %sign3A_1099 : i32
        %sign3A_1101 = arith.extui %sign3A_1100 : i1 to i32
        %sign3A_1102 = arith.constant 0 : i32
        %sign3A_1103 = arith.cmpi slt, %jit3A_1090, %sign3A_1102 : i32
        %sign3A_1104 = arith.extui %sign3A_1103 : i1 to i32
        %sign3A_1105 = arith.subi %sign3A_1101, %sign3A_1104 : i32
        %ne3A_1106 = arith.cmpi ne, %sign3A_1098, %sign3A_1105 : i32
        %rem3A_1107 = arith.remsi %add3A_1089, %jit3A_1090 : i32
        %ne3A_1108 = arith.constant 0 : i32
        %ne3A_1109 = arith.cmpi ne, %rem3A_1107, %ne3A_1108 : i32
        %and3A_1110 = arith.andi %ne3A_1106, %ne3A_1109 : i1
        %sub3A_1111 = arith.constant 1 : i32
        %sub3A_1112 = arith.subi %div3A_1091, %sub3A_1111 : i32
        %select_n3A_1113 = arith.select %and3A_1110, %sub3A_1112, %div3A_1091 : i32
        %jit3A_1114 = arith.constant 32 : i32
        %eq3A_1115 = arith.constant 0 : i32
        %eq3A_1116 = arith.cmpi eq, %jit3A_1114, %eq3A_1115 : i32
        %jit3A_1117 = arith.constant 1 : i32
        %select_n3A_1118 = arith.select %eq3A_1116, %jit3A_1117, %jit3A_1114 : i32
        %rem3A_1119 = arith.remsi %add3A_1089, %select_n3A_1118 : i32
        %ne3A_1120 = arith.constant 0 : i32
        %ne3A_1121 = arith.cmpi ne, %rem3A_1119, %ne3A_1120 : i32
        %lt3A_1122 = arith.constant 0 : i32
        %lt3A_1123 = arith.cmpi slt, %rem3A_1119, %lt3A_1122 : i32
        %lt3A_1124 = arith.constant 0 : i32
        %lt3A_1125 = arith.cmpi slt, %select_n3A_1118, %lt3A_1124 : i32
        %ne3A_1126 = arith.xori %lt3A_1123, %lt3A_1125 : i1
        %and3A_1127 = arith.andi %ne3A_1126, %ne3A_1121 : i1
        %add3A_1128 = arith.addi %rem3A_1119, %select_n3A_1118 : i32
        %select_n3A_1129 = arith.select %and3A_1127, %add3A_1128, %rem3A_1119 : i32
        %mul3A_1130 = arith.constant 4096 : i32
        %mul3A_1131 = arith.muli %select_n3A_1113, %mul3A_1130 : i32
        %mul3A_1132 = arith.constant 128 : i32
        %mul3A_1133 = arith.muli %select_n3A_1129, %mul3A_1132 : i32
        %add3A_1134 = arith.addi %mul3A_1131, %mul3A_1133 : i32
        %dma_wait3A_1135 = tpu.memref_slice %arg3[%add3A_1134] : memref<819200xi32, #tpu.memory_space<hbm>> -> memref<128xi32, #tpu.memory_space<hbm>>
        %dma_wait3A_1136 = tpu.memref_slice %arg3[%add3A_1134] : memref<819200xi32, #tpu.memory_space<hbm>> -> memref<128xi32, #tpu.memory_space<hbm>>
        tpu.wait_dma2 semaphore(%arg18 : memref<!tpu.dma_semaphore, #tpu.memory_space<semaphore_mem>>) src(%dma_wait3A_1136 : memref<128xi32, #tpu.memory_space<hbm>>) dst(%arg6 : memref<128xi32, #tpu.memory_space<vmem>>)
        %dma_start3A_1137 = arith.constant 0 : i32
        %dma_start3A_1138 = arith.constant 0 : i32
        %dma_start3A_1139 = tpu.memref_slice %arg2[%dma_start3A_1137, %dma_start3A_1138] : memref<1000000x64xf32, #tpu.memory_space<hbm>> -> memref<1000000x64xf32, #tpu.memory_space<hbm>>
        tpu.enqueue_indirect_dma source(%dma_start3A_1139 : memref<1000000x64xf32, #tpu.memory_space<hbm>>) target(%arg8 : memref<128x64xf32, #tpu.memory_space<vmem>>) offsets(%arg6 : memref<128xi32, #tpu.memory_space<vmem>>) semaphore(%arg20 : memref<!tpu.dma_semaphore, #tpu.memory_space<semaphore_mem>>)
      } else {
      }
      %ge3A = arith.constant 2 : i32
      %ge3A_620 = arith.cmpi sge, %mul3A_604, %ge3A : i32
      %convert_element_type3A_621 = arith.extui %ge3A_620 : i1 to i32
      %cond3A_622 = arith.constant 0 : i32
      %cond3A_623 = arith.cmpi ne, %convert_element_type3A_621, %cond3A_622 : i32
      scf.if %cond3A_623 {
        %sub3A_1087 = arith.constant 2 : i32
        %sub3A_1088 = arith.subi %mul3A_604, %sub3A_1087 : i32
        %add3A_1089 = arith.addi %mul3A_2, %sub3A_1088 : i32
        %jit3A_1090 = arith.constant 32 : i32
        %div3A_1091 = arith.divsi %add3A_1089, %jit3A_1090 : i32
        %sign3A_1092 = arith.constant 0 : i32
        %sign3A_1093 = arith.cmpi sgt, %add3A_1089, %sign3A_1092 : i32
        %sign3A_1094 = arith.extui %sign3A_1093 : i1 to i32
        %sign3A_1095 = arith.constant 0 : i32
        %sign3A_1096 = arith.cmpi slt, %add3A_1089, %sign3A_1095 : i32
        %sign3A_1097 = arith.extui %sign3A_1096 : i1 to i32
        %sign3A_1098 = arith.subi %sign3A_1094, %sign3A_1097 : i32
        %sign3A_1099 = arith.constant 0 : i32
        %sign3A_1100 = arith.cmpi sgt, %jit3A_1090, %sign3A_1099 : i32
        %sign3A_1101 = arith.extui %sign3A_1100 : i1 to i32
        %sign3A_1102 = arith.constant 0 : i32
        %sign3A_1103 = arith.cmpi slt, %jit3A_1090, %sign3A_1102 : i32
        %sign3A_1104 = arith.extui %sign3A_1103 : i1 to i32
        %sign3A_1105 = arith.subi %sign3A_1101, %sign3A_1104 : i32
        %ne3A_1106 = arith.cmpi ne, %sign3A_1098, %sign3A_1105 : i32
        %rem3A_1107 = arith.remsi %add3A_1089, %jit3A_1090 : i32
        %ne3A_1108 = arith.constant 0 : i32
        %ne3A_1109 = arith.cmpi ne, %rem3A_1107, %ne3A_1108 : i32
        %and3A_1110 = arith.andi %ne3A_1106, %ne3A_1109 : i1
        %sub3A_1111 = arith.constant 1 : i32
        %sub3A_1112 = arith.subi %div3A_1091, %sub3A_1111 : i32
        %select_n3A_1113 = arith.select %and3A_1110, %sub3A_1112, %div3A_1091 : i32
        %jit3A_1114 = arith.constant 32 : i32
        %eq3A_1115 = arith.constant 0 : i32
        %eq3A_1116 = arith.cmpi eq, %jit3A_1114, %eq3A_1115 : i32
        %jit3A_1117 = arith.constant 1 : i32
        %select_n3A_1118 = arith.select %eq3A_1116, %jit3A_1117, %jit3A_1114 : i32
        %rem3A_1119 = arith.remsi %add3A_1089, %select_n3A_1118 : i32
        %ne3A_1120 = arith.constant 0 : i32
        %ne3A_1121 = arith.cmpi ne, %rem3A_1119, %ne3A_1120 : i32
        %lt3A_1122 = arith.constant 0 : i32
        %lt3A_1123 = arith.cmpi slt, %rem3A_1119, %lt3A_1122 : i32
        %lt3A_1124 = arith.constant 0 : i32
        %lt3A_1125 = arith.cmpi slt, %select_n3A_1118, %lt3A_1124 : i32
        %ne3A_1126 = arith.xori %lt3A_1123, %lt3A_1125 : i1
        %and3A_1127 = arith.andi %ne3A_1126, %ne3A_1121 : i1
        %add3A_1128 = arith.addi %rem3A_1119, %select_n3A_1118 : i32
        %select_n3A_1129 = arith.select %and3A_1127, %add3A_1128, %rem3A_1119 : i32
        %dma_wait3A_1130 = arith.constant 0 : i32
        %dma_wait3A_1131 = arith.constant 0 : i32
        %dma_wait3A_1132 = tpu.memref_slice %arg4[%select_n3A_1113, %dma_wait3A_1130, %select_n3A_1129, %dma_wait3A_1131] : memref<200x8x32x1024xf32, #tpu.memory_space<hbm>> -> memref<1x2x1x1024xf32, #tpu.memory_space<hbm>>
        %dma_wait3A_1133 = tpu.memref_squeeze %dma_wait3A_1132 : memref<1x2x1x1024xf32, #tpu.memory_space<hbm>> -> memref<2x1024xf32, #tpu.memory_space<hbm>>
        %dma_wait3A_1134 = arith.constant 0 : i32
        %dma_wait3A_1135 = arith.constant 0 : i32
        %dma_wait3A_1136 = tpu.memref_slice %arg4[%select_n3A_1113, %dma_wait3A_1134, %select_n3A_1129, %dma_wait3A_1135] : memref<200x8x32x1024xf32, #tpu.memory_space<hbm>> -> memref<1x2x1x1024xf32, #tpu.memory_space<hbm>>
        %dma_wait3A_1137 = tpu.memref_squeeze %dma_wait3A_1136 : memref<1x2x1x1024xf32, #tpu.memory_space<hbm>> -> memref<2x1024xf32, #tpu.memory_space<hbm>>
        tpu.wait_dma2 semaphore(%arg21 : memref<!tpu.dma_semaphore, #tpu.memory_space<semaphore_mem>>) src(%arg9 : memref<2x1024xf32, #tpu.memory_space<vmem>>) dst(%dma_wait3A_1137 : memref<2x1024xf32, #tpu.memory_space<hbm>>)
        %add3A_1138 = arith.addi %mul3A_2, %sub3A_1088 : i32
        %jit3A_1139 = arith.constant 32 : i32
        %div3A_1140 = arith.divsi %add3A_1138, %jit3A_1139 : i32
        %sign3A_1141 = arith.constant 0 : i32
        %sign3A_1142 = arith.cmpi sgt, %add3A_1138, %sign3A_1141 : i32
        %sign3A_1143 = arith.extui %sign3A_1142 : i1 to i32
        %sign3A_1144 = arith.constant 0 : i32
        %sign3A_1145 = arith.cmpi slt, %add3A_1138, %sign3A_1144 : i32
        %sign3A_1146 = arith.extui %sign3A_1145 : i1 to i32
        %sign3A_1147 = arith.subi %sign3A_1143, %sign3A_1146 : i32
        %sign3A_1148 = arith.constant 0 : i32
        %sign3A_1149 = arith.cmpi sgt, %jit3A_1139, %sign3A_1148 : i32
        %sign3A_1150 = arith.extui %sign3A_1149 : i1 to i32
        %sign3A_1151 = arith.constant 0 : i32
        %sign3A_1152 = arith.cmpi slt, %jit3A_1139, %sign3A_1151 : i32
        %sign3A_1153 = arith.extui %sign3A_1152 : i1 to i32
        %sign3A_1154 = arith.subi %sign3A_1150, %sign3A_1153 : i32
        %ne3A_1155 = arith.cmpi ne, %sign3A_1147, %sign3A_1154 : i32
        %rem3A_1156 = arith.remsi %add3A_1138, %jit3A_1139 : i32
        %ne3A_1157 = arith.constant 0 : i32
        %ne3A_1158 = arith.cmpi ne, %rem3A_1156, %ne3A_1157 : i32
        %and3A_1159 = arith.andi %ne3A_1155, %ne3A_1158 : i1
        %sub3A_1160 = arith.constant 1 : i32
        %sub3A_1161 = arith.subi %div3A_1140, %sub3A_1160 : i32
        %select_n3A_1162 = arith.select %and3A_1159, %sub3A_1161, %div3A_1140 : i32
        %jit3A_1163 = arith.constant 32 : i32
        %eq3A_1164 = arith.constant 0 : i32
        %eq3A_1165 = arith.cmpi eq, %jit3A_1163, %eq3A_1164 : i32
        %jit3A_1166 = arith.constant 1 : i32
        %select_n3A_1167 = arith.select %eq3A_1165, %jit3A_1166, %jit3A_1163 : i32
        %rem3A_1168 = arith.remsi %add3A_1138, %select_n3A_1167 : i32
        %ne3A_1169 = arith.constant 0 : i32
        %ne3A_1170 = arith.cmpi ne, %rem3A_1168, %ne3A_1169 : i32
        %lt3A_1171 = arith.constant 0 : i32
        %lt3A_1172 = arith.cmpi slt, %rem3A_1168, %lt3A_1171 : i32
        %lt3A_1173 = arith.constant 0 : i32
        %lt3A_1174 = arith.cmpi slt, %select_n3A_1167, %lt3A_1173 : i32
        %ne3A_1175 = arith.xori %lt3A_1172, %lt3A_1174 : i1
        %and3A_1176 = arith.andi %ne3A_1175, %ne3A_1170 : i1
        %add3A_1177 = arith.addi %rem3A_1168, %select_n3A_1167 : i32
        %select_n3A_1178 = arith.select %and3A_1176, %add3A_1177, %rem3A_1168 : i32
        %dma_wait3A_1179 = arith.constant 2 : i32
        %dma_wait3A_1180 = arith.constant 0 : i32
        %dma_wait3A_1181 = tpu.memref_slice %arg4[%select_n3A_1162, %dma_wait3A_1179, %select_n3A_1178, %dma_wait3A_1180] : memref<200x8x32x1024xf32, #tpu.memory_space<hbm>> -> memref<1x2x1x1024xf32, #tpu.memory_space<hbm>>
        %dma_wait3A_1182 = tpu.memref_squeeze %dma_wait3A_1181 : memref<1x2x1x1024xf32, #tpu.memory_space<hbm>> -> memref<2x1024xf32, #tpu.memory_space<hbm>>
        %dma_wait3A_1183 = arith.constant 2 : i32
        %dma_wait3A_1184 = arith.constant 0 : i32
        %dma_wait3A_1185 = tpu.memref_slice %arg4[%select_n3A_1162, %dma_wait3A_1183, %select_n3A_1178, %dma_wait3A_1184] : memref<200x8x32x1024xf32, #tpu.memory_space<hbm>> -> memref<1x2x1x1024xf32, #tpu.memory_space<hbm>>
        %dma_wait3A_1186 = tpu.memref_squeeze %dma_wait3A_1185 : memref<1x2x1x1024xf32, #tpu.memory_space<hbm>> -> memref<2x1024xf32, #tpu.memory_space<hbm>>
        tpu.wait_dma2 semaphore(%arg21 : memref<!tpu.dma_semaphore, #tpu.memory_space<semaphore_mem>>) src(%arg10 : memref<2x1024xf32, #tpu.memory_space<vmem>>) dst(%dma_wait3A_1186 : memref<2x1024xf32, #tpu.memory_space<hbm>>)
        %add3A_1187 = arith.addi %mul3A_2, %sub3A_1088 : i32
        %jit3A_1188 = arith.constant 32 : i32
        %div3A_1189 = arith.divsi %add3A_1187, %jit3A_1188 : i32
        %sign3A_1190 = arith.constant 0 : i32
        %sign3A_1191 = arith.cmpi sgt, %add3A_1187, %sign3A_1190 : i32
        %sign3A_1192 = arith.extui %sign3A_1191 : i1 to i32
        %sign3A_1193 = arith.constant 0 : i32
        %sign3A_1194 = arith.cmpi slt, %add3A_1187, %sign3A_1193 : i32
        %sign3A_1195 = arith.extui %sign3A_1194 : i1 to i32
        %sign3A_1196 = arith.subi %sign3A_1192, %sign3A_1195 : i32
        %sign3A_1197 = arith.constant 0 : i32
        %sign3A_1198 = arith.cmpi sgt, %jit3A_1188, %sign3A_1197 : i32
        %sign3A_1199 = arith.extui %sign3A_1198 : i1 to i32
        %sign3A_1200 = arith.constant 0 : i32
        %sign3A_1201 = arith.cmpi slt, %jit3A_1188, %sign3A_1200 : i32
        %sign3A_1202 = arith.extui %sign3A_1201 : i1 to i32
        %sign3A_1203 = arith.subi %sign3A_1199, %sign3A_1202 : i32
        %ne3A_1204 = arith.cmpi ne, %sign3A_1196, %sign3A_1203 : i32
        %rem3A_1205 = arith.remsi %add3A_1187, %jit3A_1188 : i32
        %ne3A_1206 = arith.constant 0 : i32
        %ne3A_1207 = arith.cmpi ne, %rem3A_1205, %ne3A_1206 : i32
        %and3A_1208 = arith.andi %ne3A_1204, %ne3A_1207 : i1
        %sub3A_1209 = arith.constant 1 : i32
        %sub3A_1210 = arith.subi %div3A_1189, %sub3A_1209 : i32
        %select_n3A_1211 = arith.select %and3A_1208, %sub3A_1210, %div3A_1189 : i32
        %jit3A_1212 = arith.constant 32 : i32
        %eq3A_1213 = arith.constant 0 : i32
        %eq3A_1214 = arith.cmpi eq, %jit3A_1212, %eq3A_1213 : i32
        %jit3A_1215 = arith.constant 1 : i32
        %select_n3A_1216 = arith.select %eq3A_1214, %jit3A_1215, %jit3A_1212 : i32
        %rem3A_1217 = arith.remsi %add3A_1187, %select_n3A_1216 : i32
        %ne3A_1218 = arith.constant 0 : i32
        %ne3A_1219 = arith.cmpi ne, %rem3A_1217, %ne3A_1218 : i32
        %lt3A_1220 = arith.constant 0 : i32
        %lt3A_1221 = arith.cmpi slt, %rem3A_1217, %lt3A_1220 : i32
        %lt3A_1222 = arith.constant 0 : i32
        %lt3A_1223 = arith.cmpi slt, %select_n3A_1216, %lt3A_1222 : i32
        %ne3A_1224 = arith.xori %lt3A_1221, %lt3A_1223 : i1
        %and3A_1225 = arith.andi %ne3A_1224, %ne3A_1219 : i1
        %add3A_1226 = arith.addi %rem3A_1217, %select_n3A_1216 : i32
        %select_n3A_1227 = arith.select %and3A_1225, %add3A_1226, %rem3A_1217 : i32
        %dma_wait3A_1228 = arith.constant 4 : i32
        %dma_wait3A_1229 = arith.constant 0 : i32
        %dma_wait3A_1230 = tpu.memref_slice %arg4[%select_n3A_1211, %dma_wait3A_1228, %select_n3A_1227, %dma_wait3A_1229] : memref<200x8x32x1024xf32, #tpu.memory_space<hbm>> -> memref<1x2x1x1024xf32, #tpu.memory_space<hbm>>
        %dma_wait3A_1231 = tpu.memref_squeeze %dma_wait3A_1230 : memref<1x2x1x1024xf32, #tpu.memory_space<hbm>> -> memref<2x1024xf32, #tpu.memory_space<hbm>>
        %dma_wait3A_1232 = arith.constant 4 : i32
        %dma_wait3A_1233 = arith.constant 0 : i32
        %dma_wait3A_1234 = tpu.memref_slice %arg4[%select_n3A_1211, %dma_wait3A_1232, %select_n3A_1227, %dma_wait3A_1233] : memref<200x8x32x1024xf32, #tpu.memory_space<hbm>> -> memref<1x2x1x1024xf32, #tpu.memory_space<hbm>>
        %dma_wait3A_1235 = tpu.memref_squeeze %dma_wait3A_1234 : memref<1x2x1x1024xf32, #tpu.memory_space<hbm>> -> memref<2x1024xf32, #tpu.memory_space<hbm>>
        tpu.wait_dma2 semaphore(%arg21 : memref<!tpu.dma_semaphore, #tpu.memory_space<semaphore_mem>>) src(%arg11 : memref<2x1024xf32, #tpu.memory_space<vmem>>) dst(%dma_wait3A_1235 : memref<2x1024xf32, #tpu.memory_space<hbm>>)
        %add3A_1236 = arith.addi %mul3A_2, %sub3A_1088 : i32
        %jit3A_1237 = arith.constant 32 : i32
        %div3A_1238 = arith.divsi %add3A_1236, %jit3A_1237 : i32
        %sign3A_1239 = arith.constant 0 : i32
        %sign3A_1240 = arith.cmpi sgt, %add3A_1236, %sign3A_1239 : i32
        %sign3A_1241 = arith.extui %sign3A_1240 : i1 to i32
        %sign3A_1242 = arith.constant 0 : i32
        %sign3A_1243 = arith.cmpi slt, %add3A_1236, %sign3A_1242 : i32
        %sign3A_1244 = arith.extui %sign3A_1243 : i1 to i32
        %sign3A_1245 = arith.subi %sign3A_1241, %sign3A_1244 : i32
        %sign3A_1246 = arith.constant 0 : i32
        %sign3A_1247 = arith.cmpi sgt, %jit3A_1237, %sign3A_1246 : i32
        %sign3A_1248 = arith.extui %sign3A_1247 : i1 to i32
        %sign3A_1249 = arith.constant 0 : i32
        %sign3A_1250 = arith.cmpi slt, %jit3A_1237, %sign3A_1249 : i32
        %sign3A_1251 = arith.extui %sign3A_1250 : i1 to i32
        %sign3A_1252 = arith.subi %sign3A_1248, %sign3A_1251 : i32
        %ne3A_1253 = arith.cmpi ne, %sign3A_1245, %sign3A_1252 : i32
        %rem3A_1254 = arith.remsi %add3A_1236, %jit3A_1237 : i32
        %ne3A_1255 = arith.constant 0 : i32
        %ne3A_1256 = arith.cmpi ne, %rem3A_1254, %ne3A_1255 : i32
        %and3A_1257 = arith.andi %ne3A_1253, %ne3A_1256 : i1
        %sub3A_1258 = arith.constant 1 : i32
        %sub3A_1259 = arith.subi %div3A_1238, %sub3A_1258 : i32
        %select_n3A_1260 = arith.select %and3A_1257, %sub3A_1259, %div3A_1238 : i32
        %jit3A_1261 = arith.constant 32 : i32
        %eq3A_1262 = arith.constant 0 : i32
        %eq3A_1263 = arith.cmpi eq, %jit3A_1261, %eq3A_1262 : i32
        %jit3A_1264 = arith.constant 1 : i32
        %select_n3A_1265 = arith.select %eq3A_1263, %jit3A_1264, %jit3A_1261 : i32
        %rem3A_1266 = arith.remsi %add3A_1236, %select_n3A_1265 : i32
        %ne3A_1267 = arith.constant 0 : i32
        %ne3A_1268 = arith.cmpi ne, %rem3A_1266, %ne3A_1267 : i32
        %lt3A_1269 = arith.constant 0 : i32
        %lt3A_1270 = arith.cmpi slt, %rem3A_1266, %lt3A_1269 : i32
        %lt3A_1271 = arith.constant 0 : i32
        %lt3A_1272 = arith.cmpi slt, %select_n3A_1265, %lt3A_1271 : i32
        %ne3A_1273 = arith.xori %lt3A_1270, %lt3A_1272 : i1
        %and3A_1274 = arith.andi %ne3A_1273, %ne3A_1268 : i1
        %add3A_1275 = arith.addi %rem3A_1266, %select_n3A_1265 : i32
        %select_n3A_1276 = arith.select %and3A_1274, %add3A_1275, %rem3A_1266 : i32
        %dma_wait3A_1277 = arith.constant 6 : i32
        %dma_wait3A_1278 = arith.constant 0 : i32
        %dma_wait3A_1279 = tpu.memref_slice %arg4[%select_n3A_1260, %dma_wait3A_1277, %select_n3A_1276, %dma_wait3A_1278] : memref<200x8x32x1024xf32, #tpu.memory_space<hbm>> -> memref<1x2x1x1024xf32, #tpu.memory_space<hbm>>
        %dma_wait3A_1280 = tpu.memref_squeeze %dma_wait3A_1279 : memref<1x2x1x1024xf32, #tpu.memory_space<hbm>> -> memref<2x1024xf32, #tpu.memory_space<hbm>>
        %dma_wait3A_1281 = arith.constant 6 : i32
        %dma_wait3A_1282 = arith.constant 0 : i32
        %dma_wait3A_1283 = tpu.memref_slice %arg4[%select_n3A_1260, %dma_wait3A_1281, %select_n3A_1276, %dma_wait3A_1282] : memref<200x8x32x1024xf32, #tpu.memory_space<hbm>> -> memref<1x2x1x1024xf32, #tpu.memory_space<hbm>>
        %dma_wait3A_1284 = tpu.memref_squeeze %dma_wait3A_1283 : memref<1x2x1x1024xf32, #tpu.memory_space<hbm>> -> memref<2x1024xf32, #tpu.memory_space<hbm>>
        tpu.wait_dma2 semaphore(%arg21 : memref<!tpu.dma_semaphore, #tpu.memory_space<semaphore_mem>>) src(%arg12 : memref<2x1024xf32, #tpu.memory_space<vmem>>) dst(%dma_wait3A_1284 : memref<2x1024xf32, #tpu.memory_space<hbm>>)
      } else {
      }
      %scan3A_624 = arith.constant 0 : i32
      %scan3A_625 = arith.constant 0 : i32
      %scan3A_626 = arith.constant 16 : i32
      %scan3A_627 = arith.addi %scan3A_625, %scan3A_626 : i32
      %scan3A_628 = arith.constant 1 : i32
      scf.for %scan3A_1087 = %scan3A_625 to %scan3A_627 step %scan3A_628  : i32 {
        %mul3A_1088 = arith.constant 8 : i32
        %mul3A_1089 = arith.muli %scan3A_1087, %mul3A_1088 : i32
        %add3A_1090 = arith.constant 0 : i32
        %add3A_1091 = arith.addi %mul3A_1089, %add3A_1090 : i32
        %add3A_1092 = vector.broadcast %add3A_1091 : i32 to vector<16xi32>
        %add3A_1093 = arith.addi %mul3A_48, %add3A_1092 : vector<16xi32>
        %get3A_1094 = arith.index_cast %add3A_1091 : i32 to index
        %get3A_1095 = arith.constant 0 : index
        %get3A_1096 = tpu.vector_load %arg7[%get3A_1094, %get3A_1095] {strides = array<i32>} : memref<128x64xf32, #tpu.memory_space<vmem>>, vector<16xf32>,
        tpu.vector_store_idx %arg9[%select_n3A, %add3A_1093], %get3A_1096 : memref<2x1024xf32, #tpu.memory_space<vmem>>[vector<16xi32>, vector<16xi32>], vector<16xf32>,
        %get3A_1097 = arith.index_cast %add3A_1091 : i32 to index
        %get3A_1098 = arith.constant 16 : index
        %get3A_1099 = tpu.vector_load %arg7[%get3A_1097, %get3A_1098] {strides = array<i32>} : memref<128x64xf32, #tpu.memory_space<vmem>>, vector<16xf32>,
        tpu.vector_store_idx %arg10[%select_n3A, %add3A_1093], %get3A_1099 : memref<2x1024xf32, #tpu.memory_space<vmem>>[vector<16xi32>, vector<16xi32>], vector<16xf32>,
        %get3A_1100 = arith.index_cast %add3A_1091 : i32 to index
        %get3A_1101 = arith.constant 32 : index
        %get3A_1102 = tpu.vector_load %arg7[%get3A_1100, %get3A_1101] {strides = array<i32>} : memref<128x64xf32, #tpu.memory_space<vmem>>, vector<16xf32>,
        tpu.vector_store_idx %arg11[%select_n3A, %add3A_1093], %get3A_1102 : memref<2x1024xf32, #tpu.memory_space<vmem>>[vector<16xi32>, vector<16xi32>], vector<16xf32>,
        %get3A_1103 = arith.index_cast %add3A_1091 : i32 to index
        %get3A_1104 = arith.constant 48 : index
        %get3A_1105 = tpu.vector_load %arg7[%get3A_1103, %get3A_1104] {strides = array<i32>} : memref<128x64xf32, #tpu.memory_space<vmem>>, vector<16xf32>,
        tpu.vector_store_idx %arg12[%select_n3A, %add3A_1093], %get3A_1105 : memref<2x1024xf32, #tpu.memory_space<vmem>>[vector<16xi32>, vector<16xi32>], vector<16xf32>,
        %add3A_1106 = arith.constant 1 : i32
        %add3A_1107 = arith.addi %mul3A_1089, %add3A_1106 : i32
        %add3A_1108 = vector.broadcast %add3A_1107 : i32 to vector<16xi32>
        %add3A_1109 = arith.addi %mul3A_48, %add3A_1108 : vector<16xi32>
        %get3A_1110 = arith.index_cast %add3A_1107 : i32 to index
        %get3A_1111 = arith.constant 0 : index
        %get3A_1112 = tpu.vector_load %arg7[%get3A_1110, %get3A_1111] {strides = array<i32>} : memref<128x64xf32, #tpu.memory_space<vmem>>, vector<16xf32>,
        tpu.vector_store_idx %arg9[%select_n3A, %add3A_1109], %get3A_1112 : memref<2x1024xf32, #tpu.memory_space<vmem>>[vector<16xi32>, vector<16xi32>], vector<16xf32>,
        %get3A_1113 = arith.index_cast %add3A_1107 : i32 to index
        %get3A_1114 = arith.constant 16 : index
        %get3A_1115 = tpu.vector_load %arg7[%get3A_1113, %get3A_1114] {strides = array<i32>} : memref<128x64xf32, #tpu.memory_space<vmem>>, vector<16xf32>,
        tpu.vector_store_idx %arg10[%select_n3A, %add3A_1109], %get3A_1115 : memref<2x1024xf32, #tpu.memory_space<vmem>>[vector<16xi32>, vector<16xi32>], vector<16xf32>,
        %get3A_1116 = arith.index_cast %add3A_1107 : i32 to index
        %get3A_1117 = arith.constant 32 : index
        %get3A_1118 = tpu.vector_load %arg7[%get3A_1116, %get3A_1117] {strides = array<i32>} : memref<128x64xf32, #tpu.memory_space<vmem>>, vector<16xf32>,
        tpu.vector_store_idx %arg11[%select_n3A, %add3A_1109], %get3A_1118 : memref<2x1024xf32, #tpu.memory_space<vmem>>[vector<16xi32>, vector<16xi32>], vector<16xf32>,
        %get3A_1119 = arith.index_cast %add3A_1107 : i32 to index
        %get3A_1120 = arith.constant 48 : index
        %get3A_1121 = tpu.vector_load %arg7[%get3A_1119, %get3A_1120] {strides = array<i32>} : memref<128x64xf32, #tpu.memory_space<vmem>>, vector<16xf32>,
        tpu.vector_store_idx %arg12[%select_n3A, %add3A_1109], %get3A_1121 : memref<2x1024xf32, #tpu.memory_space<vmem>>[vector<16xi32>, vector<16xi32>], vector<16xf32>,
        %add3A_1122 = arith.constant 2 : i32
        %add3A_1123 = arith.addi %mul3A_1089, %add3A_1122 : i32
        %add3A_1124 = vector.broadcast %add3A_1123 : i32 to vector<16xi32>
        %add3A_1125 = arith.addi %mul3A_48, %add3A_1124 : vector<16xi32>
        %get3A_1126 = arith.index_cast %add3A_1123 : i32 to index
        %get3A_1127 = arith.constant 0 : index
        %get3A_1128 = tpu.vector_load %arg7[%get3A_1126, %get3A_1127] {strides = array<i32>} : memref<128x64xf32, #tpu.memory_space<vmem>>, vector<16xf32>,
        tpu.vector_store_idx %arg9[%select_n3A, %add3A_1125], %get3A_1128 : memref<2x1024xf32, #tpu.memory_space<vmem>>[vector<16xi32>, vector<16xi32>], vector<16xf32>,
        %get3A_1129 = arith.index_cast %add3A_1123 : i32 to index
        %get3A_1130 = arith.constant 16 : index
        %get3A_1131 = tpu.vector_load %arg7[%get3A_1129, %get3A_1130] {strides = array<i32>} : memref<128x64xf32, #tpu.memory_space<vmem>>, vector<16xf32>,
        tpu.vector_store_idx %arg10[%select_n3A, %add3A_1125], %get3A_1131 : memref<2x1024xf32, #tpu.memory_space<vmem>>[vector<16xi32>, vector<16xi32>], vector<16xf32>,
        %get3A_1132 = arith.index_cast %add3A_1123 : i32 to index
        %get3A_1133 = arith.constant 32 : index
        %get3A_1134 = tpu.vector_load %arg7[%get3A_1132, %get3A_1133] {strides = array<i32>} : memref<128x64xf32, #tpu.memory_space<vmem>>, vector<16xf32>,
        tpu.vector_store_idx %arg11[%select_n3A, %add3A_1125], %get3A_1134 : memref<2x1024xf32, #tpu.memory_space<vmem>>[vector<16xi32>, vector<16xi32>], vector<16xf32>,
        %get3A_1135 = arith.index_cast %add3A_1123 : i32 to index
        %get3A_1136 = arith.constant 48 : index
        %get3A_1137 = tpu.vector_load %arg7[%get3A_1135, %get3A_1136] {strides = array<i32>} : memref<128x64xf32, #tpu.memory_space<vmem>>, vector<16xf32>,
        tpu.vector_store_idx %arg12[%select_n3A, %add3A_1125], %get3A_1137 : memref<2x1024xf32, #tpu.memory_space<vmem>>[vector<16xi32>, vector<16xi32>], vector<16xf32>,
        %add3A_1138 = arith.constant 3 : i32
        %add3A_1139 = arith.addi %mul3A_1089, %add3A_1138 : i32
        %add3A_1140 = vector.broadcast %add3A_1139 : i32 to vector<16xi32>
        %add3A_1141 = arith.addi %mul3A_48, %add3A_1140 : vector<16xi32>
        %get3A_1142 = arith.index_cast %add3A_1139 : i32 to index
        %get3A_1143 = arith.constant 0 : index
        %get3A_1144 = tpu.vector_load %arg7[%get3A_1142, %get3A_1143] {strides = array<i32>} : memref<128x64xf32, #tpu.memory_space<vmem>>, vector<16xf32>,
        tpu.vector_store_idx %arg9[%select_n3A, %add3A_1141], %get3A_1144 : memref<2x1024xf32, #tpu.memory_space<vmem>>[vector<16xi32>, vector<16xi32>], vector<16xf32>,
        %get3A_1145 = arith.index_cast %add3A_1139 : i32 to index
        %get3A_1146 = arith.constant 16 : index
        %get3A_1147 = tpu.vector_load %arg7[%get3A_1145, %get3A_1146] {strides = array<i32>} : memref<128x64xf32, #tpu.memory_space<vmem>>, vector<16xf32>,
        tpu.vector_store_idx %arg10[%select_n3A, %add3A_1141], %get3A_1147 : memref<2x1024xf32, #tpu.memory_space<vmem>>[vector<16xi32>, vector<16xi32>], vector<16xf32>,
        %get3A_1148 = arith.index_cast %add3A_1139 : i32 to index
        %get3A_1149 = arith.constant 32 : index
        %get3A_1150 = tpu.vector_load %arg7[%get3A_1148, %get3A_1149] {strides = array<i32>} : memref<128x64xf32, #tpu.memory_space<vmem>>, vector<16xf32>,
        tpu.vector_store_idx %arg11[%select_n3A, %add3A_1141], %get3A_1150 : memref<2x1024xf32, #tpu.memory_space<vmem>>[vector<16xi32>, vector<16xi32>], vector<16xf32>,
        %get3A_1151 = arith.index_cast %add3A_1139 : i32 to index
        %get3A_1152 = arith.constant 48 : index
        %get3A_1153 = tpu.vector_load %arg7[%get3A_1151, %get3A_1152] {strides = array<i32>} : memref<128x64xf32, #tpu.memory_space<vmem>>, vector<16xf32>,
        tpu.vector_store_idx %arg12[%select_n3A, %add3A_1141], %get3A_1153 : memref<2x1024xf32, #tpu.memory_space<vmem>>[vector<16xi32>, vector<16xi32>], vector<16xf32>,
        %add3A_1154 = arith.constant 4 : i32
        %add3A_1155 = arith.addi %mul3A_1089, %add3A_1154 : i32
        %add3A_1156 = vector.broadcast %add3A_1155 : i32 to vector<16xi32>
        %add3A_1157 = arith.addi %mul3A_48, %add3A_1156 : vector<16xi32>
        %get3A_1158 = arith.index_cast %add3A_1155 : i32 to index
        %get3A_1159 = arith.constant 0 : index
        %get3A_1160 = tpu.vector_load %arg7[%get3A_1158, %get3A_1159] {strides = array<i32>} : memref<128x64xf32, #tpu.memory_space<vmem>>, vector<16xf32>,
        tpu.vector_store_idx %arg9[%select_n3A, %add3A_1157], %get3A_1160 : memref<2x1024xf32, #tpu.memory_space<vmem>>[vector<16xi32>, vector<16xi32>], vector<16xf32>,
        %get3A_1161 = arith.index_cast %add3A_1155 : i32 to index
        %get3A_1162 = arith.constant 16 : index
        %get3A_1163 = tpu.vector_load %arg7[%get3A_1161, %get3A_1162] {strides = array<i32>} : memref<128x64xf32, #tpu.memory_space<vmem>>, vector<16xf32>,
        tpu.vector_store_idx %arg10[%select_n3A, %add3A_1157], %get3A_1163 : memref<2x1024xf32, #tpu.memory_space<vmem>>[vector<16xi32>, vector<16xi32>], vector<16xf32>,
        %get3A_1164 = arith.index_cast %add3A_1155 : i32 to index
        %get3A_1165 = arith.constant 32 : index
        %get3A_1166 = tpu.vector_load %arg7[%get3A_1164, %get3A_1165] {strides = array<i32>} : memref<128x64xf32, #tpu.memory_space<vmem>>, vector<16xf32>,
        tpu.vector_store_idx %arg11[%select_n3A, %add3A_1157], %get3A_1166 : memref<2x1024xf32, #tpu.memory_space<vmem>>[vector<16xi32>, vector<16xi32>], vector<16xf32>,
        %get3A_1167 = arith.index_cast %add3A_1155 : i32 to index
        %get3A_1168 = arith.constant 48 : index
        %get3A_1169 = tpu.vector_load %arg7[%get3A_1167, %get3A_1168] {strides = array<i32>} : memref<128x64xf32, #tpu.memory_space<vmem>>, vector<16xf32>,
        tpu.vector_store_idx %arg12[%select_n3A, %add3A_1157], %get3A_1169 : memref<2x1024xf32, #tpu.memory_space<vmem>>[vector<16xi32>, vector<16xi32>], vector<16xf32>,
        %add3A_1170 = arith.constant 5 : i32
        %add3A_1171 = arith.addi %mul3A_1089, %add3A_1170 : i32
        %add3A_1172 = vector.broadcast %add3A_1171 : i32 to vector<16xi32>
        %add3A_1173 = arith.addi %mul3A_48, %add3A_1172 : vector<16xi32>
        %get3A_1174 = arith.index_cast %add3A_1171 : i32 to index
        %get3A_1175 = arith.constant 0 : index
        %get3A_1176 = tpu.vector_load %arg7[%get3A_1174, %get3A_1175] {strides = array<i32>} : memref<128x64xf32, #tpu.memory_space<vmem>>, vector<16xf32>,
        tpu.vector_store_idx %arg9[%select_n3A, %add3A_1173], %get3A_1176 : memref<2x1024xf32, #tpu.memory_space<vmem>>[vector<16xi32>, vector<16xi32>], vector<16xf32>,
        %get3A_1177 = arith.index_cast %add3A_1171 : i32 to index
        %get3A_1178 = arith.constant 16 : index
        %get3A_1179 = tpu.vector_load %arg7[%get3A_1177, %get3A_1178] {strides = array<i32>} : memref<128x64xf32, #tpu.memory_space<vmem>>, vector<16xf32>,
        tpu.vector_store_idx %arg10[%select_n3A, %add3A_1173], %get3A_1179 : memref<2x1024xf32, #tpu.memory_space<vmem>>[vector<16xi32>, vector<16xi32>], vector<16xf32>,
        %get3A_1180 = arith.index_cast %add3A_1171 : i32 to index
        %get3A_1181 = arith.constant 32 : index
        %get3A_1182 = tpu.vector_load %arg7[%get3A_1180, %get3A_1181] {strides = array<i32>} : memref<128x64xf32, #tpu.memory_space<vmem>>, vector<16xf32>,
        tpu.vector_store_idx %arg11[%select_n3A, %add3A_1173], %get3A_1182 : memref<2x1024xf32, #tpu.memory_space<vmem>>[vector<16xi32>, vector<16xi32>], vector<16xf32>,
        %get3A_1183 = arith.index_cast %add3A_1171 : i32 to index
        %get3A_1184 = arith.constant 48 : index
        %get3A_1185 = tpu.vector_load %arg7[%get3A_1183, %get3A_1184] {strides = array<i32>} : memref<128x64xf32, #tpu.memory_space<vmem>>, vector<16xf32>,
        tpu.vector_store_idx %arg12[%select_n3A, %add3A_1173], %get3A_1185 : memref<2x1024xf32, #tpu.memory_space<vmem>>[vector<16xi32>, vector<16xi32>], vector<16xf32>,
        %add3A_1186 = arith.constant 6 : i32
        %add3A_1187 = arith.addi %mul3A_1089, %add3A_1186 : i32
        %add3A_1188 = vector.broadcast %add3A_1187 : i32 to vector<16xi32>
        %add3A_1189 = arith.addi %mul3A_48, %add3A_1188 : vector<16xi32>
        %get3A_1190 = arith.index_cast %add3A_1187 : i32 to index
        %get3A_1191 = arith.constant 0 : index
        %get3A_1192 = tpu.vector_load %arg7[%get3A_1190, %get3A_1191] {strides = array<i32>} : memref<128x64xf32, #tpu.memory_space<vmem>>, vector<16xf32>,
        tpu.vector_store_idx %arg9[%select_n3A, %add3A_1189], %get3A_1192 : memref<2x1024xf32, #tpu.memory_space<vmem>>[vector<16xi32>, vector<16xi32>], vector<16xf32>,
        %get3A_1193 = arith.index_cast %add3A_1187 : i32 to index
        %get3A_1194 = arith.constant 16 : index
        %get3A_1195 = tpu.vector_load %arg7[%get3A_1193, %get3A_1194] {strides = array<i32>} : memref<128x64xf32, #tpu.memory_space<vmem>>, vector<16xf32>,
        tpu.vector_store_idx %arg10[%select_n3A, %add3A_1189], %get3A_1195 : memref<2x1024xf32, #tpu.memory_space<vmem>>[vector<16xi32>, vector<16xi32>], vector<16xf32>,
        %get3A_1196 = arith.index_cast %add3A_1187 : i32 to index
        %get3A_1197 = arith.constant 32 : index
        %get3A_1198 = tpu.vector_load %arg7[%get3A_1196, %get3A_1197] {strides = array<i32>} : memref<128x64xf32, #tpu.memory_space<vmem>>, vector<16xf32>,
        tpu.vector_store_idx %arg11[%select_n3A, %add3A_1189], %get3A_1198 : memref<2x1024xf32, #tpu.memory_space<vmem>>[vector<16xi32>, vector<16xi32>], vector<16xf32>,
        %get3A_1199 = arith.index_cast %add3A_1187 : i32 to index
        %get3A_1200 = arith.constant 48 : index
        %get3A_1201 = tpu.vector_load %arg7[%get3A_1199, %get3A_1200] {strides = array<i32>} : memref<128x64xf32, #tpu.memory_space<vmem>>, vector<16xf32>,
        tpu.vector_store_idx %arg12[%select_n3A, %add3A_1189], %get3A_1201 : memref<2x1024xf32, #tpu.memory_space<vmem>>[vector<16xi32>, vector<16xi32>], vector<16xf32>,
        %add3A_1202 = arith.constant 7 : i32
        %add3A_1203 = arith.addi %mul3A_1089, %add3A_1202 : i32
        %add3A_1204 = vector.broadcast %add3A_1203 : i32 to vector<16xi32>
        %add3A_1205 = arith.addi %mul3A_48, %add3A_1204 : vector<16xi32>
        %get3A_1206 = arith.index_cast %add3A_1203 : i32 to index
        %get3A_1207 = arith.constant 0 : index
        %get3A_1208 = tpu.vector_load %arg7[%get3A_1206, %get3A_1207] {strides = array<i32>} : memref<128x64xf32, #tpu.memory_space<vmem>>, vector<16xf32>,
        tpu.vector_store_idx %arg9[%select_n3A, %add3A_1205], %get3A_1208 : memref<2x1024xf32, #tpu.memory_space<vmem>>[vector<16xi32>, vector<16xi32>], vector<16xf32>,
        %get3A_1209 = arith.index_cast %add3A_1203 : i32 to index
        %get3A_1210 = arith.constant 16 : index
        %get3A_1211 = tpu.vector_load %arg7[%get3A_1209, %get3A_1210] {strides = array<i32>} : memref<128x64xf32, #tpu.memory_space<vmem>>, vector<16xf32>,
        tpu.vector_store_idx %arg10[%select_n3A, %add3A_1205], %get3A_1211 : memref<2x1024xf32, #tpu.memory_space<vmem>>[vector<16xi32>, vector<16xi32>], vector<16xf32>,
        %get3A_1212 = arith.index_cast %add3A_1203 : i32 to index
        %get3A_1213 = arith.constant 32 : index
        %get3A_1214 = tpu.vector_load %arg7[%get3A_1212, %get3A_1213] {strides = array<i32>} : memref<128x64xf32, #tpu.memory_space<vmem>>, vector<16xf32>,
        tpu.vector_store_idx %arg11[%select_n3A, %add3A_1205], %get3A_1214 : memref<2x1024xf32, #tpu.memory_space<vmem>>[vector<16xi32>, vector<16xi32>], vector<16xf32>,
        %get3A_1215 = arith.index_cast %add3A_1203 : i32 to index
        %get3A_1216 = arith.constant 48 : index
        %get3A_1217 = tpu.vector_load %arg7[%get3A_1215, %get3A_1216] {strides = array<i32>} : memref<128x64xf32, #tpu.memory_space<vmem>>, vector<16xf32>,
        tpu.vector_store_idx %arg12[%select_n3A, %add3A_1205], %get3A_1217 : memref<2x1024xf32, #tpu.memory_space<vmem>>[vector<16xi32>, vector<16xi32>], vector<16xf32>,
      }
      %scan3A_629 = arith.constant 16 : i32
      %get3A = arith.constant 0 : index
      %get3A_630 = tpu.vector_load %arg5[%get3A] {strides = array<i32>} : memref<128xi32, #tpu.memory_space<vmem>>, vector<16xi32>,
      %eq3A_631 = arith.constant 0 : i32
      %eq3A_632 = vector.broadcast %eq3A_631 : i32 to vector<16xi32>
      %eq3A_633 = arith.cmpi eq, %get3A_630, %eq3A_632 : vector<16xi32>
      %scan3A_634 = arith.constant 1 : i32
      %scan3A_635 = arith.constant 7 : i32
      %scan3A_636 = arith.addi %scan3A_634, %scan3A_635 : i32
      %scan3A_637 = arith.constant 1 : i32
      %scan3A_638 = scf.for %scan3A_1087 = %scan3A_634 to %scan3A_636 step %scan3A_637 iter_args(%scan3A_1088 = %eq3A_633) -> (vector<16xi1>)  : i32 {
        %mul3A_1089 = arith.constant 16 : i32
        %mul3A_1090 = arith.muli %scan3A_1087, %mul3A_1089 : i32
        %get3A_1091 = arith.index_cast %mul3A_1090 : i32 to index
        %get3A_1092 = tpu.vector_load %arg5[%get3A_1091] {strides = array<i32>} : memref<128xi32, #tpu.memory_space<vmem>>, vector<16xi32>,
        %eq3A_1093 = arith.constant 0 : i32
        %eq3A_1094 = vector.broadcast %eq3A_1093 : i32 to vector<16xi32>
        %eq3A_1095 = arith.cmpi eq, %get3A_1092, %eq3A_1094 : vector<16xi32>
        %or3A = arith.ori %scan3A_1088, %eq3A_1095 : vector<16xi1>
        scf.yield %or3A : vector<16xi1>
      }
      %scan3A_639 = arith.constant 7 : i32
      %all_reduce_population_count3A = tpu.all_reduce %scan3A_638 {dim = 0 : i64, kind = #tpu.reduction_kind<sum>} : vector<16xi1> -> vector<16xi32>
      %slice3A = vector.extract_strided_slice %all_reduce_population_count3A {offsets = [0], sizes = [1], strides = [1]} : vector<16xi32> to vector<1xi32>
      %squeeze3A = vector.extract %slice3A[0] : i32 from vector<1xi32>
      %gt3A = arith.constant 0 : i32
      %gt3A_640 = arith.cmpi sgt, %squeeze3A, %gt3A : i32
      %convert_element_type3A_641 = arith.extui %gt3A_640 : i1 to i32
      %cond3A_642 = arith.constant 0 : i32
      %cond3A_643 = arith.cmpi ne, %convert_element_type3A_641, %cond3A_642 : i32
      scf.if %cond3A_643 {
        %broadcast_in_dim3A = arith.constant 0.000000e+00 : f32
        %broadcast_in_dim3A_1087 = vector.broadcast %broadcast_in_dim3A : f32 to vector<16xf32>
        %scan3A_1088 = arith.constant 0 : i32
        %scan3A_1089 = arith.constant 0 : i32
        %scan3A_1090 = arith.constant 8 : i32
        %scan3A_1091 = arith.addi %scan3A_1089, %scan3A_1090 : i32
        %scan3A_1092 = arith.constant 1 : i32
        scf.for %scan3A_1094 = %scan3A_1089 to %scan3A_1091 step %scan3A_1092  : i32 {
          %mul3A_1095 = arith.constant 16 : i32
          %mul3A_1096 = arith.muli %scan3A_1094, %mul3A_1095 : i32
          %get3A_1097 = arith.index_cast %mul3A_1096 : i32 to index
          %get3A_1098 = tpu.vector_load %arg5[%get3A_1097] {strides = array<i32>} : memref<128xi32, #tpu.memory_space<vmem>>, vector<16xi32>,
          %eq3A_1099 = arith.constant 0 : i32
          %eq3A_1100 = vector.broadcast %eq3A_1099 : i32 to vector<16xi32>
          %eq3A_1101 = arith.cmpi eq, %get3A_1098, %eq3A_1100 : vector<16xi32>
          %mul3A_1102 = arith.constant 16 : i32
          %mul3A_1103 = arith.muli %scan3A_1094, %mul3A_1102 : i32
          %iota3A_1104 = tpu.iota {dimensions = array<i32: 0>} : vector<16xi32>
          %add3A_1105 = vector.broadcast %mul3A_1103 : i32 to vector<16xi32>
          %add3A_1106 = arith.addi %add3A_1105, %iota3A_1104 : vector<16xi32>
          %scan3A_1107 = arith.constant 0 : i32
          %scan3A_1108 = arith.constant 0 : i32
          %scan3A_1109 = arith.constant 16 : i32
          %scan3A_1110 = arith.addi %scan3A_1108, %scan3A_1109 : i32
          %scan3A_1111 = arith.constant 1 : i32
          scf.for %scan3A_1131 = %scan3A_1108 to %scan3A_1110 step %scan3A_1111  : i32 {
            %jit3A_1132 = arith.constant 8 : i32
            %div3A_1133 = arith.divsi %scan3A_1131, %jit3A_1132 : i32
            %sign3A_1134 = arith.constant 0 : i32
            %sign3A_1135 = arith.cmpi sgt, %scan3A_1131, %sign3A_1134 : i32
            %sign3A_1136 = arith.extui %sign3A_1135 : i1 to i32
            %sign3A_1137 = arith.constant 0 : i32
            %sign3A_1138 = arith.cmpi slt, %scan3A_1131, %sign3A_1137 : i32
            %sign3A_1139 = arith.extui %sign3A_1138 : i1 to i32
            %sign3A_1140 = arith.subi %sign3A_1136, %sign3A_1139 : i32
            %sign3A_1141 = arith.constant 0 : i32
            %sign3A_1142 = arith.cmpi sgt, %jit3A_1132, %sign3A_1141 : i32
            %sign3A_1143 = arith.extui %sign3A_1142 : i1 to i32
            %sign3A_1144 = arith.constant 0 : i32
            %sign3A_1145 = arith.cmpi slt, %jit3A_1132, %sign3A_1144 : i32
            %sign3A_1146 = arith.extui %sign3A_1145 : i1 to i32
            %sign3A_1147 = arith.subi %sign3A_1143, %sign3A_1146 : i32
            %ne3A_1148 = arith.cmpi ne, %sign3A_1140, %sign3A_1147 : i32
            %rem3A_1149 = arith.remsi %scan3A_1131, %jit3A_1132 : i32
            %ne3A_1150 = arith.constant 0 : i32
            %ne3A_1151 = arith.cmpi ne, %rem3A_1149, %ne3A_1150 : i32
            %and3A_1152 = arith.andi %ne3A_1148, %ne3A_1151 : i1
            %sub3A_1153 = arith.constant 1 : i32
            %sub3A_1154 = arith.subi %div3A_1133, %sub3A_1153 : i32
            %select_n3A_1155 = arith.select %and3A_1152, %sub3A_1154, %div3A_1133 : i32
            %broadcast_in_dim3A_1156 = vector.broadcast %select_n3A_1155 : i32 to vector<16xi32>
            %jit3A_1157 = arith.constant 8 : i32
            %eq3A_1158 = arith.constant 0 : i32
            %eq3A_1159 = arith.cmpi eq, %jit3A_1157, %eq3A_1158 : i32
            %jit3A_1160 = arith.constant 1 : i32
            %select_n3A_1161 = arith.select %eq3A_1159, %jit3A_1160, %jit3A_1157 : i32
            %rem3A_1162 = arith.remsi %scan3A_1131, %select_n3A_1161 : i32
            %ne3A_1163 = arith.constant 0 : i32
            %ne3A_1164 = arith.cmpi ne, %rem3A_1162, %ne3A_1163 : i32
            %lt3A_1165 = arith.constant 0 : i32
            %lt3A_1166 = arith.cmpi slt, %rem3A_1162, %lt3A_1165 : i32
            %lt3A_1167 = arith.constant 0 : i32
            %lt3A_1168 = arith.cmpi slt, %select_n3A_1161, %lt3A_1167 : i32
            %ne3A_1169 = arith.xori %lt3A_1166, %lt3A_1168 : i1
            %and3A_1170 = arith.andi %ne3A_1169, %ne3A_1164 : i1
            %add3A_1171 = arith.addi %rem3A_1162, %select_n3A_1161 : i32
            %select_n3A_1172 = arith.select %and3A_1170, %add3A_1171, %rem3A_1162 : i32
            %mul3A_1173 = arith.constant 128 : i32
            %mul3A_1174 = arith.muli %select_n3A_1172, %mul3A_1173 : i32
            %add3A_1175 = vector.broadcast %mul3A_1174 : i32 to vector<16xi32>
            %add3A_1176 = arith.addi %add3A_1175, %add3A_1106 : vector<16xi32>
            tpu.vector_store_idx %arg9[%broadcast_in_dim3A_1156, %add3A_1176], %broadcast_in_dim3A_1087 masked %eq3A_1101 : memref<2x1024xf32, #tpu.memory_space<vmem>>[vector<16xi32>, vector<16xi32>], vector<16xf32>, vector<16xi1>
          }
          %scan3A_1112 = arith.constant 16 : i32
          %scan3A_1113 = arith.constant 0 : i32
          %scan3A_1114 = arith.constant 0 : i32
          %scan3A_1115 = arith.constant 16 : i32
          %scan3A_1116 = arith.addi %scan3A_1114, %scan3A_1115 : i32
          %scan3A_1117 = arith.constant 1 : i32
          scf.for %scan3A_1131 = %scan3A_1114 to %scan3A_1116 step %scan3A_1117  : i32 {
            %jit3A_1132 = arith.constant 8 : i32
            %div3A_1133 = arith.divsi %scan3A_1131, %jit3A_1132 : i32
            %sign3A_1134 = arith.constant 0 : i32
            %sign3A_1135 = arith.cmpi sgt, %scan3A_1131, %sign3A_1134 : i32
            %sign3A_1136 = arith.extui %sign3A_1135 : i1 to i32
            %sign3A_1137 = arith.constant 0 : i32
            %sign3A_1138 = arith.cmpi slt, %scan3A_1131, %sign3A_1137 : i32
            %sign3A_1139 = arith.extui %sign3A_1138 : i1 to i32
            %sign3A_1140 = arith.subi %sign3A_1136, %sign3A_1139 : i32
            %sign3A_1141 = arith.constant 0 : i32
            %sign3A_1142 = arith.cmpi sgt, %jit3A_1132, %sign3A_1141 : i32
            %sign3A_1143 = arith.extui %sign3A_1142 : i1 to i32
            %sign3A_1144 = arith.constant 0 : i32
            %sign3A_1145 = arith.cmpi slt, %jit3A_1132, %sign3A_1144 : i32
            %sign3A_1146 = arith.extui %sign3A_1145 : i1 to i32
            %sign3A_1147 = arith.subi %sign3A_1143, %sign3A_1146 : i32
            %ne3A_1148 = arith.cmpi ne, %sign3A_1140, %sign3A_1147 : i32
            %rem3A_1149 = arith.remsi %scan3A_1131, %jit3A_1132 : i32
            %ne3A_1150 = arith.constant 0 : i32
            %ne3A_1151 = arith.cmpi ne, %rem3A_1149, %ne3A_1150 : i32
            %and3A_1152 = arith.andi %ne3A_1148, %ne3A_1151 : i1
            %sub3A_1153 = arith.constant 1 : i32
            %sub3A_1154 = arith.subi %div3A_1133, %sub3A_1153 : i32
            %select_n3A_1155 = arith.select %and3A_1152, %sub3A_1154, %div3A_1133 : i32
            %broadcast_in_dim3A_1156 = vector.broadcast %select_n3A_1155 : i32 to vector<16xi32>
            %jit3A_1157 = arith.constant 8 : i32
            %eq3A_1158 = arith.constant 0 : i32
            %eq3A_1159 = arith.cmpi eq, %jit3A_1157, %eq3A_1158 : i32
            %jit3A_1160 = arith.constant 1 : i32
            %select_n3A_1161 = arith.select %eq3A_1159, %jit3A_1160, %jit3A_1157 : i32
            %rem3A_1162 = arith.remsi %scan3A_1131, %select_n3A_1161 : i32
            %ne3A_1163 = arith.constant 0 : i32
            %ne3A_1164 = arith.cmpi ne, %rem3A_1162, %ne3A_1163 : i32
            %lt3A_1165 = arith.constant 0 : i32
            %lt3A_1166 = arith.cmpi slt, %rem3A_1162, %lt3A_1165 : i32
            %lt3A_1167 = arith.constant 0 : i32
            %lt3A_1168 = arith.cmpi slt, %select_n3A_1161, %lt3A_1167 : i32
            %ne3A_1169 = arith.xori %lt3A_1166, %lt3A_1168 : i1
            %and3A_1170 = arith.andi %ne3A_1169, %ne3A_1164 : i1
            %add3A_1171 = arith.addi %rem3A_1162, %select_n3A_1161 : i32
            %select_n3A_1172 = arith.select %and3A_1170, %add3A_1171, %rem3A_1162 : i32
            %mul3A_1173 = arith.constant 128 : i32
            %mul3A_1174 = arith.muli %select_n3A_1172, %mul3A_1173 : i32
            %add3A_1175 = vector.broadcast %mul3A_1174 : i32 to vector<16xi32>
            %add3A_1176 = arith.addi %add3A_1175, %add3A_1106 : vector<16xi32>
            tpu.vector_store_idx %arg10[%broadcast_in_dim3A_1156, %add3A_1176], %broadcast_in_dim3A_1087 masked %eq3A_1101 : memref<2x1024xf32, #tpu.memory_space<vmem>>[vector<16xi32>, vector<16xi32>], vector<16xf32>, vector<16xi1>
          }
          %scan3A_1118 = arith.constant 16 : i32
          %scan3A_1119 = arith.constant 0 : i32
          %scan3A_1120 = arith.constant 0 : i32
          %scan3A_1121 = arith.constant 16 : i32
          %scan3A_1122 = arith.addi %scan3A_1120, %scan3A_1121 : i32
          %scan3A_1123 = arith.constant 1 : i32
          scf.for %scan3A_1131 = %scan3A_1120 to %scan3A_1122 step %scan3A_1123  : i32 {
            %jit3A_1132 = arith.constant 8 : i32
            %div3A_1133 = arith.divsi %scan3A_1131, %jit3A_1132 : i32
            %sign3A_1134 = arith.constant 0 : i32
            %sign3A_1135 = arith.cmpi sgt, %scan3A_1131, %sign3A_1134 : i32
            %sign3A_1136 = arith.extui %sign3A_1135 : i1 to i32
            %sign3A_1137 = arith.constant 0 : i32
            %sign3A_1138 = arith.cmpi slt, %scan3A_1131, %sign3A_1137 : i32
            %sign3A_1139 = arith.extui %sign3A_1138 : i1 to i32
            %sign3A_1140 = arith.subi %sign3A_1136, %sign3A_1139 : i32
            %sign3A_1141 = arith.constant 0 : i32
            %sign3A_1142 = arith.cmpi sgt, %jit3A_1132, %sign3A_1141 : i32
            %sign3A_1143 = arith.extui %sign3A_1142 : i1 to i32
            %sign3A_1144 = arith.constant 0 : i32
            %sign3A_1145 = arith.cmpi slt, %jit3A_1132, %sign3A_1144 : i32
            %sign3A_1146 = arith.extui %sign3A_1145 : i1 to i32
            %sign3A_1147 = arith.subi %sign3A_1143, %sign3A_1146 : i32
            %ne3A_1148 = arith.cmpi ne, %sign3A_1140, %sign3A_1147 : i32
            %rem3A_1149 = arith.remsi %scan3A_1131, %jit3A_1132 : i32
            %ne3A_1150 = arith.constant 0 : i32
            %ne3A_1151 = arith.cmpi ne, %rem3A_1149, %ne3A_1150 : i32
            %and3A_1152 = arith.andi %ne3A_1148, %ne3A_1151 : i1
            %sub3A_1153 = arith.constant 1 : i32
            %sub3A_1154 = arith.subi %div3A_1133, %sub3A_1153 : i32
            %select_n3A_1155 = arith.select %and3A_1152, %sub3A_1154, %div3A_1133 : i32
            %broadcast_in_dim3A_1156 = vector.broadcast %select_n3A_1155 : i32 to vector<16xi32>
            %jit3A_1157 = arith.constant 8 : i32
            %eq3A_1158 = arith.constant 0 : i32
            %eq3A_1159 = arith.cmpi eq, %jit3A_1157, %eq3A_1158 : i32
            %jit3A_1160 = arith.constant 1 : i32
            %select_n3A_1161 = arith.select %eq3A_1159, %jit3A_1160, %jit3A_1157 : i32
            %rem3A_1162 = arith.remsi %scan3A_1131, %select_n3A_1161 : i32
            %ne3A_1163 = arith.constant 0 : i32
            %ne3A_1164 = arith.cmpi ne, %rem3A_1162, %ne3A_1163 : i32
            %lt3A_1165 = arith.constant 0 : i32
            %lt3A_1166 = arith.cmpi slt, %rem3A_1162, %lt3A_1165 : i32
            %lt3A_1167 = arith.constant 0 : i32
            %lt3A_1168 = arith.cmpi slt, %select_n3A_1161, %lt3A_1167 : i32
            %ne3A_1169 = arith.xori %lt3A_1166, %lt3A_1168 : i1
            %and3A_1170 = arith.andi %ne3A_1169, %ne3A_1164 : i1
            %add3A_1171 = arith.addi %rem3A_1162, %select_n3A_1161 : i32
            %select_n3A_1172 = arith.select %and3A_1170, %add3A_1171, %rem3A_1162 : i32
            %mul3A_1173 = arith.constant 128 : i32
            %mul3A_1174 = arith.muli %select_n3A_1172, %mul3A_1173 : i32
            %add3A_1175 = vector.broadcast %mul3A_1174 : i32 to vector<16xi32>
            %add3A_1176 = arith.addi %add3A_1175, %add3A_1106 : vector<16xi32>
            tpu.vector_store_idx %arg11[%broadcast_in_dim3A_1156, %add3A_1176], %broadcast_in_dim3A_1087 masked %eq3A_1101 : memref<2x1024xf32, #tpu.memory_space<vmem>>[vector<16xi32>, vector<16xi32>], vector<16xf32>, vector<16xi1>
          }
          %scan3A_1124 = arith.constant 16 : i32
          %scan3A_1125 = arith.constant 0 : i32
          %scan3A_1126 = arith.constant 0 : i32
          %scan3A_1127 = arith.constant 16 : i32
          %scan3A_1128 = arith.addi %scan3A_1126, %scan3A_1127 : i32
          %scan3A_1129 = arith.constant 1 : i32
          scf.for %scan3A_1131 = %scan3A_1126 to %scan3A_1128 step %scan3A_1129  : i32 {
            %jit3A_1132 = arith.constant 8 : i32
            %div3A_1133 = arith.divsi %scan3A_1131, %jit3A_1132 : i32
            %sign3A_1134 = arith.constant 0 : i32
            %sign3A_1135 = arith.cmpi sgt, %scan3A_1131, %sign3A_1134 : i32
            %sign3A_1136 = arith.extui %sign3A_1135 : i1 to i32
            %sign3A_1137 = arith.constant 0 : i32
            %sign3A_1138 = arith.cmpi slt, %scan3A_1131, %sign3A_1137 : i32
            %sign3A_1139 = arith.extui %sign3A_1138 : i1 to i32
            %sign3A_1140 = arith.subi %sign3A_1136, %sign3A_1139 : i32
            %sign3A_1141 = arith.constant 0 : i32
            %sign3A_1142 = arith.cmpi sgt, %jit3A_1132, %sign3A_1141 : i32
            %sign3A_1143 = arith.extui %sign3A_1142 : i1 to i32
            %sign3A_1144 = arith.constant 0 : i32
            %sign3A_1145 = arith.cmpi slt, %jit3A_1132, %sign3A_1144 : i32
            %sign3A_1146 = arith.extui %sign3A_1145 : i1 to i32
            %sign3A_1147 = arith.subi %sign3A_1143, %sign3A_1146 : i32
            %ne3A_1148 = arith.cmpi ne, %sign3A_1140, %sign3A_1147 : i32
            %rem3A_1149 = arith.remsi %scan3A_1131, %jit3A_1132 : i32
            %ne3A_1150 = arith.constant 0 : i32
            %ne3A_1151 = arith.cmpi ne, %rem3A_1149, %ne3A_1150 : i32
            %and3A_1152 = arith.andi %ne3A_1148, %ne3A_1151 : i1
            %sub3A_1153 = arith.constant 1 : i32
            %sub3A_1154 = arith.subi %div3A_1133, %sub3A_1153 : i32
            %select_n3A_1155 = arith.select %and3A_1152, %sub3A_1154, %div3A_1133 : i32
            %broadcast_in_dim3A_1156 = vector.broadcast %select_n3A_1155 : i32 to vector<16xi32>
            %jit3A_1157 = arith.constant 8 : i32
            %eq3A_1158 = arith.constant 0 : i32
            %eq3A_1159 = arith.cmpi eq, %jit3A_1157, %eq3A_1158 : i32
            %jit3A_1160 = arith.constant 1 : i32
            %select_n3A_1161 = arith.select %eq3A_1159, %jit3A_1160, %jit3A_1157 : i32
            %rem3A_1162 = arith.remsi %scan3A_1131, %select_n3A_1161 : i32
            %ne3A_1163 = arith.constant 0 : i32
            %ne3A_1164 = arith.cmpi ne, %rem3A_1162, %ne3A_1163 : i32
            %lt3A_1165 = arith.constant 0 : i32
            %lt3A_1166 = arith.cmpi slt, %rem3A_1162, %lt3A_1165 : i32
            %lt3A_1167 = arith.constant 0 : i32
            %lt3A_1168 = arith.cmpi slt, %select_n3A_1161, %lt3A_1167 : i32
            %ne3A_1169 = arith.xori %lt3A_1166, %lt3A_1168 : i1
            %and3A_1170 = arith.andi %ne3A_1169, %ne3A_1164 : i1
            %add3A_1171 = arith.addi %rem3A_1162, %select_n3A_1161 : i32
            %select_n3A_1172 = arith.select %and3A_1170, %add3A_1171, %rem3A_1162 : i32
            %mul3A_1173 = arith.constant 128 : i32
            %mul3A_1174 = arith.muli %select_n3A_1172, %mul3A_1173 : i32
            %add3A_1175 = vector.broadcast %mul3A_1174 : i32 to vector<16xi32>
            %add3A_1176 = arith.addi %add3A_1175, %add3A_1106 : vector<16xi32>
            tpu.vector_store_idx %arg12[%broadcast_in_dim3A_1156, %add3A_1176], %broadcast_in_dim3A_1087 masked %eq3A_1101 : memref<2x1024xf32, #tpu.memory_space<vmem>>[vector<16xi32>, vector<16xi32>], vector<16xf32>, vector<16xi1>
          }
          %scan3A_1130 = arith.constant 16 : i32
        }
        %scan3A_1093 = arith.constant 8 : i32
      } else {
      }
      %add3A_644 = arith.addi %mul3A_2, %mul3A_604 : i32
      %jit3A_645 = arith.constant 32 : i32
      %div3A_646 = arith.divsi %add3A_644, %jit3A_645 : i32
      %sign3A_647 = arith.constant 0 : i32
      %sign3A_648 = arith.cmpi sgt, %add3A_644, %sign3A_647 : i32
      %sign3A_649 = arith.extui %sign3A_648 : i1 to i32
      %sign3A_650 = arith.constant 0 : i32
      %sign3A_651 = arith.cmpi slt, %add3A_644, %sign3A_650 : i32
      %sign3A_652 = arith.extui %sign3A_651 : i1 to i32
      %sign3A_653 = arith.subi %sign3A_649, %sign3A_652 : i32
      %sign3A_654 = arith.constant 0 : i32
      %sign3A_655 = arith.cmpi sgt, %jit3A_645, %sign3A_654 : i32
      %sign3A_656 = arith.extui %sign3A_655 : i1 to i32
      %sign3A_657 = arith.constant 0 : i32
      %sign3A_658 = arith.cmpi slt, %jit3A_645, %sign3A_657 : i32
      %sign3A_659 = arith.extui %sign3A_658 : i1 to i32
      %sign3A_660 = arith.subi %sign3A_656, %sign3A_659 : i32
      %ne3A_661 = arith.cmpi ne, %sign3A_653, %sign3A_660 : i32
      %rem3A_662 = arith.remsi %add3A_644, %jit3A_645 : i32
      %ne3A_663 = arith.constant 0 : i32
      %ne3A_664 = arith.cmpi ne, %rem3A_662, %ne3A_663 : i32
      %and3A_665 = arith.andi %ne3A_661, %ne3A_664 : i1
      %sub3A_666 = arith.constant 1 : i32
      %sub3A_667 = arith.subi %div3A_646, %sub3A_666 : i32
      %select_n3A_668 = arith.select %and3A_665, %sub3A_667, %div3A_646 : i32
      %jit3A_669 = arith.constant 32 : i32
      %eq3A_670 = arith.constant 0 : i32
      %eq3A_671 = arith.cmpi eq, %jit3A_669, %eq3A_670 : i32
      %jit3A_672 = arith.constant 1 : i32
      %select_n3A_673 = arith.select %eq3A_671, %jit3A_672, %jit3A_669 : i32
      %rem3A_674 = arith.remsi %add3A_644, %select_n3A_673 : i32
      %ne3A_675 = arith.constant 0 : i32
      %ne3A_676 = arith.cmpi ne, %rem3A_674, %ne3A_675 : i32
      %lt3A_677 = arith.constant 0 : i32
      %lt3A_678 = arith.cmpi slt, %rem3A_674, %lt3A_677 : i32
      %lt3A_679 = arith.constant 0 : i32
      %lt3A_680 = arith.cmpi slt, %select_n3A_673, %lt3A_679 : i32
      %ne3A_681 = arith.xori %lt3A_678, %lt3A_680 : i1
      %and3A_682 = arith.andi %ne3A_681, %ne3A_676 : i1
      %add3A_683 = arith.addi %rem3A_674, %select_n3A_673 : i32
      %select_n3A_684 = arith.select %and3A_682, %add3A_683, %rem3A_674 : i32
      %dma_start3A_685 = arith.constant 0 : i32
      %dma_start3A_686 = arith.constant 0 : i32
      %dma_start3A_687 = tpu.memref_slice %arg4[%select_n3A_668, %dma_start3A_685, %select_n3A_684, %dma_start3A_686] : memref<200x8x32x1024xf32, #tpu.memory_space<hbm>> -> memref<1x2x1x1024xf32, #tpu.memory_space<hbm>>
      %dma_start3A_688 = tpu.memref_squeeze %dma_start3A_687 : memref<1x2x1x1024xf32, #tpu.memory_space<hbm>> -> memref<2x1024xf32, #tpu.memory_space<hbm>>
      %dma_start3A_689 = arith.constant 0 : i32
      %dma_start3A_690 = arith.constant 0 : i32
      %dma_start3A_691 = tpu.memref_slice %arg4[%select_n3A_668, %dma_start3A_689, %select_n3A_684, %dma_start3A_690] : memref<200x8x32x1024xf32, #tpu.memory_space<hbm>> -> memref<1x2x1x1024xf32, #tpu.memory_space<hbm>>
      %dma_start3A_692 = tpu.memref_squeeze %dma_start3A_691 : memref<1x2x1x1024xf32, #tpu.memory_space<hbm>> -> memref<2x1024xf32, #tpu.memory_space<hbm>>
      tpu.enqueue_dma source(%arg9 : memref<2x1024xf32, #tpu.memory_space<vmem>>) target(%dma_start3A_692 : memref<2x1024xf32, #tpu.memory_space<hbm>>) target_semaphore(%arg21 : memref<!tpu.dma_semaphore, #tpu.memory_space<semaphore_mem>>)
      %add3A_693 = arith.addi %mul3A_2, %mul3A_604 : i32
      %jit3A_694 = arith.constant 32 : i32
      %div3A_695 = arith.divsi %add3A_693, %jit3A_694 : i32
      %sign3A_696 = arith.constant 0 : i32
      %sign3A_697 = arith.cmpi sgt, %add3A_693, %sign3A_696 : i32
      %sign3A_698 = arith.extui %sign3A_697 : i1 to i32
      %sign3A_699 = arith.constant 0 : i32
      %sign3A_700 = arith.cmpi slt, %add3A_693, %sign3A_699 : i32
      %sign3A_701 = arith.extui %sign3A_700 : i1 to i32
      %sign3A_702 = arith.subi %sign3A_698, %sign3A_701 : i32
      %sign3A_703 = arith.constant 0 : i32
      %sign3A_704 = arith.cmpi sgt, %jit3A_694, %sign3A_703 : i32
      %sign3A_705 = arith.extui %sign3A_704 : i1 to i32
      %sign3A_706 = arith.constant 0 : i32
      %sign3A_707 = arith.cmpi slt, %jit3A_694, %sign3A_706 : i32
      %sign3A_708 = arith.extui %sign3A_707 : i1 to i32
      %sign3A_709 = arith.subi %sign3A_705, %sign3A_708 : i32
      %ne3A_710 = arith.cmpi ne, %sign3A_702, %sign3A_709 : i32
      %rem3A_711 = arith.remsi %add3A_693, %jit3A_694 : i32
      %ne3A_712 = arith.constant 0 : i32
      %ne3A_713 = arith.cmpi ne, %rem3A_711, %ne3A_712 : i32
      %and3A_714 = arith.andi %ne3A_710, %ne3A_713 : i1
      %sub3A_715 = arith.constant 1 : i32
      %sub3A_716 = arith.subi %div3A_695, %sub3A_715 : i32
      %select_n3A_717 = arith.select %and3A_714, %sub3A_716, %div3A_695 : i32
      %jit3A_718 = arith.constant 32 : i32
      %eq3A_719 = arith.constant 0 : i32
      %eq3A_720 = arith.cmpi eq, %jit3A_718, %eq3A_719 : i32
      %jit3A_721 = arith.constant 1 : i32
      %select_n3A_722 = arith.select %eq3A_720, %jit3A_721, %jit3A_718 : i32
      %rem3A_723 = arith.remsi %add3A_693, %select_n3A_722 : i32
      %ne3A_724 = arith.constant 0 : i32
      %ne3A_725 = arith.cmpi ne, %rem3A_723, %ne3A_724 : i32
      %lt3A_726 = arith.constant 0 : i32
      %lt3A_727 = arith.cmpi slt, %rem3A_723, %lt3A_726 : i32
      %lt3A_728 = arith.constant 0 : i32
      %lt3A_729 = arith.cmpi slt, %select_n3A_722, %lt3A_728 : i32
      %ne3A_730 = arith.xori %lt3A_727, %lt3A_729 : i1
      %and3A_731 = arith.andi %ne3A_730, %ne3A_725 : i1
      %add3A_732 = arith.addi %rem3A_723, %select_n3A_722 : i32
      %select_n3A_733 = arith.select %and3A_731, %add3A_732, %rem3A_723 : i32
      %dma_start3A_734 = arith.constant 2 : i32
      %dma_start3A_735 = arith.constant 0 : i32
      %dma_start3A_736 = tpu.memref_slice %arg4[%select_n3A_717, %dma_start3A_734, %select_n3A_733, %dma_start3A_735] : memref<200x8x32x1024xf32, #tpu.memory_space<hbm>> -> memref<1x2x1x1024xf32, #tpu.memory_space<hbm>>
      %dma_start3A_737 = tpu.memref_squeeze %dma_start3A_736 : memref<1x2x1x1024xf32, #tpu.memory_space<hbm>> -> memref<2x1024xf32, #tpu.memory_space<hbm>>
      %dma_start3A_738 = arith.constant 2 : i32
      %dma_start3A_739 = arith.constant 0 : i32
      %dma_start3A_740 = tpu.memref_slice %arg4[%select_n3A_717, %dma_start3A_738, %select_n3A_733, %dma_start3A_739] : memref<200x8x32x1024xf32, #tpu.memory_space<hbm>> -> memref<1x2x1x1024xf32, #tpu.memory_space<hbm>>
      %dma_start3A_741 = tpu.memref_squeeze %dma_start3A_740 : memref<1x2x1x1024xf32, #tpu.memory_space<hbm>> -> memref<2x1024xf32, #tpu.memory_space<hbm>>
      tpu.enqueue_dma source(%arg10 : memref<2x1024xf32, #tpu.memory_space<vmem>>) target(%dma_start3A_741 : memref<2x1024xf32, #tpu.memory_space<hbm>>) target_semaphore(%arg21 : memref<!tpu.dma_semaphore, #tpu.memory_space<semaphore_mem>>)
      %add3A_742 = arith.addi %mul3A_2, %mul3A_604 : i32
      %jit3A_743 = arith.constant 32 : i32
      %div3A_744 = arith.divsi %add3A_742, %jit3A_743 : i32
      %sign3A_745 = arith.constant 0 : i32
      %sign3A_746 = arith.cmpi sgt, %add3A_742, %sign3A_745 : i32
      %sign3A_747 = arith.extui %sign3A_746 : i1 to i32
      %sign3A_748 = arith.constant 0 : i32
      %sign3A_749 = arith.cmpi slt, %add3A_742, %sign3A_748 : i32
      %sign3A_750 = arith.extui %sign3A_749 : i1 to i32
      %sign3A_751 = arith.subi %sign3A_747, %sign3A_750 : i32
      %sign3A_752 = arith.constant 0 : i32
      %sign3A_753 = arith.cmpi sgt, %jit3A_743, %sign3A_752 : i32
      %sign3A_754 = arith.extui %sign3A_753 : i1 to i32
      %sign3A_755 = arith.constant 0 : i32
      %sign3A_756 = arith.cmpi slt, %jit3A_743, %sign3A_755 : i32
      %sign3A_757 = arith.extui %sign3A_756 : i1 to i32
      %sign3A_758 = arith.subi %sign3A_754, %sign3A_757 : i32
      %ne3A_759 = arith.cmpi ne, %sign3A_751, %sign3A_758 : i32
      %rem3A_760 = arith.remsi %add3A_742, %jit3A_743 : i32
      %ne3A_761 = arith.constant 0 : i32
      %ne3A_762 = arith.cmpi ne, %rem3A_760, %ne3A_761 : i32
      %and3A_763 = arith.andi %ne3A_759, %ne3A_762 : i1
      %sub3A_764 = arith.constant 1 : i32
      %sub3A_765 = arith.subi %div3A_744, %sub3A_764 : i32
      %select_n3A_766 = arith.select %and3A_763, %sub3A_765, %div3A_744 : i32
      %jit3A_767 = arith.constant 32 : i32
      %eq3A_768 = arith.constant 0 : i32
      %eq3A_769 = arith.cmpi eq, %jit3A_767, %eq3A_768 : i32
      %jit3A_770 = arith.constant 1 : i32
      %select_n3A_771 = arith.select %eq3A_769, %jit3A_770, %jit3A_767 : i32
      %rem3A_772 = arith.remsi %add3A_742, %select_n3A_771 : i32
      %ne3A_773 = arith.constant 0 : i32
      %ne3A_774 = arith.cmpi ne, %rem3A_772, %ne3A_773 : i32
      %lt3A_775 = arith.constant 0 : i32
      %lt3A_776 = arith.cmpi slt, %rem3A_772, %lt3A_775 : i32
      %lt3A_777 = arith.constant 0 : i32
      %lt3A_778 = arith.cmpi slt, %select_n3A_771, %lt3A_777 : i32
      %ne3A_779 = arith.xori %lt3A_776, %lt3A_778 : i1
      %and3A_780 = arith.andi %ne3A_779, %ne3A_774 : i1
      %add3A_781 = arith.addi %rem3A_772, %select_n3A_771 : i32
      %select_n3A_782 = arith.select %and3A_780, %add3A_781, %rem3A_772 : i32
      %dma_start3A_783 = arith.constant 4 : i32
      %dma_start3A_784 = arith.constant 0 : i32
      %dma_start3A_785 = tpu.memref_slice %arg4[%select_n3A_766, %dma_start3A_783, %select_n3A_782, %dma_start3A_784] : memref<200x8x32x1024xf32, #tpu.memory_space<hbm>> -> memref<1x2x1x1024xf32, #tpu.memory_space<hbm>>
      %dma_start3A_786 = tpu.memref_squeeze %dma_start3A_785 : memref<1x2x1x1024xf32, #tpu.memory_space<hbm>> -> memref<2x1024xf32, #tpu.memory_space<hbm>>
      %dma_start3A_787 = arith.constant 4 : i32
      %dma_start3A_788 = arith.constant 0 : i32
      %dma_start3A_789 = tpu.memref_slice %arg4[%select_n3A_766, %dma_start3A_787, %select_n3A_782, %dma_start3A_788] : memref<200x8x32x1024xf32, #tpu.memory_space<hbm>> -> memref<1x2x1x1024xf32, #tpu.memory_space<hbm>>
      %dma_start3A_790 = tpu.memref_squeeze %dma_start3A_789 : memref<1x2x1x1024xf32, #tpu.memory_space<hbm>> -> memref<2x1024xf32, #tpu.memory_space<hbm>>
      tpu.enqueue_dma source(%arg11 : memref<2x1024xf32, #tpu.memory_space<vmem>>) target(%dma_start3A_790 : memref<2x1024xf32, #tpu.memory_space<hbm>>) target_semaphore(%arg21 : memref<!tpu.dma_semaphore, #tpu.memory_space<semaphore_mem>>)
      %add3A_791 = arith.addi %mul3A_2, %mul3A_604 : i32
      %jit3A_792 = arith.constant 32 : i32
      %div3A_793 = arith.divsi %add3A_791, %jit3A_792 : i32
      %sign3A_794 = arith.constant 0 : i32
      %sign3A_795 = arith.cmpi sgt, %add3A_791, %sign3A_794 : i32
      %sign3A_796 = arith.extui %sign3A_795 : i1 to i32
      %sign3A_797 = arith.constant 0 : i32
      %sign3A_798 = arith.cmpi slt, %add3A_791, %sign3A_797 : i32
      %sign3A_799 = arith.extui %sign3A_798 : i1 to i32
      %sign3A_800 = arith.subi %sign3A_796, %sign3A_799 : i32
      %sign3A_801 = arith.constant 0 : i32
      %sign3A_802 = arith.cmpi sgt, %jit3A_792, %sign3A_801 : i32
      %sign3A_803 = arith.extui %sign3A_802 : i1 to i32
      %sign3A_804 = arith.constant 0 : i32
      %sign3A_805 = arith.cmpi slt, %jit3A_792, %sign3A_804 : i32
      %sign3A_806 = arith.extui %sign3A_805 : i1 to i32
      %sign3A_807 = arith.subi %sign3A_803, %sign3A_806 : i32
      %ne3A_808 = arith.cmpi ne, %sign3A_800, %sign3A_807 : i32
      %rem3A_809 = arith.remsi %add3A_791, %jit3A_792 : i32
      %ne3A_810 = arith.constant 0 : i32
      %ne3A_811 = arith.cmpi ne, %rem3A_809, %ne3A_810 : i32
      %and3A_812 = arith.andi %ne3A_808, %ne3A_811 : i1
      %sub3A_813 = arith.constant 1 : i32
      %sub3A_814 = arith.subi %div3A_793, %sub3A_813 : i32
      %select_n3A_815 = arith.select %and3A_812, %sub3A_814, %div3A_793 : i32
      %jit3A_816 = arith.constant 32 : i32
      %eq3A_817 = arith.constant 0 : i32
      %eq3A_818 = arith.cmpi eq, %jit3A_816, %eq3A_817 : i32
      %jit3A_819 = arith.constant 1 : i32
      %select_n3A_820 = arith.select %eq3A_818, %jit3A_819, %jit3A_816 : i32
      %rem3A_821 = arith.remsi %add3A_791, %select_n3A_820 : i32
      %ne3A_822 = arith.constant 0 : i32
      %ne3A_823 = arith.cmpi ne, %rem3A_821, %ne3A_822 : i32
      %lt3A_824 = arith.constant 0 : i32
      %lt3A_825 = arith.cmpi slt, %rem3A_821, %lt3A_824 : i32
      %lt3A_826 = arith.constant 0 : i32
      %lt3A_827 = arith.cmpi slt, %select_n3A_820, %lt3A_826 : i32
      %ne3A_828 = arith.xori %lt3A_825, %lt3A_827 : i1
      %and3A_829 = arith.andi %ne3A_828, %ne3A_823 : i1
      %add3A_830 = arith.addi %rem3A_821, %select_n3A_820 : i32
      %select_n3A_831 = arith.select %and3A_829, %add3A_830, %rem3A_821 : i32
      %dma_start3A_832 = arith.constant 6 : i32
      %dma_start3A_833 = arith.constant 0 : i32
      %dma_start3A_834 = tpu.memref_slice %arg4[%select_n3A_815, %dma_start3A_832, %select_n3A_831, %dma_start3A_833] : memref<200x8x32x1024xf32, #tpu.memory_space<hbm>> -> memref<1x2x1x1024xf32, #tpu.memory_space<hbm>>
      %dma_start3A_835 = tpu.memref_squeeze %dma_start3A_834 : memref<1x2x1x1024xf32, #tpu.memory_space<hbm>> -> memref<2x1024xf32, #tpu.memory_space<hbm>>
      %dma_start3A_836 = arith.constant 6 : i32
      %dma_start3A_837 = arith.constant 0 : i32
      %dma_start3A_838 = tpu.memref_slice %arg4[%select_n3A_815, %dma_start3A_836, %select_n3A_831, %dma_start3A_837] : memref<200x8x32x1024xf32, #tpu.memory_space<hbm>> -> memref<1x2x1x1024xf32, #tpu.memory_space<hbm>>
      %dma_start3A_839 = tpu.memref_squeeze %dma_start3A_838 : memref<1x2x1x1024xf32, #tpu.memory_space<hbm>> -> memref<2x1024xf32, #tpu.memory_space<hbm>>
      tpu.enqueue_dma source(%arg12 : memref<2x1024xf32, #tpu.memory_space<vmem>>) target(%dma_start3A_839 : memref<2x1024xf32, #tpu.memory_space<hbm>>) target_semaphore(%arg21 : memref<!tpu.dma_semaphore, #tpu.memory_space<semaphore_mem>>)
      %mul3A_840 = arith.constant 2 : i32
      %mul3A_841 = arith.muli %scan3A_602, %mul3A_840 : i32
      %add3A_842 = arith.constant 1 : i32
      %add3A_843 = arith.addi %mul3A_841, %add3A_842 : i32
      %dma_wait3A_844 = arith.constant 0 : i32
      %dma_wait3A_845 = arith.constant 0 : i32
      %dma_wait3A_846 = tpu.memref_slice %arg2[%dma_wait3A_844, %dma_wait3A_845] : memref<1000000x64xf32, #tpu.memory_space<hbm>> -> memref<1000000x64xf32, #tpu.memory_space<hbm>>
      tpu.wait_indirect_dma semaphore(%arg20 : memref<!tpu.dma_semaphore, #tpu.memory_space<semaphore_mem>>) src(%dma_wait3A_846 : memref<1000000x64xf32, #tpu.memory_space<hbm>>) dst(%arg8 : memref<128x64xf32, #tpu.memory_space<vmem>>)
      %add3A_847 = arith.constant 2 : i32
      %add3A_848 = arith.addi %add3A_843, %add3A_847 : i32
      %lt3A_849 = arith.constant 200 : i32
      %lt3A_850 = arith.cmpi slt, %add3A_848, %lt3A_849 : i32
      %convert_element_type3A_851 = arith.extui %lt3A_850 : i1 to i32
      %cond3A_852 = arith.constant 0 : i32
      %cond3A_853 = arith.cmpi ne, %convert_element_type3A_851, %cond3A_852 : i32
      scf.if %cond3A_853 {
        %add3A_1087 = arith.constant 2 : i32
        %add3A_1088 = arith.addi %add3A_843, %add3A_1087 : i32
        %add3A_1089 = arith.addi %mul3A_2, %add3A_1088 : i32
        %jit3A_1090 = arith.constant 32 : i32
        %div3A_1091 = arith.divsi %add3A_1089, %jit3A_1090 : i32
        %sign3A_1092 = arith.constant 0 : i32
        %sign3A_1093 = arith.cmpi sgt, %add3A_1089, %sign3A_1092 : i32
        %sign3A_1094 = arith.extui %sign3A_1093 : i1 to i32
        %sign3A_1095 = arith.constant 0 : i32
        %sign3A_1096 = arith.cmpi slt, %add3A_1089, %sign3A_1095 : i32
        %sign3A_1097 = arith.extui %sign3A_1096 : i1 to i32
        %sign3A_1098 = arith.subi %sign3A_1094, %sign3A_1097 : i32
        %sign3A_1099 = arith.constant 0 : i32
        %sign3A_1100 = arith.cmpi sgt, %jit3A_1090, %sign3A_1099 : i32
        %sign3A_1101 = arith.extui %sign3A_1100 : i1 to i32
        %sign3A_1102 = arith.constant 0 : i32
        %sign3A_1103 = arith.cmpi slt, %jit3A_1090, %sign3A_1102 : i32
        %sign3A_1104 = arith.extui %sign3A_1103 : i1 to i32
        %sign3A_1105 = arith.subi %sign3A_1101, %sign3A_1104 : i32
        %ne3A_1106 = arith.cmpi ne, %sign3A_1098, %sign3A_1105 : i32
        %rem3A_1107 = arith.remsi %add3A_1089, %jit3A_1090 : i32
        %ne3A_1108 = arith.constant 0 : i32
        %ne3A_1109 = arith.cmpi ne, %rem3A_1107, %ne3A_1108 : i32
        %and3A_1110 = arith.andi %ne3A_1106, %ne3A_1109 : i1
        %sub3A_1111 = arith.constant 1 : i32
        %sub3A_1112 = arith.subi %div3A_1091, %sub3A_1111 : i32
        %select_n3A_1113 = arith.select %and3A_1110, %sub3A_1112, %div3A_1091 : i32
        %jit3A_1114 = arith.constant 32 : i32
        %eq3A_1115 = arith.constant 0 : i32
        %eq3A_1116 = arith.cmpi eq, %jit3A_1114, %eq3A_1115 : i32
        %jit3A_1117 = arith.constant 1 : i32
        %select_n3A_1118 = arith.select %eq3A_1116, %jit3A_1117, %jit3A_1114 : i32
        %rem3A_1119 = arith.remsi %add3A_1089, %select_n3A_1118 : i32
        %ne3A_1120 = arith.constant 0 : i32
        %ne3A_1121 = arith.cmpi ne, %rem3A_1119, %ne3A_1120 : i32
        %lt3A_1122 = arith.constant 0 : i32
        %lt3A_1123 = arith.cmpi slt, %rem3A_1119, %lt3A_1122 : i32
        %lt3A_1124 = arith.constant 0 : i32
        %lt3A_1125 = arith.cmpi slt, %select_n3A_1118, %lt3A_1124 : i32
        %ne3A_1126 = arith.xori %lt3A_1123, %lt3A_1125 : i1
        %and3A_1127 = arith.andi %ne3A_1126, %ne3A_1121 : i1
        %add3A_1128 = arith.addi %rem3A_1119, %select_n3A_1118 : i32
        %select_n3A_1129 = arith.select %and3A_1127, %add3A_1128, %rem3A_1119 : i32
        %mul3A_1130 = arith.constant 4096 : i32
        %mul3A_1131 = arith.muli %select_n3A_1113, %mul3A_1130 : i32
        %mul3A_1132 = arith.constant 128 : i32
        %mul3A_1133 = arith.muli %select_n3A_1129, %mul3A_1132 : i32
        %add3A_1134 = arith.addi %mul3A_1131, %mul3A_1133 : i32
        %dma_start3A_1135 = tpu.memref_slice %arg3[%add3A_1134] : memref<819200xi32, #tpu.memory_space<hbm>> -> memref<128xi32, #tpu.memory_space<hbm>>
        %dma_start3A_1136 = tpu.memref_slice %arg3[%add3A_1134] : memref<819200xi32, #tpu.memory_space<hbm>> -> memref<128xi32, #tpu.memory_space<hbm>>
        tpu.enqueue_dma source(%dma_start3A_1136 : memref<128xi32, #tpu.memory_space<hbm>>) target(%arg6 : memref<128xi32, #tpu.memory_space<vmem>>) target_semaphore(%arg18 : memref<!tpu.dma_semaphore, #tpu.memory_space<semaphore_mem>>)
      } else {
      }
      %add3A_854 = arith.constant 1 : i32
      %add3A_855 = arith.addi %add3A_843, %add3A_854 : i32
      %lt3A_856 = arith.constant 200 : i32
      %lt3A_857 = arith.cmpi slt, %add3A_855, %lt3A_856 : i32
      %convert_element_type3A_858 = arith.extui %lt3A_857 : i1 to i32
      %cond3A_859 = arith.constant 0 : i32
      %cond3A_860 = arith.cmpi ne, %convert_element_type3A_858, %cond3A_859 : i32
      scf.if %cond3A_860 {
        %add3A_1087 = arith.constant 1 : i32
        %add3A_1088 = arith.addi %add3A_843, %add3A_1087 : i32
        %add3A_1089 = arith.addi %mul3A_2, %add3A_1088 : i32
        %jit3A_1090 = arith.constant 32 : i32
        %div3A_1091 = arith.divsi %add3A_1089, %jit3A_1090 : i32
        %sign3A_1092 = arith.constant 0 : i32
        %sign3A_1093 = arith.cmpi sgt, %add3A_1089, %sign3A_1092 : i32
        %sign3A_1094 = arith.extui %sign3A_1093 : i1 to i32
        %sign3A_1095 = arith.constant 0 : i32
        %sign3A_1096 = arith.cmpi slt, %add3A_1089, %sign3A_1095 : i32
        %sign3A_1097 = arith.extui %sign3A_1096 : i1 to i32
        %sign3A_1098 = arith.subi %sign3A_1094, %sign3A_1097 : i32
        %sign3A_1099 = arith.constant 0 : i32
        %sign3A_1100 = arith.cmpi sgt, %jit3A_1090, %sign3A_1099 : i32
        %sign3A_1101 = arith.extui %sign3A_1100 : i1 to i32
        %sign3A_1102 = arith.constant 0 : i32
        %sign3A_1103 = arith.cmpi slt, %jit3A_1090, %sign3A_1102 : i32
        %sign3A_1104 = arith.extui %sign3A_1103 : i1 to i32
        %sign3A_1105 = arith.subi %sign3A_1101, %sign3A_1104 : i32
        %ne3A_1106 = arith.cmpi ne, %sign3A_1098, %sign3A_1105 : i32
        %rem3A_1107 = arith.remsi %add3A_1089, %jit3A_1090 : i32
        %ne3A_1108 = arith.constant 0 : i32
        %ne3A_1109 = arith.cmpi ne, %rem3A_1107, %ne3A_1108 : i32
        %and3A_1110 = arith.andi %ne3A_1106, %ne3A_1109 : i1
        %sub3A_1111 = arith.constant 1 : i32
        %sub3A_1112 = arith.subi %div3A_1091, %sub3A_1111 : i32
        %select_n3A_1113 = arith.select %and3A_1110, %sub3A_1112, %div3A_1091 : i32
        %jit3A_1114 = arith.constant 32 : i32
        %eq3A_1115 = arith.constant 0 : i32
        %eq3A_1116 = arith.cmpi eq, %jit3A_1114, %eq3A_1115 : i32
        %jit3A_1117 = arith.constant 1 : i32
        %select_n3A_1118 = arith.select %eq3A_1116, %jit3A_1117, %jit3A_1114 : i32
        %rem3A_1119 = arith.remsi %add3A_1089, %select_n3A_1118 : i32
        %ne3A_1120 = arith.constant 0 : i32
        %ne3A_1121 = arith.cmpi ne, %rem3A_1119, %ne3A_1120 : i32
        %lt3A_1122 = arith.constant 0 : i32
        %lt3A_1123 = arith.cmpi slt, %rem3A_1119, %lt3A_1122 : i32
        %lt3A_1124 = arith.constant 0 : i32
        %lt3A_1125 = arith.cmpi slt, %select_n3A_1118, %lt3A_1124 : i32
        %ne3A_1126 = arith.xori %lt3A_1123, %lt3A_1125 : i1
        %and3A_1127 = arith.andi %ne3A_1126, %ne3A_1121 : i1
        %add3A_1128 = arith.addi %rem3A_1119, %select_n3A_1118 : i32
        %select_n3A_1129 = arith.select %and3A_1127, %add3A_1128, %rem3A_1119 : i32
        %mul3A_1130 = arith.constant 4096 : i32
        %mul3A_1131 = arith.muli %select_n3A_1113, %mul3A_1130 : i32
        %mul3A_1132 = arith.constant 128 : i32
        %mul3A_1133 = arith.muli %select_n3A_1129, %mul3A_1132 : i32
        %add3A_1134 = arith.addi %mul3A_1131, %mul3A_1133 : i32
        %dma_wait3A_1135 = tpu.memref_slice %arg3[%add3A_1134] : memref<819200xi32, #tpu.memory_space<hbm>> -> memref<128xi32, #tpu.memory_space<hbm>>
        %dma_wait3A_1136 = tpu.memref_slice %arg3[%add3A_1134] : memref<819200xi32, #tpu.memory_space<hbm>> -> memref<128xi32, #tpu.memory_space<hbm>>
        tpu.wait_dma2 semaphore(%arg17 : memref<!tpu.dma_semaphore, #tpu.memory_space<semaphore_mem>>) src(%dma_wait3A_1136 : memref<128xi32, #tpu.memory_space<hbm>>) dst(%arg5 : memref<128xi32, #tpu.memory_space<vmem>>)
        %dma_start3A_1137 = arith.constant 0 : i32
        %dma_start3A_1138 = arith.constant 0 : i32
        %dma_start3A_1139 = tpu.memref_slice %arg2[%dma_start3A_1137, %dma_start3A_1138] : memref<1000000x64xf32, #tpu.memory_space<hbm>> -> memref<1000000x64xf32, #tpu.memory_space<hbm>>
        tpu.enqueue_indirect_dma source(%dma_start3A_1139 : memref<1000000x64xf32, #tpu.memory_space<hbm>>) target(%arg7 : memref<128x64xf32, #tpu.memory_space<vmem>>) offsets(%arg5 : memref<128xi32, #tpu.memory_space<vmem>>) semaphore(%arg19 : memref<!tpu.dma_semaphore, #tpu.memory_space<semaphore_mem>>)
      } else {
      }
      %ge3A_861 = arith.constant 2 : i32
      %ge3A_862 = arith.cmpi sge, %add3A_843, %ge3A_861 : i32
      %convert_element_type3A_863 = arith.extui %ge3A_862 : i1 to i32
      %cond3A_864 = arith.constant 0 : i32
      %cond3A_865 = arith.cmpi ne, %convert_element_type3A_863, %cond3A_864 : i32
      scf.if %cond3A_865 {
        %sub3A_1087 = arith.constant 2 : i32
        %sub3A_1088 = arith.subi %add3A_843, %sub3A_1087 : i32
        %add3A_1089 = arith.addi %mul3A_2, %sub3A_1088 : i32
        %jit3A_1090 = arith.constant 32 : i32
        %div3A_1091 = arith.divsi %add3A_1089, %jit3A_1090 : i32
        %sign3A_1092 = arith.constant 0 : i32
        %sign3A_1093 = arith.cmpi sgt, %add3A_1089, %sign3A_1092 : i32
        %sign3A_1094 = arith.extui %sign3A_1093 : i1 to i32
        %sign3A_1095 = arith.constant 0 : i32
        %sign3A_1096 = arith.cmpi slt, %add3A_1089, %sign3A_1095 : i32
        %sign3A_1097 = arith.extui %sign3A_1096 : i1 to i32
        %sign3A_1098 = arith.subi %sign3A_1094, %sign3A_1097 : i32
        %sign3A_1099 = arith.constant 0 : i32
        %sign3A_1100 = arith.cmpi sgt, %jit3A_1090, %sign3A_1099 : i32
        %sign3A_1101 = arith.extui %sign3A_1100 : i1 to i32
        %sign3A_1102 = arith.constant 0 : i32
        %sign3A_1103 = arith.cmpi slt, %jit3A_1090, %sign3A_1102 : i32
        %sign3A_1104 = arith.extui %sign3A_1103 : i1 to i32
        %sign3A_1105 = arith.subi %sign3A_1101, %sign3A_1104 : i32
        %ne3A_1106 = arith.cmpi ne, %sign3A_1098, %sign3A_1105 : i32
        %rem3A_1107 = arith.remsi %add3A_1089, %jit3A_1090 : i32
        %ne3A_1108 = arith.constant 0 : i32
        %ne3A_1109 = arith.cmpi ne, %rem3A_1107, %ne3A_1108 : i32
        %and3A_1110 = arith.andi %ne3A_1106, %ne3A_1109 : i1
        %sub3A_1111 = arith.constant 1 : i32
        %sub3A_1112 = arith.subi %div3A_1091, %sub3A_1111 : i32
        %select_n3A_1113 = arith.select %and3A_1110, %sub3A_1112, %div3A_1091 : i32
        %jit3A_1114 = arith.constant 32 : i32
        %eq3A_1115 = arith.constant 0 : i32
        %eq3A_1116 = arith.cmpi eq, %jit3A_1114, %eq3A_1115 : i32
        %jit3A_1117 = arith.constant 1 : i32
        %select_n3A_1118 = arith.select %eq3A_1116, %jit3A_1117, %jit3A_1114 : i32
        %rem3A_1119 = arith.remsi %add3A_1089, %select_n3A_1118 : i32
        %ne3A_1120 = arith.constant 0 : i32
        %ne3A_1121 = arith.cmpi ne, %rem3A_1119, %ne3A_1120 : i32
        %lt3A_1122 = arith.constant 0 : i32
        %lt3A_1123 = arith.cmpi slt, %rem3A_1119, %lt3A_1122 : i32
        %lt3A_1124 = arith.constant 0 : i32
        %lt3A_1125 = arith.cmpi slt, %select_n3A_1118, %lt3A_1124 : i32
        %ne3A_1126 = arith.xori %lt3A_1123, %lt3A_1125 : i1
        %and3A_1127 = arith.andi %ne3A_1126, %ne3A_1121 : i1
        %add3A_1128 = arith.addi %rem3A_1119, %select_n3A_1118 : i32
        %select_n3A_1129 = arith.select %and3A_1127, %add3A_1128, %rem3A_1119 : i32
        %dma_wait3A_1130 = arith.constant 0 : i32
        %dma_wait3A_1131 = arith.constant 0 : i32
        %dma_wait3A_1132 = tpu.memref_slice %arg4[%select_n3A_1113, %dma_wait3A_1130, %select_n3A_1129, %dma_wait3A_1131] : memref<200x8x32x1024xf32, #tpu.memory_space<hbm>> -> memref<1x2x1x1024xf32, #tpu.memory_space<hbm>>
        %dma_wait3A_1133 = tpu.memref_squeeze %dma_wait3A_1132 : memref<1x2x1x1024xf32, #tpu.memory_space<hbm>> -> memref<2x1024xf32, #tpu.memory_space<hbm>>
        %dma_wait3A_1134 = arith.constant 0 : i32
        %dma_wait3A_1135 = arith.constant 0 : i32
        %dma_wait3A_1136 = tpu.memref_slice %arg4[%select_n3A_1113, %dma_wait3A_1134, %select_n3A_1129, %dma_wait3A_1135] : memref<200x8x32x1024xf32, #tpu.memory_space<hbm>> -> memref<1x2x1x1024xf32, #tpu.memory_space<hbm>>
        %dma_wait3A_1137 = tpu.memref_squeeze %dma_wait3A_1136 : memref<1x2x1x1024xf32, #tpu.memory_space<hbm>> -> memref<2x1024xf32, #tpu.memory_space<hbm>>
        tpu.wait_dma2 semaphore(%arg22 : memref<!tpu.dma_semaphore, #tpu.memory_space<semaphore_mem>>) src(%arg13 : memref<2x1024xf32, #tpu.memory_space<vmem>>) dst(%dma_wait3A_1137 : memref<2x1024xf32, #tpu.memory_space<hbm>>)
        %add3A_1138 = arith.addi %mul3A_2, %sub3A_1088 : i32
        %jit3A_1139 = arith.constant 32 : i32
        %div3A_1140 = arith.divsi %add3A_1138, %jit3A_1139 : i32
        %sign3A_1141 = arith.constant 0 : i32
        %sign3A_1142 = arith.cmpi sgt, %add3A_1138, %sign3A_1141 : i32
        %sign3A_1143 = arith.extui %sign3A_1142 : i1 to i32
        %sign3A_1144 = arith.constant 0 : i32
        %sign3A_1145 = arith.cmpi slt, %add3A_1138, %sign3A_1144 : i32
        %sign3A_1146 = arith.extui %sign3A_1145 : i1 to i32
        %sign3A_1147 = arith.subi %sign3A_1143, %sign3A_1146 : i32
        %sign3A_1148 = arith.constant 0 : i32
        %sign3A_1149 = arith.cmpi sgt, %jit3A_1139, %sign3A_1148 : i32
        %sign3A_1150 = arith.extui %sign3A_1149 : i1 to i32
        %sign3A_1151 = arith.constant 0 : i32
        %sign3A_1152 = arith.cmpi slt, %jit3A_1139, %sign3A_1151 : i32
        %sign3A_1153 = arith.extui %sign3A_1152 : i1 to i32
        %sign3A_1154 = arith.subi %sign3A_1150, %sign3A_1153 : i32
        %ne3A_1155 = arith.cmpi ne, %sign3A_1147, %sign3A_1154 : i32
        %rem3A_1156 = arith.remsi %add3A_1138, %jit3A_1139 : i32
        %ne3A_1157 = arith.constant 0 : i32
        %ne3A_1158 = arith.cmpi ne, %rem3A_1156, %ne3A_1157 : i32
        %and3A_1159 = arith.andi %ne3A_1155, %ne3A_1158 : i1
        %sub3A_1160 = arith.constant 1 : i32
        %sub3A_1161 = arith.subi %div3A_1140, %sub3A_1160 : i32
        %select_n3A_1162 = arith.select %and3A_1159, %sub3A_1161, %div3A_1140 : i32
        %jit3A_1163 = arith.constant 32 : i32
        %eq3A_1164 = arith.constant 0 : i32
        %eq3A_1165 = arith.cmpi eq, %jit3A_1163, %eq3A_1164 : i32
        %jit3A_1166 = arith.constant 1 : i32
        %select_n3A_1167 = arith.select %eq3A_1165, %jit3A_1166, %jit3A_1163 : i32
        %rem3A_1168 = arith.remsi %add3A_1138, %select_n3A_1167 : i32
        %ne3A_1169 = arith.constant 0 : i32
        %ne3A_1170 = arith.cmpi ne, %rem3A_1168, %ne3A_1169 : i32
        %lt3A_1171 = arith.constant 0 : i32
        %lt3A_1172 = arith.cmpi slt, %rem3A_1168, %lt3A_1171 : i32
        %lt3A_1173 = arith.constant 0 : i32
        %lt3A_1174 = arith.cmpi slt, %select_n3A_1167, %lt3A_1173 : i32
        %ne3A_1175 = arith.xori %lt3A_1172, %lt3A_1174 : i1
        %and3A_1176 = arith.andi %ne3A_1175, %ne3A_1170 : i1
        %add3A_1177 = arith.addi %rem3A_1168, %select_n3A_1167 : i32
        %select_n3A_1178 = arith.select %and3A_1176, %add3A_1177, %rem3A_1168 : i32
        %dma_wait3A_1179 = arith.constant 2 : i32
        %dma_wait3A_1180 = arith.constant 0 : i32
        %dma_wait3A_1181 = tpu.memref_slice %arg4[%select_n3A_1162, %dma_wait3A_1179, %select_n3A_1178, %dma_wait3A_1180] : memref<200x8x32x1024xf32, #tpu.memory_space<hbm>> -> memref<1x2x1x1024xf32, #tpu.memory_space<hbm>>
        %dma_wait3A_1182 = tpu.memref_squeeze %dma_wait3A_1181 : memref<1x2x1x1024xf32, #tpu.memory_space<hbm>> -> memref<2x1024xf32, #tpu.memory_space<hbm>>
        %dma_wait3A_1183 = arith.constant 2 : i32
        %dma_wait3A_1184 = arith.constant 0 : i32
        %dma_wait3A_1185 = tpu.memref_slice %arg4[%select_n3A_1162, %dma_wait3A_1183, %select_n3A_1178, %dma_wait3A_1184] : memref<200x8x32x1024xf32, #tpu.memory_space<hbm>> -> memref<1x2x1x1024xf32, #tpu.memory_space<hbm>>
        %dma_wait3A_1186 = tpu.memref_squeeze %dma_wait3A_1185 : memref<1x2x1x1024xf32, #tpu.memory_space<hbm>> -> memref<2x1024xf32, #tpu.memory_space<hbm>>
        tpu.wait_dma2 semaphore(%arg22 : memref<!tpu.dma_semaphore, #tpu.memory_space<semaphore_mem>>) src(%arg14 : memref<2x1024xf32, #tpu.memory_space<vmem>>) dst(%dma_wait3A_1186 : memref<2x1024xf32, #tpu.memory_space<hbm>>)
        %add3A_1187 = arith.addi %mul3A_2, %sub3A_1088 : i32
        %jit3A_1188 = arith.constant 32 : i32
        %div3A_1189 = arith.divsi %add3A_1187, %jit3A_1188 : i32
        %sign3A_1190 = arith.constant 0 : i32
        %sign3A_1191 = arith.cmpi sgt, %add3A_1187, %sign3A_1190 : i32
        %sign3A_1192 = arith.extui %sign3A_1191 : i1 to i32
        %sign3A_1193 = arith.constant 0 : i32
        %sign3A_1194 = arith.cmpi slt, %add3A_1187, %sign3A_1193 : i32
        %sign3A_1195 = arith.extui %sign3A_1194 : i1 to i32
        %sign3A_1196 = arith.subi %sign3A_1192, %sign3A_1195 : i32
        %sign3A_1197 = arith.constant 0 : i32
        %sign3A_1198 = arith.cmpi sgt, %jit3A_1188, %sign3A_1197 : i32
        %sign3A_1199 = arith.extui %sign3A_1198 : i1 to i32
        %sign3A_1200 = arith.constant 0 : i32
        %sign3A_1201 = arith.cmpi slt, %jit3A_1188, %sign3A_1200 : i32
        %sign3A_1202 = arith.extui %sign3A_1201 : i1 to i32
        %sign3A_1203 = arith.subi %sign3A_1199, %sign3A_1202 : i32
        %ne3A_1204 = arith.cmpi ne, %sign3A_1196, %sign3A_1203 : i32
        %rem3A_1205 = arith.remsi %add3A_1187, %jit3A_1188 : i32
        %ne3A_1206 = arith.constant 0 : i32
        %ne3A_1207 = arith.cmpi ne, %rem3A_1205, %ne3A_1206 : i32
        %and3A_1208 = arith.andi %ne3A_1204, %ne3A_1207 : i1
        %sub3A_1209 = arith.constant 1 : i32
        %sub3A_1210 = arith.subi %div3A_1189, %sub3A_1209 : i32
        %select_n3A_1211 = arith.select %and3A_1208, %sub3A_1210, %div3A_1189 : i32
        %jit3A_1212 = arith.constant 32 : i32
        %eq3A_1213 = arith.constant 0 : i32
        %eq3A_1214 = arith.cmpi eq, %jit3A_1212, %eq3A_1213 : i32
        %jit3A_1215 = arith.constant 1 : i32
        %select_n3A_1216 = arith.select %eq3A_1214, %jit3A_1215, %jit3A_1212 : i32
        %rem3A_1217 = arith.remsi %add3A_1187, %select_n3A_1216 : i32
        %ne3A_1218 = arith.constant 0 : i32
        %ne3A_1219 = arith.cmpi ne, %rem3A_1217, %ne3A_1218 : i32
        %lt3A_1220 = arith.constant 0 : i32
        %lt3A_1221 = arith.cmpi slt, %rem3A_1217, %lt3A_1220 : i32
        %lt3A_1222 = arith.constant 0 : i32
        %lt3A_1223 = arith.cmpi slt, %select_n3A_1216, %lt3A_1222 : i32
        %ne3A_1224 = arith.xori %lt3A_1221, %lt3A_1223 : i1
        %and3A_1225 = arith.andi %ne3A_1224, %ne3A_1219 : i1
        %add3A_1226 = arith.addi %rem3A_1217, %select_n3A_1216 : i32
        %select_n3A_1227 = arith.select %and3A_1225, %add3A_1226, %rem3A_1217 : i32
        %dma_wait3A_1228 = arith.constant 4 : i32
        %dma_wait3A_1229 = arith.constant 0 : i32
        %dma_wait3A_1230 = tpu.memref_slice %arg4[%select_n3A_1211, %dma_wait3A_1228, %select_n3A_1227, %dma_wait3A_1229] : memref<200x8x32x1024xf32, #tpu.memory_space<hbm>> -> memref<1x2x1x1024xf32, #tpu.memory_space<hbm>>
        %dma_wait3A_1231 = tpu.memref_squeeze %dma_wait3A_1230 : memref<1x2x1x1024xf32, #tpu.memory_space<hbm>> -> memref<2x1024xf32, #tpu.memory_space<hbm>>
        %dma_wait3A_1232 = arith.constant 4 : i32
        %dma_wait3A_1233 = arith.constant 0 : i32
        %dma_wait3A_1234 = tpu.memref_slice %arg4[%select_n3A_1211, %dma_wait3A_1232, %select_n3A_1227, %dma_wait3A_1233] : memref<200x8x32x1024xf32, #tpu.memory_space<hbm>> -> memref<1x2x1x1024xf32, #tpu.memory_space<hbm>>
        %dma_wait3A_1235 = tpu.memref_squeeze %dma_wait3A_1234 : memref<1x2x1x1024xf32, #tpu.memory_space<hbm>> -> memref<2x1024xf32, #tpu.memory_space<hbm>>
        tpu.wait_dma2 semaphore(%arg22 : memref<!tpu.dma_semaphore, #tpu.memory_space<semaphore_mem>>) src(%arg15 : memref<2x1024xf32, #tpu.memory_space<vmem>>) dst(%dma_wait3A_1235 : memref<2x1024xf32, #tpu.memory_space<hbm>>)
        %add3A_1236 = arith.addi %mul3A_2, %sub3A_1088 : i32
        %jit3A_1237 = arith.constant 32 : i32
        %div3A_1238 = arith.divsi %add3A_1236, %jit3A_1237 : i32
        %sign3A_1239 = arith.constant 0 : i32
        %sign3A_1240 = arith.cmpi sgt, %add3A_1236, %sign3A_1239 : i32
        %sign3A_1241 = arith.extui %sign3A_1240 : i1 to i32
        %sign3A_1242 = arith.constant 0 : i32
        %sign3A_1243 = arith.cmpi slt, %add3A_1236, %sign3A_1242 : i32
        %sign3A_1244 = arith.extui %sign3A_1243 : i1 to i32
        %sign3A_1245 = arith.subi %sign3A_1241, %sign3A_1244 : i32
        %sign3A_1246 = arith.constant 0 : i32
        %sign3A_1247 = arith.cmpi sgt, %jit3A_1237, %sign3A_1246 : i32
        %sign3A_1248 = arith.extui %sign3A_1247 : i1 to i32
        %sign3A_1249 = arith.constant 0 : i32
        %sign3A_1250 = arith.cmpi slt, %jit3A_1237, %sign3A_1249 : i32
        %sign3A_1251 = arith.extui %sign3A_1250 : i1 to i32
        %sign3A_1252 = arith.subi %sign3A_1248, %sign3A_1251 : i32
        %ne3A_1253 = arith.cmpi ne, %sign3A_1245, %sign3A_1252 : i32
        %rem3A_1254 = arith.remsi %add3A_1236, %jit3A_1237 : i32
        %ne3A_1255 = arith.constant 0 : i32
        %ne3A_1256 = arith.cmpi ne, %rem3A_1254, %ne3A_1255 : i32
        %and3A_1257 = arith.andi %ne3A_1253, %ne3A_1256 : i1
        %sub3A_1258 = arith.constant 1 : i32
        %sub3A_1259 = arith.subi %div3A_1238, %sub3A_1258 : i32
        %select_n3A_1260 = arith.select %and3A_1257, %sub3A_1259, %div3A_1238 : i32
        %jit3A_1261 = arith.constant 32 : i32
        %eq3A_1262 = arith.constant 0 : i32
        %eq3A_1263 = arith.cmpi eq, %jit3A_1261, %eq3A_1262 : i32
        %jit3A_1264 = arith.constant 1 : i32
        %select_n3A_1265 = arith.select %eq3A_1263, %jit3A_1264, %jit3A_1261 : i32
        %rem3A_1266 = arith.remsi %add3A_1236, %select_n3A_1265 : i32
        %ne3A_1267 = arith.constant 0 : i32
        %ne3A_1268 = arith.cmpi ne, %rem3A_1266, %ne3A_1267 : i32
        %lt3A_1269 = arith.constant 0 : i32
        %lt3A_1270 = arith.cmpi slt, %rem3A_1266, %lt3A_1269 : i32
        %lt3A_1271 = arith.constant 0 : i32
        %lt3A_1272 = arith.cmpi slt, %select_n3A_1265, %lt3A_1271 : i32
        %ne3A_1273 = arith.xori %lt3A_1270, %lt3A_1272 : i1
        %and3A_1274 = arith.andi %ne3A_1273, %ne3A_1268 : i1
        %add3A_1275 = arith.addi %rem3A_1266, %select_n3A_1265 : i32
        %select_n3A_1276 = arith.select %and3A_1274, %add3A_1275, %rem3A_1266 : i32
        %dma_wait3A_1277 = arith.constant 6 : i32
        %dma_wait3A_1278 = arith.constant 0 : i32
        %dma_wait3A_1279 = tpu.memref_slice %arg4[%select_n3A_1260, %dma_wait3A_1277, %select_n3A_1276, %dma_wait3A_1278] : memref<200x8x32x1024xf32, #tpu.memory_space<hbm>> -> memref<1x2x1x1024xf32, #tpu.memory_space<hbm>>
        %dma_wait3A_1280 = tpu.memref_squeeze %dma_wait3A_1279 : memref<1x2x1x1024xf32, #tpu.memory_space<hbm>> -> memref<2x1024xf32, #tpu.memory_space<hbm>>
        %dma_wait3A_1281 = arith.constant 6 : i32
        %dma_wait3A_1282 = arith.constant 0 : i32
        %dma_wait3A_1283 = tpu.memref_slice %arg4[%select_n3A_1260, %dma_wait3A_1281, %select_n3A_1276, %dma_wait3A_1282] : memref<200x8x32x1024xf32, #tpu.memory_space<hbm>> -> memref<1x2x1x1024xf32, #tpu.memory_space<hbm>>
        %dma_wait3A_1284 = tpu.memref_squeeze %dma_wait3A_1283 : memref<1x2x1x1024xf32, #tpu.memory_space<hbm>> -> memref<2x1024xf32, #tpu.memory_space<hbm>>
        tpu.wait_dma2 semaphore(%arg22 : memref<!tpu.dma_semaphore, #tpu.memory_space<semaphore_mem>>) src(%arg16 : memref<2x1024xf32, #tpu.memory_space<vmem>>) dst(%dma_wait3A_1284 : memref<2x1024xf32, #tpu.memory_space<hbm>>)
      } else {
      }
      %scan3A_866 = arith.constant 0 : i32
      %scan3A_867 = arith.constant 0 : i32
      %scan3A_868 = arith.constant 16 : i32
      %scan3A_869 = arith.addi %scan3A_867, %scan3A_868 : i32
      %scan3A_870 = arith.constant 1 : i32
      scf.for %scan3A_1087 = %scan3A_867 to %scan3A_869 step %scan3A_870  : i32 {
        %mul3A_1088 = arith.constant 8 : i32
        %mul3A_1089 = arith.muli %scan3A_1087, %mul3A_1088 : i32
        %add3A_1090 = arith.constant 0 : i32
        %add3A_1091 = arith.addi %mul3A_1089, %add3A_1090 : i32
        %add3A_1092 = vector.broadcast %add3A_1091 : i32 to vector<16xi32>
        %add3A_1093 = arith.addi %mul3A_48, %add3A_1092 : vector<16xi32>
        %get3A_1094 = arith.index_cast %add3A_1091 : i32 to index
        %get3A_1095 = arith.constant 0 : index
        %get3A_1096 = tpu.vector_load %arg8[%get3A_1094, %get3A_1095] {strides = array<i32>} : memref<128x64xf32, #tpu.memory_space<vmem>>, vector<16xf32>,
        tpu.vector_store_idx %arg13[%select_n3A, %add3A_1093], %get3A_1096 : memref<2x1024xf32, #tpu.memory_space<vmem>>[vector<16xi32>, vector<16xi32>], vector<16xf32>,
        %get3A_1097 = arith.index_cast %add3A_1091 : i32 to index
        %get3A_1098 = arith.constant 16 : index
        %get3A_1099 = tpu.vector_load %arg8[%get3A_1097, %get3A_1098] {strides = array<i32>} : memref<128x64xf32, #tpu.memory_space<vmem>>, vector<16xf32>,
        tpu.vector_store_idx %arg14[%select_n3A, %add3A_1093], %get3A_1099 : memref<2x1024xf32, #tpu.memory_space<vmem>>[vector<16xi32>, vector<16xi32>], vector<16xf32>,
        %get3A_1100 = arith.index_cast %add3A_1091 : i32 to index
        %get3A_1101 = arith.constant 32 : index
        %get3A_1102 = tpu.vector_load %arg8[%get3A_1100, %get3A_1101] {strides = array<i32>} : memref<128x64xf32, #tpu.memory_space<vmem>>, vector<16xf32>,
        tpu.vector_store_idx %arg15[%select_n3A, %add3A_1093], %get3A_1102 : memref<2x1024xf32, #tpu.memory_space<vmem>>[vector<16xi32>, vector<16xi32>], vector<16xf32>,
        %get3A_1103 = arith.index_cast %add3A_1091 : i32 to index
        %get3A_1104 = arith.constant 48 : index
        %get3A_1105 = tpu.vector_load %arg8[%get3A_1103, %get3A_1104] {strides = array<i32>} : memref<128x64xf32, #tpu.memory_space<vmem>>, vector<16xf32>,
        tpu.vector_store_idx %arg16[%select_n3A, %add3A_1093], %get3A_1105 : memref<2x1024xf32, #tpu.memory_space<vmem>>[vector<16xi32>, vector<16xi32>], vector<16xf32>,
        %add3A_1106 = arith.constant 1 : i32
        %add3A_1107 = arith.addi %mul3A_1089, %add3A_1106 : i32
        %add3A_1108 = vector.broadcast %add3A_1107 : i32 to vector<16xi32>
        %add3A_1109 = arith.addi %mul3A_48, %add3A_1108 : vector<16xi32>
        %get3A_1110 = arith.index_cast %add3A_1107 : i32 to index
        %get3A_1111 = arith.constant 0 : index
        %get3A_1112 = tpu.vector_load %arg8[%get3A_1110, %get3A_1111] {strides = array<i32>} : memref<128x64xf32, #tpu.memory_space<vmem>>, vector<16xf32>,
        tpu.vector_store_idx %arg13[%select_n3A, %add3A_1109], %get3A_1112 : memref<2x1024xf32, #tpu.memory_space<vmem>>[vector<16xi32>, vector<16xi32>], vector<16xf32>,
        %get3A_1113 = arith.index_cast %add3A_1107 : i32 to index
        %get3A_1114 = arith.constant 16 : index
        %get3A_1115 = tpu.vector_load %arg8[%get3A_1113, %get3A_1114] {strides = array<i32>} : memref<128x64xf32, #tpu.memory_space<vmem>>, vector<16xf32>,
        tpu.vector_store_idx %arg14[%select_n3A, %add3A_1109], %get3A_1115 : memref<2x1024xf32, #tpu.memory_space<vmem>>[vector<16xi32>, vector<16xi32>], vector<16xf32>,
        %get3A_1116 = arith.index_cast %add3A_1107 : i32 to index
        %get3A_1117 = arith.constant 32 : index
        %get3A_1118 = tpu.vector_load %arg8[%get3A_1116, %get3A_1117] {strides = array<i32>} : memref<128x64xf32, #tpu.memory_space<vmem>>, vector<16xf32>,
        tpu.vector_store_idx %arg15[%select_n3A, %add3A_1109], %get3A_1118 : memref<2x1024xf32, #tpu.memory_space<vmem>>[vector<16xi32>, vector<16xi32>], vector<16xf32>,
        %get3A_1119 = arith.index_cast %add3A_1107 : i32 to index
        %get3A_1120 = arith.constant 48 : index
        %get3A_1121 = tpu.vector_load %arg8[%get3A_1119, %get3A_1120] {strides = array<i32>} : memref<128x64xf32, #tpu.memory_space<vmem>>, vector<16xf32>,
        tpu.vector_store_idx %arg16[%select_n3A, %add3A_1109], %get3A_1121 : memref<2x1024xf32, #tpu.memory_space<vmem>>[vector<16xi32>, vector<16xi32>], vector<16xf32>,
        %add3A_1122 = arith.constant 2 : i32
        %add3A_1123 = arith.addi %mul3A_1089, %add3A_1122 : i32
        %add3A_1124 = vector.broadcast %add3A_1123 : i32 to vector<16xi32>
        %add3A_1125 = arith.addi %mul3A_48, %add3A_1124 : vector<16xi32>
        %get3A_1126 = arith.index_cast %add3A_1123 : i32 to index
        %get3A_1127 = arith.constant 0 : index
        %get3A_1128 = tpu.vector_load %arg8[%get3A_1126, %get3A_1127] {strides = array<i32>} : memref<128x64xf32, #tpu.memory_space<vmem>>, vector<16xf32>,
        tpu.vector_store_idx %arg13[%select_n3A, %add3A_1125], %get3A_1128 : memref<2x1024xf32, #tpu.memory_space<vmem>>[vector<16xi32>, vector<16xi32>], vector<16xf32>,
        %get3A_1129 = arith.index_cast %add3A_1123 : i32 to index
        %get3A_1130 = arith.constant 16 : index
        %get3A_1131 = tpu.vector_load %arg8[%get3A_1129, %get3A_1130] {strides = array<i32>} : memref<128x64xf32, #tpu.memory_space<vmem>>, vector<16xf32>,
        tpu.vector_store_idx %arg14[%select_n3A, %add3A_1125], %get3A_1131 : memref<2x1024xf32, #tpu.memory_space<vmem>>[vector<16xi32>, vector<16xi32>], vector<16xf32>,
        %get3A_1132 = arith.index_cast %add3A_1123 : i32 to index
        %get3A_1133 = arith.constant 32 : index
        %get3A_1134 = tpu.vector_load %arg8[%get3A_1132, %get3A_1133] {strides = array<i32>} : memref<128x64xf32, #tpu.memory_space<vmem>>, vector<16xf32>,
        tpu.vector_store_idx %arg15[%select_n3A, %add3A_1125], %get3A_1134 : memref<2x1024xf32, #tpu.memory_space<vmem>>[vector<16xi32>, vector<16xi32>], vector<16xf32>,
        %get3A_1135 = arith.index_cast %add3A_1123 : i32 to index
        %get3A_1136 = arith.constant 48 : index
        %get3A_1137 = tpu.vector_load %arg8[%get3A_1135, %get3A_1136] {strides = array<i32>} : memref<128x64xf32, #tpu.memory_space<vmem>>, vector<16xf32>,
        tpu.vector_store_idx %arg16[%select_n3A, %add3A_1125], %get3A_1137 : memref<2x1024xf32, #tpu.memory_space<vmem>>[vector<16xi32>, vector<16xi32>], vector<16xf32>,
        %add3A_1138 = arith.constant 3 : i32
        %add3A_1139 = arith.addi %mul3A_1089, %add3A_1138 : i32
        %add3A_1140 = vector.broadcast %add3A_1139 : i32 to vector<16xi32>
        %add3A_1141 = arith.addi %mul3A_48, %add3A_1140 : vector<16xi32>
        %get3A_1142 = arith.index_cast %add3A_1139 : i32 to index
        %get3A_1143 = arith.constant 0 : index
        %get3A_1144 = tpu.vector_load %arg8[%get3A_1142, %get3A_1143] {strides = array<i32>} : memref<128x64xf32, #tpu.memory_space<vmem>>, vector<16xf32>,
        tpu.vector_store_idx %arg13[%select_n3A, %add3A_1141], %get3A_1144 : memref<2x1024xf32, #tpu.memory_space<vmem>>[vector<16xi32>, vector<16xi32>], vector<16xf32>,
        %get3A_1145 = arith.index_cast %add3A_1139 : i32 to index
        %get3A_1146 = arith.constant 16 : index
        %get3A_1147 = tpu.vector_load %arg8[%get3A_1145, %get3A_1146] {strides = array<i32>} : memref<128x64xf32, #tpu.memory_space<vmem>>, vector<16xf32>,
        tpu.vector_store_idx %arg14[%select_n3A, %add3A_1141], %get3A_1147 : memref<2x1024xf32, #tpu.memory_space<vmem>>[vector<16xi32>, vector<16xi32>], vector<16xf32>,
        %get3A_1148 = arith.index_cast %add3A_1139 : i32 to index
        %get3A_1149 = arith.constant 32 : index
        %get3A_1150 = tpu.vector_load %arg8[%get3A_1148, %get3A_1149] {strides = array<i32>} : memref<128x64xf32, #tpu.memory_space<vmem>>, vector<16xf32>,
        tpu.vector_store_idx %arg15[%select_n3A, %add3A_1141], %get3A_1150 : memref<2x1024xf32, #tpu.memory_space<vmem>>[vector<16xi32>, vector<16xi32>], vector<16xf32>,
        %get3A_1151 = arith.index_cast %add3A_1139 : i32 to index
        %get3A_1152 = arith.constant 48 : index
        %get3A_1153 = tpu.vector_load %arg8[%get3A_1151, %get3A_1152] {strides = array<i32>} : memref<128x64xf32, #tpu.memory_space<vmem>>, vector<16xf32>,
        tpu.vector_store_idx %arg16[%select_n3A, %add3A_1141], %get3A_1153 : memref<2x1024xf32, #tpu.memory_space<vmem>>[vector<16xi32>, vector<16xi32>], vector<16xf32>,
        %add3A_1154 = arith.constant 4 : i32
        %add3A_1155 = arith.addi %mul3A_1089, %add3A_1154 : i32
        %add3A_1156 = vector.broadcast %add3A_1155 : i32 to vector<16xi32>
        %add3A_1157 = arith.addi %mul3A_48, %add3A_1156 : vector<16xi32>
        %get3A_1158 = arith.index_cast %add3A_1155 : i32 to index
        %get3A_1159 = arith.constant 0 : index
        %get3A_1160 = tpu.vector_load %arg8[%get3A_1158, %get3A_1159] {strides = array<i32>} : memref<128x64xf32, #tpu.memory_space<vmem>>, vector<16xf32>,
        tpu.vector_store_idx %arg13[%select_n3A, %add3A_1157], %get3A_1160 : memref<2x1024xf32, #tpu.memory_space<vmem>>[vector<16xi32>, vector<16xi32>], vector<16xf32>,
        %get3A_1161 = arith.index_cast %add3A_1155 : i32 to index
        %get3A_1162 = arith.constant 16 : index
        %get3A_1163 = tpu.vector_load %arg8[%get3A_1161, %get3A_1162] {strides = array<i32>} : memref<128x64xf32, #tpu.memory_space<vmem>>, vector<16xf32>,
        tpu.vector_store_idx %arg14[%select_n3A, %add3A_1157], %get3A_1163 : memref<2x1024xf32, #tpu.memory_space<vmem>>[vector<16xi32>, vector<16xi32>], vector<16xf32>,
        %get3A_1164 = arith.index_cast %add3A_1155 : i32 to index
        %get3A_1165 = arith.constant 32 : index
        %get3A_1166 = tpu.vector_load %arg8[%get3A_1164, %get3A_1165] {strides = array<i32>} : memref<128x64xf32, #tpu.memory_space<vmem>>, vector<16xf32>,
        tpu.vector_store_idx %arg15[%select_n3A, %add3A_1157], %get3A_1166 : memref<2x1024xf32, #tpu.memory_space<vmem>>[vector<16xi32>, vector<16xi32>], vector<16xf32>,
        %get3A_1167 = arith.index_cast %add3A_1155 : i32 to index
        %get3A_1168 = arith.constant 48 : index
        %get3A_1169 = tpu.vector_load %arg8[%get3A_1167, %get3A_1168] {strides = array<i32>} : memref<128x64xf32, #tpu.memory_space<vmem>>, vector<16xf32>,
        tpu.vector_store_idx %arg16[%select_n3A, %add3A_1157], %get3A_1169 : memref<2x1024xf32, #tpu.memory_space<vmem>>[vector<16xi32>, vector<16xi32>], vector<16xf32>,
        %add3A_1170 = arith.constant 5 : i32
        %add3A_1171 = arith.addi %mul3A_1089, %add3A_1170 : i32
        %add3A_1172 = vector.broadcast %add3A_1171 : i32 to vector<16xi32>
        %add3A_1173 = arith.addi %mul3A_48, %add3A_1172 : vector<16xi32>
        %get3A_1174 = arith.index_cast %add3A_1171 : i32 to index
        %get3A_1175 = arith.constant 0 : index
        %get3A_1176 = tpu.vector_load %arg8[%get3A_1174, %get3A_1175] {strides = array<i32>} : memref<128x64xf32, #tpu.memory_space<vmem>>, vector<16xf32>,
        tpu.vector_store_idx %arg13[%select_n3A, %add3A_1173], %get3A_1176 : memref<2x1024xf32, #tpu.memory_space<vmem>>[vector<16xi32>, vector<16xi32>], vector<16xf32>,
        %get3A_1177 = arith.index_cast %add3A_1171 : i32 to index
        %get3A_1178 = arith.constant 16 : index
        %get3A_1179 = tpu.vector_load %arg8[%get3A_1177, %get3A_1178] {strides = array<i32>} : memref<128x64xf32, #tpu.memory_space<vmem>>, vector<16xf32>,
        tpu.vector_store_idx %arg14[%select_n3A, %add3A_1173], %get3A_1179 : memref<2x1024xf32, #tpu.memory_space<vmem>>[vector<16xi32>, vector<16xi32>], vector<16xf32>,
        %get3A_1180 = arith.index_cast %add3A_1171 : i32 to index
        %get3A_1181 = arith.constant 32 : index
        %get3A_1182 = tpu.vector_load %arg8[%get3A_1180, %get3A_1181] {strides = array<i32>} : memref<128x64xf32, #tpu.memory_space<vmem>>, vector<16xf32>,
        tpu.vector_store_idx %arg15[%select_n3A, %add3A_1173], %get3A_1182 : memref<2x1024xf32, #tpu.memory_space<vmem>>[vector<16xi32>, vector<16xi32>], vector<16xf32>,
        %get3A_1183 = arith.index_cast %add3A_1171 : i32 to index
        %get3A_1184 = arith.constant 48 : index
        %get3A_1185 = tpu.vector_load %arg8[%get3A_1183, %get3A_1184] {strides = array<i32>} : memref<128x64xf32, #tpu.memory_space<vmem>>, vector<16xf32>,
        tpu.vector_store_idx %arg16[%select_n3A, %add3A_1173], %get3A_1185 : memref<2x1024xf32, #tpu.memory_space<vmem>>[vector<16xi32>, vector<16xi32>], vector<16xf32>,
        %add3A_1186 = arith.constant 6 : i32
        %add3A_1187 = arith.addi %mul3A_1089, %add3A_1186 : i32
        %add3A_1188 = vector.broadcast %add3A_1187 : i32 to vector<16xi32>
        %add3A_1189 = arith.addi %mul3A_48, %add3A_1188 : vector<16xi32>
        %get3A_1190 = arith.index_cast %add3A_1187 : i32 to index
        %get3A_1191 = arith.constant 0 : index
        %get3A_1192 = tpu.vector_load %arg8[%get3A_1190, %get3A_1191] {strides = array<i32>} : memref<128x64xf32, #tpu.memory_space<vmem>>, vector<16xf32>,
        tpu.vector_store_idx %arg13[%select_n3A, %add3A_1189], %get3A_1192 : memref<2x1024xf32, #tpu.memory_space<vmem>>[vector<16xi32>, vector<16xi32>], vector<16xf32>,
        %get3A_1193 = arith.index_cast %add3A_1187 : i32 to index
        %get3A_1194 = arith.constant 16 : index
        %get3A_1195 = tpu.vector_load %arg8[%get3A_1193, %get3A_1194] {strides = array<i32>} : memref<128x64xf32, #tpu.memory_space<vmem>>, vector<16xf32>,
        tpu.vector_store_idx %arg14[%select_n3A, %add3A_1189], %get3A_1195 : memref<2x1024xf32, #tpu.memory_space<vmem>>[vector<16xi32>, vector<16xi32>], vector<16xf32>,
        %get3A_1196 = arith.index_cast %add3A_1187 : i32 to index
        %get3A_1197 = arith.constant 32 : index
        %get3A_1198 = tpu.vector_load %arg8[%get3A_1196, %get3A_1197] {strides = array<i32>} : memref<128x64xf32, #tpu.memory_space<vmem>>, vector<16xf32>,
        tpu.vector_store_idx %arg15[%select_n3A, %add3A_1189], %get3A_1198 : memref<2x1024xf32, #tpu.memory_space<vmem>>[vector<16xi32>, vector<16xi32>], vector<16xf32>,
        %get3A_1199 = arith.index_cast %add3A_1187 : i32 to index
        %get3A_1200 = arith.constant 48 : index
        %get3A_1201 = tpu.vector_load %arg8[%get3A_1199, %get3A_1200] {strides = array<i32>} : memref<128x64xf32, #tpu.memory_space<vmem>>, vector<16xf32>,
        tpu.vector_store_idx %arg16[%select_n3A, %add3A_1189], %get3A_1201 : memref<2x1024xf32, #tpu.memory_space<vmem>>[vector<16xi32>, vector<16xi32>], vector<16xf32>,
        %add3A_1202 = arith.constant 7 : i32
        %add3A_1203 = arith.addi %mul3A_1089, %add3A_1202 : i32
        %add3A_1204 = vector.broadcast %add3A_1203 : i32 to vector<16xi32>
        %add3A_1205 = arith.addi %mul3A_48, %add3A_1204 : vector<16xi32>
        %get3A_1206 = arith.index_cast %add3A_1203 : i32 to index
        %get3A_1207 = arith.constant 0 : index
        %get3A_1208 = tpu.vector_load %arg8[%get3A_1206, %get3A_1207] {strides = array<i32>} : memref<128x64xf32, #tpu.memory_space<vmem>>, vector<16xf32>,
        tpu.vector_store_idx %arg13[%select_n3A, %add3A_1205], %get3A_1208 : memref<2x1024xf32, #tpu.memory_space<vmem>>[vector<16xi32>, vector<16xi32>], vector<16xf32>,
        %get3A_1209 = arith.index_cast %add3A_1203 : i32 to index
        %get3A_1210 = arith.constant 16 : index
        %get3A_1211 = tpu.vector_load %arg8[%get3A_1209, %get3A_1210] {strides = array<i32>} : memref<128x64xf32, #tpu.memory_space<vmem>>, vector<16xf32>,
        tpu.vector_store_idx %arg14[%select_n3A, %add3A_1205], %get3A_1211 : memref<2x1024xf32, #tpu.memory_space<vmem>>[vector<16xi32>, vector<16xi32>], vector<16xf32>,
        %get3A_1212 = arith.index_cast %add3A_1203 : i32 to index
        %get3A_1213 = arith.constant 32 : index
        %get3A_1214 = tpu.vector_load %arg8[%get3A_1212, %get3A_1213] {strides = array<i32>} : memref<128x64xf32, #tpu.memory_space<vmem>>, vector<16xf32>,
        tpu.vector_store_idx %arg15[%select_n3A, %add3A_1205], %get3A_1214 : memref<2x1024xf32, #tpu.memory_space<vmem>>[vector<16xi32>, vector<16xi32>], vector<16xf32>,
        %get3A_1215 = arith.index_cast %add3A_1203 : i32 to index
        %get3A_1216 = arith.constant 48 : index
        %get3A_1217 = tpu.vector_load %arg8[%get3A_1215, %get3A_1216] {strides = array<i32>} : memref<128x64xf32, #tpu.memory_space<vmem>>, vector<16xf32>,
        tpu.vector_store_idx %arg16[%select_n3A, %add3A_1205], %get3A_1217 : memref<2x1024xf32, #tpu.memory_space<vmem>>[vector<16xi32>, vector<16xi32>], vector<16xf32>,
      }
      %scan3A_871 = arith.constant 16 : i32
      %get3A_872 = arith.constant 0 : index
      %get3A_873 = tpu.vector_load %arg6[%get3A_872] {strides = array<i32>} : memref<128xi32, #tpu.memory_space<vmem>>, vector<16xi32>,
      %eq3A_874 = arith.constant 0 : i32
      %eq3A_875 = vector.broadcast %eq3A_874 : i32 to vector<16xi32>
      %eq3A_876 = arith.cmpi eq, %get3A_873, %eq3A_875 : vector<16xi32>
      %scan3A_877 = arith.constant 1 : i32
      %scan3A_878 = arith.constant 7 : i32
      %scan3A_879 = arith.addi %scan3A_877, %scan3A_878 : i32
      %scan3A_880 = arith.constant 1 : i32
      %scan3A_881 = scf.for %scan3A_1087 = %scan3A_877 to %scan3A_879 step %scan3A_880 iter_args(%scan3A_1088 = %eq3A_876) -> (vector<16xi1>)  : i32 {
        %mul3A_1089 = arith.constant 16 : i32
        %mul3A_1090 = arith.muli %scan3A_1087, %mul3A_1089 : i32
        %get3A_1091 = arith.index_cast %mul3A_1090 : i32 to index
        %get3A_1092 = tpu.vector_load %arg6[%get3A_1091] {strides = array<i32>} : memref<128xi32, #tpu.memory_space<vmem>>, vector<16xi32>,
        %eq3A_1093 = arith.constant 0 : i32
        %eq3A_1094 = vector.broadcast %eq3A_1093 : i32 to vector<16xi32>
        %eq3A_1095 = arith.cmpi eq, %get3A_1092, %eq3A_1094 : vector<16xi32>
        %or3A = arith.ori %scan3A_1088, %eq3A_1095 : vector<16xi1>
        scf.yield %or3A : vector<16xi1>
      }
      %scan3A_882 = arith.constant 7 : i32
      %all_reduce_population_count3A_883 = tpu.all_reduce %scan3A_881 {dim = 0 : i64, kind = #tpu.reduction_kind<sum>} : vector<16xi1> -> vector<16xi32>
      %slice3A_884 = vector.extract_strided_slice %all_reduce_population_count3A_883 {offsets = [0], sizes = [1], strides = [1]} : vector<16xi32> to vector<1xi32>
      %squeeze3A_885 = vector.extract %slice3A_884[0] : i32 from vector<1xi32>
      %gt3A_886 = arith.constant 0 : i32
      %gt3A_887 = arith.cmpi sgt, %squeeze3A_885, %gt3A_886 : i32
      %convert_element_type3A_888 = arith.extui %gt3A_887 : i1 to i32
      %cond3A_889 = arith.constant 0 : i32
      %cond3A_890 = arith.cmpi ne, %convert_element_type3A_888, %cond3A_889 : i32
      scf.if %cond3A_890 {
        %broadcast_in_dim3A = arith.constant 0.000000e+00 : f32
        %broadcast_in_dim3A_1087 = vector.broadcast %broadcast_in_dim3A : f32 to vector<16xf32>
        %scan3A_1088 = arith.constant 0 : i32
        %scan3A_1089 = arith.constant 0 : i32
        %scan3A_1090 = arith.constant 8 : i32
        %scan3A_1091 = arith.addi %scan3A_1089, %scan3A_1090 : i32
        %scan3A_1092 = arith.constant 1 : i32
        scf.for %scan3A_1094 = %scan3A_1089 to %scan3A_1091 step %scan3A_1092  : i32 {
          %mul3A_1095 = arith.constant 16 : i32
          %mul3A_1096 = arith.muli %scan3A_1094, %mul3A_1095 : i32
          %get3A_1097 = arith.index_cast %mul3A_1096 : i32 to index
          %get3A_1098 = tpu.vector_load %arg6[%get3A_1097] {strides = array<i32>} : memref<128xi32, #tpu.memory_space<vmem>>, vector<16xi32>,
          %eq3A_1099 = arith.constant 0 : i32
          %eq3A_1100 = vector.broadcast %eq3A_1099 : i32 to vector<16xi32>
          %eq3A_1101 = arith.cmpi eq, %get3A_1098, %eq3A_1100 : vector<16xi32>
          %mul3A_1102 = arith.constant 16 : i32
          %mul3A_1103 = arith.muli %scan3A_1094, %mul3A_1102 : i32
          %iota3A_1104 = tpu.iota {dimensions = array<i32: 0>} : vector<16xi32>
          %add3A_1105 = vector.broadcast %mul3A_1103 : i32 to vector<16xi32>
          %add3A_1106 = arith.addi %add3A_1105, %iota3A_1104 : vector<16xi32>
          %scan3A_1107 = arith.constant 0 : i32
          %scan3A_1108 = arith.constant 0 : i32
          %scan3A_1109 = arith.constant 16 : i32
          %scan3A_1110 = arith.addi %scan3A_1108, %scan3A_1109 : i32
          %scan3A_1111 = arith.constant 1 : i32
          scf.for %scan3A_1131 = %scan3A_1108 to %scan3A_1110 step %scan3A_1111  : i32 {
            %jit3A_1132 = arith.constant 8 : i32
            %div3A_1133 = arith.divsi %scan3A_1131, %jit3A_1132 : i32
            %sign3A_1134 = arith.constant 0 : i32
            %sign3A_1135 = arith.cmpi sgt, %scan3A_1131, %sign3A_1134 : i32
            %sign3A_1136 = arith.extui %sign3A_1135 : i1 to i32
            %sign3A_1137 = arith.constant 0 : i32
            %sign3A_1138 = arith.cmpi slt, %scan3A_1131, %sign3A_1137 : i32
            %sign3A_1139 = arith.extui %sign3A_1138 : i1 to i32
            %sign3A_1140 = arith.subi %sign3A_1136, %sign3A_1139 : i32
            %sign3A_1141 = arith.constant 0 : i32
            %sign3A_1142 = arith.cmpi sgt, %jit3A_1132, %sign3A_1141 : i32
            %sign3A_1143 = arith.extui %sign3A_1142 : i1 to i32
            %sign3A_1144 = arith.constant 0 : i32
            %sign3A_1145 = arith.cmpi slt, %jit3A_1132, %sign3A_1144 : i32
            %sign3A_1146 = arith.extui %sign3A_1145 : i1 to i32
            %sign3A_1147 = arith.subi %sign3A_1143, %sign3A_1146 : i32
            %ne3A_1148 = arith.cmpi ne, %sign3A_1140, %sign3A_1147 : i32
            %rem3A_1149 = arith.remsi %scan3A_1131, %jit3A_1132 : i32
            %ne3A_1150 = arith.constant 0 : i32
            %ne3A_1151 = arith.cmpi ne, %rem3A_1149, %ne3A_1150 : i32
            %and3A_1152 = arith.andi %ne3A_1148, %ne3A_1151 : i1
            %sub3A_1153 = arith.constant 1 : i32
            %sub3A_1154 = arith.subi %div3A_1133, %sub3A_1153 : i32
            %select_n3A_1155 = arith.select %and3A_1152, %sub3A_1154, %div3A_1133 : i32
            %broadcast_in_dim3A_1156 = vector.broadcast %select_n3A_1155 : i32 to vector<16xi32>
            %jit3A_1157 = arith.constant 8 : i32
            %eq3A_1158 = arith.constant 0 : i32
            %eq3A_1159 = arith.cmpi eq, %jit3A_1157, %eq3A_1158 : i32
            %jit3A_1160 = arith.constant 1 : i32
            %select_n3A_1161 = arith.select %eq3A_1159, %jit3A_1160, %jit3A_1157 : i32
            %rem3A_1162 = arith.remsi %scan3A_1131, %select_n3A_1161 : i32
            %ne3A_1163 = arith.constant 0 : i32
            %ne3A_1164 = arith.cmpi ne, %rem3A_1162, %ne3A_1163 : i32
            %lt3A_1165 = arith.constant 0 : i32
            %lt3A_1166 = arith.cmpi slt, %rem3A_1162, %lt3A_1165 : i32
            %lt3A_1167 = arith.constant 0 : i32
            %lt3A_1168 = arith.cmpi slt, %select_n3A_1161, %lt3A_1167 : i32
            %ne3A_1169 = arith.xori %lt3A_1166, %lt3A_1168 : i1
            %and3A_1170 = arith.andi %ne3A_1169, %ne3A_1164 : i1
            %add3A_1171 = arith.addi %rem3A_1162, %select_n3A_1161 : i32
            %select_n3A_1172 = arith.select %and3A_1170, %add3A_1171, %rem3A_1162 : i32
            %mul3A_1173 = arith.constant 128 : i32
            %mul3A_1174 = arith.muli %select_n3A_1172, %mul3A_1173 : i32
            %add3A_1175 = vector.broadcast %mul3A_1174 : i32 to vector<16xi32>
            %add3A_1176 = arith.addi %add3A_1175, %add3A_1106 : vector<16xi32>
            tpu.vector_store_idx %arg13[%broadcast_in_dim3A_1156, %add3A_1176], %broadcast_in_dim3A_1087 masked %eq3A_1101 : memref<2x1024xf32, #tpu.memory_space<vmem>>[vector<16xi32>, vector<16xi32>], vector<16xf32>, vector<16xi1>
          }
          %scan3A_1112 = arith.constant 16 : i32
          %scan3A_1113 = arith.constant 0 : i32
          %scan3A_1114 = arith.constant 0 : i32
          %scan3A_1115 = arith.constant 16 : i32
          %scan3A_1116 = arith.addi %scan3A_1114, %scan3A_1115 : i32
          %scan3A_1117 = arith.constant 1 : i32
          scf.for %scan3A_1131 = %scan3A_1114 to %scan3A_1116 step %scan3A_1117  : i32 {
            %jit3A_1132 = arith.constant 8 : i32
            %div3A_1133 = arith.divsi %scan3A_1131, %jit3A_1132 : i32
            %sign3A_1134 = arith.constant 0 : i32
            %sign3A_1135 = arith.cmpi sgt, %scan3A_1131, %sign3A_1134 : i32
            %sign3A_1136 = arith.extui %sign3A_1135 : i1 to i32
            %sign3A_1137 = arith.constant 0 : i32
            %sign3A_1138 = arith.cmpi slt, %scan3A_1131, %sign3A_1137 : i32
            %sign3A_1139 = arith.extui %sign3A_1138 : i1 to i32
            %sign3A_1140 = arith.subi %sign3A_1136, %sign3A_1139 : i32
            %sign3A_1141 = arith.constant 0 : i32
            %sign3A_1142 = arith.cmpi sgt, %jit3A_1132, %sign3A_1141 : i32
            %sign3A_1143 = arith.extui %sign3A_1142 : i1 to i32
            %sign3A_1144 = arith.constant 0 : i32
            %sign3A_1145 = arith.cmpi slt, %jit3A_1132, %sign3A_1144 : i32
            %sign3A_1146 = arith.extui %sign3A_1145 : i1 to i32
            %sign3A_1147 = arith.subi %sign3A_1143, %sign3A_1146 : i32
            %ne3A_1148 = arith.cmpi ne, %sign3A_1140, %sign3A_1147 : i32
            %rem3A_1149 = arith.remsi %scan3A_1131, %jit3A_1132 : i32
            %ne3A_1150 = arith.constant 0 : i32
            %ne3A_1151 = arith.cmpi ne, %rem3A_1149, %ne3A_1150 : i32
            %and3A_1152 = arith.andi %ne3A_1148, %ne3A_1151 : i1
            %sub3A_1153 = arith.constant 1 : i32
            %sub3A_1154 = arith.subi %div3A_1133, %sub3A_1153 : i32
            %select_n3A_1155 = arith.select %and3A_1152, %sub3A_1154, %div3A_1133 : i32
            %broadcast_in_dim3A_1156 = vector.broadcast %select_n3A_1155 : i32 to vector<16xi32>
            %jit3A_1157 = arith.constant 8 : i32
            %eq3A_1158 = arith.constant 0 : i32
            %eq3A_1159 = arith.cmpi eq, %jit3A_1157, %eq3A_1158 : i32
            %jit3A_1160 = arith.constant 1 : i32
            %select_n3A_1161 = arith.select %eq3A_1159, %jit3A_1160, %jit3A_1157 : i32
            %rem3A_1162 = arith.remsi %scan3A_1131, %select_n3A_1161 : i32
            %ne3A_1163 = arith.constant 0 : i32
            %ne3A_1164 = arith.cmpi ne, %rem3A_1162, %ne3A_1163 : i32
            %lt3A_1165 = arith.constant 0 : i32
            %lt3A_1166 = arith.cmpi slt, %rem3A_1162, %lt3A_1165 : i32
            %lt3A_1167 = arith.constant 0 : i32
            %lt3A_1168 = arith.cmpi slt, %select_n3A_1161, %lt3A_1167 : i32
            %ne3A_1169 = arith.xori %lt3A_1166, %lt3A_1168 : i1
            %and3A_1170 = arith.andi %ne3A_1169, %ne3A_1164 : i1
            %add3A_1171 = arith.addi %rem3A_1162, %select_n3A_1161 : i32
            %select_n3A_1172 = arith.select %and3A_1170, %add3A_1171, %rem3A_1162 : i32
            %mul3A_1173 = arith.constant 128 : i32
            %mul3A_1174 = arith.muli %select_n3A_1172, %mul3A_1173 : i32
            %add3A_1175 = vector.broadcast %mul3A_1174 : i32 to vector<16xi32>
            %add3A_1176 = arith.addi %add3A_1175, %add3A_1106 : vector<16xi32>
            tpu.vector_store_idx %arg14[%broadcast_in_dim3A_1156, %add3A_1176], %broadcast_in_dim3A_1087 masked %eq3A_1101 : memref<2x1024xf32, #tpu.memory_space<vmem>>[vector<16xi32>, vector<16xi32>], vector<16xf32>, vector<16xi1>
          }
          %scan3A_1118 = arith.constant 16 : i32
          %scan3A_1119 = arith.constant 0 : i32
          %scan3A_1120 = arith.constant 0 : i32
          %scan3A_1121 = arith.constant 16 : i32
          %scan3A_1122 = arith.addi %scan3A_1120, %scan3A_1121 : i32
          %scan3A_1123 = arith.constant 1 : i32
          scf.for %scan3A_1131 = %scan3A_1120 to %scan3A_1122 step %scan3A_1123  : i32 {
            %jit3A_1132 = arith.constant 8 : i32
            %div3A_1133 = arith.divsi %scan3A_1131, %jit3A_1132 : i32
            %sign3A_1134 = arith.constant 0 : i32
            %sign3A_1135 = arith.cmpi sgt, %scan3A_1131, %sign3A_1134 : i32
            %sign3A_1136 = arith.extui %sign3A_1135 : i1 to i32
            %sign3A_1137 = arith.constant 0 : i32
            %sign3A_1138 = arith.cmpi slt, %scan3A_1131, %sign3A_1137 : i32
            %sign3A_1139 = arith.extui %sign3A_1138 : i1 to i32
            %sign3A_1140 = arith.subi %sign3A_1136, %sign3A_1139 : i32
            %sign3A_1141 = arith.constant 0 : i32
            %sign3A_1142 = arith.cmpi sgt, %jit3A_1132, %sign3A_1141 : i32
            %sign3A_1143 = arith.extui %sign3A_1142 : i1 to i32
            %sign3A_1144 = arith.constant 0 : i32
            %sign3A_1145 = arith.cmpi slt, %jit3A_1132, %sign3A_1144 : i32
            %sign3A_1146 = arith.extui %sign3A_1145 : i1 to i32
            %sign3A_1147 = arith.subi %sign3A_1143, %sign3A_1146 : i32
            %ne3A_1148 = arith.cmpi ne, %sign3A_1140, %sign3A_1147 : i32
            %rem3A_1149 = arith.remsi %scan3A_1131, %jit3A_1132 : i32
            %ne3A_1150 = arith.constant 0 : i32
            %ne3A_1151 = arith.cmpi ne, %rem3A_1149, %ne3A_1150 : i32
            %and3A_1152 = arith.andi %ne3A_1148, %ne3A_1151 : i1
            %sub3A_1153 = arith.constant 1 : i32
            %sub3A_1154 = arith.subi %div3A_1133, %sub3A_1153 : i32
            %select_n3A_1155 = arith.select %and3A_1152, %sub3A_1154, %div3A_1133 : i32
            %broadcast_in_dim3A_1156 = vector.broadcast %select_n3A_1155 : i32 to vector<16xi32>
            %jit3A_1157 = arith.constant 8 : i32
            %eq3A_1158 = arith.constant 0 : i32
            %eq3A_1159 = arith.cmpi eq, %jit3A_1157, %eq3A_1158 : i32
            %jit3A_1160 = arith.constant 1 : i32
            %select_n3A_1161 = arith.select %eq3A_1159, %jit3A_1160, %jit3A_1157 : i32
            %rem3A_1162 = arith.remsi %scan3A_1131, %select_n3A_1161 : i32
            %ne3A_1163 = arith.constant 0 : i32
            %ne3A_1164 = arith.cmpi ne, %rem3A_1162, %ne3A_1163 : i32
            %lt3A_1165 = arith.constant 0 : i32
            %lt3A_1166 = arith.cmpi slt, %rem3A_1162, %lt3A_1165 : i32
            %lt3A_1167 = arith.constant 0 : i32
            %lt3A_1168 = arith.cmpi slt, %select_n3A_1161, %lt3A_1167 : i32
            %ne3A_1169 = arith.xori %lt3A_1166, %lt3A_1168 : i1
            %and3A_1170 = arith.andi %ne3A_1169, %ne3A_1164 : i1
            %add3A_1171 = arith.addi %rem3A_1162, %select_n3A_1161 : i32
            %select_n3A_1172 = arith.select %and3A_1170, %add3A_1171, %rem3A_1162 : i32
            %mul3A_1173 = arith.constant 128 : i32
            %mul3A_1174 = arith.muli %select_n3A_1172, %mul3A_1173 : i32
            %add3A_1175 = vector.broadcast %mul3A_1174 : i32 to vector<16xi32>
            %add3A_1176 = arith.addi %add3A_1175, %add3A_1106 : vector<16xi32>
            tpu.vector_store_idx %arg15[%broadcast_in_dim3A_1156, %add3A_1176], %broadcast_in_dim3A_1087 masked %eq3A_1101 : memref<2x1024xf32, #tpu.memory_space<vmem>>[vector<16xi32>, vector<16xi32>], vector<16xf32>, vector<16xi1>
          }
          %scan3A_1124 = arith.constant 16 : i32
          %scan3A_1125 = arith.constant 0 : i32
          %scan3A_1126 = arith.constant 0 : i32
          %scan3A_1127 = arith.constant 16 : i32
          %scan3A_1128 = arith.addi %scan3A_1126, %scan3A_1127 : i32
          %scan3A_1129 = arith.constant 1 : i32
          scf.for %scan3A_1131 = %scan3A_1126 to %scan3A_1128 step %scan3A_1129  : i32 {
            %jit3A_1132 = arith.constant 8 : i32
            %div3A_1133 = arith.divsi %scan3A_1131, %jit3A_1132 : i32
            %sign3A_1134 = arith.constant 0 : i32
            %sign3A_1135 = arith.cmpi sgt, %scan3A_1131, %sign3A_1134 : i32
            %sign3A_1136 = arith.extui %sign3A_1135 : i1 to i32
            %sign3A_1137 = arith.constant 0 : i32
            %sign3A_1138 = arith.cmpi slt, %scan3A_1131, %sign3A_1137 : i32
            %sign3A_1139 = arith.extui %sign3A_1138 : i1 to i32
            %sign3A_1140 = arith.subi %sign3A_1136, %sign3A_1139 : i32
            %sign3A_1141 = arith.constant 0 : i32
            %sign3A_1142 = arith.cmpi sgt, %jit3A_1132, %sign3A_1141 : i32
            %sign3A_1143 = arith.extui %sign3A_1142 : i1 to i32
            %sign3A_1144 = arith.constant 0 : i32
            %sign3A_1145 = arith.cmpi slt, %jit3A_1132, %sign3A_1144 : i32
            %sign3A_1146 = arith.extui %sign3A_1145 : i1 to i32
            %sign3A_1147 = arith.subi %sign3A_1143, %sign3A_1146 : i32
            %ne3A_1148 = arith.cmpi ne, %sign3A_1140, %sign3A_1147 : i32
            %rem3A_1149 = arith.remsi %scan3A_1131, %jit3A_1132 : i32
            %ne3A_1150 = arith.constant 0 : i32
            %ne3A_1151 = arith.cmpi ne, %rem3A_1149, %ne3A_1150 : i32
            %and3A_1152 = arith.andi %ne3A_1148, %ne3A_1151 : i1
            %sub3A_1153 = arith.constant 1 : i32
            %sub3A_1154 = arith.subi %div3A_1133, %sub3A_1153 : i32
            %select_n3A_1155 = arith.select %and3A_1152, %sub3A_1154, %div3A_1133 : i32
            %broadcast_in_dim3A_1156 = vector.broadcast %select_n3A_1155 : i32 to vector<16xi32>
            %jit3A_1157 = arith.constant 8 : i32
            %eq3A_1158 = arith.constant 0 : i32
            %eq3A_1159 = arith.cmpi eq, %jit3A_1157, %eq3A_1158 : i32
            %jit3A_1160 = arith.constant 1 : i32
            %select_n3A_1161 = arith.select %eq3A_1159, %jit3A_1160, %jit3A_1157 : i32
            %rem3A_1162 = arith.remsi %scan3A_1131, %select_n3A_1161 : i32
            %ne3A_1163 = arith.constant 0 : i32
            %ne3A_1164 = arith.cmpi ne, %rem3A_1162, %ne3A_1163 : i32
            %lt3A_1165 = arith.constant 0 : i32
            %lt3A_1166 = arith.cmpi slt, %rem3A_1162, %lt3A_1165 : i32
            %lt3A_1167 = arith.constant 0 : i32
            %lt3A_1168 = arith.cmpi slt, %select_n3A_1161, %lt3A_1167 : i32
            %ne3A_1169 = arith.xori %lt3A_1166, %lt3A_1168 : i1
            %and3A_1170 = arith.andi %ne3A_1169, %ne3A_1164 : i1
            %add3A_1171 = arith.addi %rem3A_1162, %select_n3A_1161 : i32
            %select_n3A_1172 = arith.select %and3A_1170, %add3A_1171, %rem3A_1162 : i32
            %mul3A_1173 = arith.constant 128 : i32
            %mul3A_1174 = arith.muli %select_n3A_1172, %mul3A_1173 : i32
            %add3A_1175 = vector.broadcast %mul3A_1174 : i32 to vector<16xi32>
            %add3A_1176 = arith.addi %add3A_1175, %add3A_1106 : vector<16xi32>
            tpu.vector_store_idx %arg16[%broadcast_in_dim3A_1156, %add3A_1176], %broadcast_in_dim3A_1087 masked %eq3A_1101 : memref<2x1024xf32, #tpu.memory_space<vmem>>[vector<16xi32>, vector<16xi32>], vector<16xf32>, vector<16xi1>
          }
          %scan3A_1130 = arith.constant 16 : i32
        }
        %scan3A_1093 = arith.constant 8 : i32
      } else {
      }
      %add3A_891 = arith.addi %mul3A_2, %add3A_843 : i32
      %jit3A_892 = arith.constant 32 : i32
      %div3A_893 = arith.divsi %add3A_891, %jit3A_892 : i32
      %sign3A_894 = arith.constant 0 : i32
      %sign3A_895 = arith.cmpi sgt, %add3A_891, %sign3A_894 : i32
      %sign3A_896 = arith.extui %sign3A_895 : i1 to i32
      %sign3A_897 = arith.constant 0 : i32
      %sign3A_898 = arith.cmpi slt, %add3A_891, %sign3A_897 : i32
      %sign3A_899 = arith.extui %sign3A_898 : i1 to i32
      %sign3A_900 = arith.subi %sign3A_896, %sign3A_899 : i32
      %sign3A_901 = arith.constant 0 : i32
      %sign3A_902 = arith.cmpi sgt, %jit3A_892, %sign3A_901 : i32
      %sign3A_903 = arith.extui %sign3A_902 : i1 to i32
      %sign3A_904 = arith.constant 0 : i32
      %sign3A_905 = arith.cmpi slt, %jit3A_892, %sign3A_904 : i32
      %sign3A_906 = arith.extui %sign3A_905 : i1 to i32
      %sign3A_907 = arith.subi %sign3A_903, %sign3A_906 : i32
      %ne3A_908 = arith.cmpi ne, %sign3A_900, %sign3A_907 : i32
      %rem3A_909 = arith.remsi %add3A_891, %jit3A_892 : i32
      %ne3A_910 = arith.constant 0 : i32
      %ne3A_911 = arith.cmpi ne, %rem3A_909, %ne3A_910 : i32
      %and3A_912 = arith.andi %ne3A_908, %ne3A_911 : i1
      %sub3A_913 = arith.constant 1 : i32
      %sub3A_914 = arith.subi %div3A_893, %sub3A_913 : i32
      %select_n3A_915 = arith.select %and3A_912, %sub3A_914, %div3A_893 : i32
      %jit3A_916 = arith.constant 32 : i32
      %eq3A_917 = arith.constant 0 : i32
      %eq3A_918 = arith.cmpi eq, %jit3A_916, %eq3A_917 : i32
      %jit3A_919 = arith.constant 1 : i32
      %select_n3A_920 = arith.select %eq3A_918, %jit3A_919, %jit3A_916 : i32
      %rem3A_921 = arith.remsi %add3A_891, %select_n3A_920 : i32
      %ne3A_922 = arith.constant 0 : i32
      %ne3A_923 = arith.cmpi ne, %rem3A_921, %ne3A_922 : i32
      %lt3A_924 = arith.constant 0 : i32
      %lt3A_925 = arith.cmpi slt, %rem3A_921, %lt3A_924 : i32
      %lt3A_926 = arith.constant 0 : i32
      %lt3A_927 = arith.cmpi slt, %select_n3A_920, %lt3A_926 : i32
      %ne3A_928 = arith.xori %lt3A_925, %lt3A_927 : i1
      %and3A_929 = arith.andi %ne3A_928, %ne3A_923 : i1
      %add3A_930 = arith.addi %rem3A_921, %select_n3A_920 : i32
      %select_n3A_931 = arith.select %and3A_929, %add3A_930, %rem3A_921 : i32
      %dma_start3A_932 = arith.constant 0 : i32
      %dma_start3A_933 = arith.constant 0 : i32
      %dma_start3A_934 = tpu.memref_slice %arg4[%select_n3A_915, %dma_start3A_932, %select_n3A_931, %dma_start3A_933] : memref<200x8x32x1024xf32, #tpu.memory_space<hbm>> -> memref<1x2x1x1024xf32, #tpu.memory_space<hbm>>
      %dma_start3A_935 = tpu.memref_squeeze %dma_start3A_934 : memref<1x2x1x1024xf32, #tpu.memory_space<hbm>> -> memref<2x1024xf32, #tpu.memory_space<hbm>>
      %dma_start3A_936 = arith.constant 0 : i32
      %dma_start3A_937 = arith.constant 0 : i32
      %dma_start3A_938 = tpu.memref_slice %arg4[%select_n3A_915, %dma_start3A_936, %select_n3A_931, %dma_start3A_937] : memref<200x8x32x1024xf32, #tpu.memory_space<hbm>> -> memref<1x2x1x1024xf32, #tpu.memory_space<hbm>>
      %dma_start3A_939 = tpu.memref_squeeze %dma_start3A_938 : memref<1x2x1x1024xf32, #tpu.memory_space<hbm>> -> memref<2x1024xf32, #tpu.memory_space<hbm>>
      tpu.enqueue_dma source(%arg13 : memref<2x1024xf32, #tpu.memory_space<vmem>>) target(%dma_start3A_939 : memref<2x1024xf32, #tpu.memory_space<hbm>>) target_semaphore(%arg22 : memref<!tpu.dma_semaphore, #tpu.memory_space<semaphore_mem>>)
      %add3A_940 = arith.addi %mul3A_2, %add3A_843 : i32
      %jit3A_941 = arith.constant 32 : i32
      %div3A_942 = arith.divsi %add3A_940, %jit3A_941 : i32
      %sign3A_943 = arith.constant 0 : i32
      %sign3A_944 = arith.cmpi sgt, %add3A_940, %sign3A_943 : i32
      %sign3A_945 = arith.extui %sign3A_944 : i1 to i32
      %sign3A_946 = arith.constant 0 : i32
      %sign3A_947 = arith.cmpi slt, %add3A_940, %sign3A_946 : i32
      %sign3A_948 = arith.extui %sign3A_947 : i1 to i32
      %sign3A_949 = arith.subi %sign3A_945, %sign3A_948 : i32
      %sign3A_950 = arith.constant 0 : i32
      %sign3A_951 = arith.cmpi sgt, %jit3A_941, %sign3A_950 : i32
      %sign3A_952 = arith.extui %sign3A_951 : i1 to i32
      %sign3A_953 = arith.constant 0 : i32
      %sign3A_954 = arith.cmpi slt, %jit3A_941, %sign3A_953 : i32
      %sign3A_955 = arith.extui %sign3A_954 : i1 to i32
      %sign3A_956 = arith.subi %sign3A_952, %sign3A_955 : i32
      %ne3A_957 = arith.cmpi ne, %sign3A_949, %sign3A_956 : i32
      %rem3A_958 = arith.remsi %add3A_940, %jit3A_941 : i32
      %ne3A_959 = arith.constant 0 : i32
      %ne3A_960 = arith.cmpi ne, %rem3A_958, %ne3A_959 : i32
      %and3A_961 = arith.andi %ne3A_957, %ne3A_960 : i1
      %sub3A_962 = arith.constant 1 : i32
      %sub3A_963 = arith.subi %div3A_942, %sub3A_962 : i32
      %select_n3A_964 = arith.select %and3A_961, %sub3A_963, %div3A_942 : i32
      %jit3A_965 = arith.constant 32 : i32
      %eq3A_966 = arith.constant 0 : i32
      %eq3A_967 = arith.cmpi eq, %jit3A_965, %eq3A_966 : i32
      %jit3A_968 = arith.constant 1 : i32
      %select_n3A_969 = arith.select %eq3A_967, %jit3A_968, %jit3A_965 : i32
      %rem3A_970 = arith.remsi %add3A_940, %select_n3A_969 : i32
      %ne3A_971 = arith.constant 0 : i32
      %ne3A_972 = arith.cmpi ne, %rem3A_970, %ne3A_971 : i32
      %lt3A_973 = arith.constant 0 : i32
      %lt3A_974 = arith.cmpi slt, %rem3A_970, %lt3A_973 : i32
      %lt3A_975 = arith.constant 0 : i32
      %lt3A_976 = arith.cmpi slt, %select_n3A_969, %lt3A_975 : i32
      %ne3A_977 = arith.xori %lt3A_974, %lt3A_976 : i1
      %and3A_978 = arith.andi %ne3A_977, %ne3A_972 : i1
      %add3A_979 = arith.addi %rem3A_970, %select_n3A_969 : i32
      %select_n3A_980 = arith.select %and3A_978, %add3A_979, %rem3A_970 : i32
      %dma_start3A_981 = arith.constant 2 : i32
      %dma_start3A_982 = arith.constant 0 : i32
      %dma_start3A_983 = tpu.memref_slice %arg4[%select_n3A_964, %dma_start3A_981, %select_n3A_980, %dma_start3A_982] : memref<200x8x32x1024xf32, #tpu.memory_space<hbm>> -> memref<1x2x1x1024xf32, #tpu.memory_space<hbm>>
      %dma_start3A_984 = tpu.memref_squeeze %dma_start3A_983 : memref<1x2x1x1024xf32, #tpu.memory_space<hbm>> -> memref<2x1024xf32, #tpu.memory_space<hbm>>
      %dma_start3A_985 = arith.constant 2 : i32
      %dma_start3A_986 = arith.constant 0 : i32
      %dma_start3A_987 = tpu.memref_slice %arg4[%select_n3A_964, %dma_start3A_985, %select_n3A_980, %dma_start3A_986] : memref<200x8x32x1024xf32, #tpu.memory_space<hbm>> -> memref<1x2x1x1024xf32, #tpu.memory_space<hbm>>
      %dma_start3A_988 = tpu.memref_squeeze %dma_start3A_987 : memref<1x2x1x1024xf32, #tpu.memory_space<hbm>> -> memref<2x1024xf32, #tpu.memory_space<hbm>>
      tpu.enqueue_dma source(%arg14 : memref<2x1024xf32, #tpu.memory_space<vmem>>) target(%dma_start3A_988 : memref<2x1024xf32, #tpu.memory_space<hbm>>) target_semaphore(%arg22 : memref<!tpu.dma_semaphore, #tpu.memory_space<semaphore_mem>>)
      %add3A_989 = arith.addi %mul3A_2, %add3A_843 : i32
      %jit3A_990 = arith.constant 32 : i32
      %div3A_991 = arith.divsi %add3A_989, %jit3A_990 : i32
      %sign3A_992 = arith.constant 0 : i32
      %sign3A_993 = arith.cmpi sgt, %add3A_989, %sign3A_992 : i32
      %sign3A_994 = arith.extui %sign3A_993 : i1 to i32
      %sign3A_995 = arith.constant 0 : i32
      %sign3A_996 = arith.cmpi slt, %add3A_989, %sign3A_995 : i32
      %sign3A_997 = arith.extui %sign3A_996 : i1 to i32
      %sign3A_998 = arith.subi %sign3A_994, %sign3A_997 : i32
      %sign3A_999 = arith.constant 0 : i32
      %sign3A_1000 = arith.cmpi sgt, %jit3A_990, %sign3A_999 : i32
      %sign3A_1001 = arith.extui %sign3A_1000 : i1 to i32
      %sign3A_1002 = arith.constant 0 : i32
      %sign3A_1003 = arith.cmpi slt, %jit3A_990, %sign3A_1002 : i32
      %sign3A_1004 = arith.extui %sign3A_1003 : i1 to i32
      %sign3A_1005 = arith.subi %sign3A_1001, %sign3A_1004 : i32
      %ne3A_1006 = arith.cmpi ne, %sign3A_998, %sign3A_1005 : i32
      %rem3A_1007 = arith.remsi %add3A_989, %jit3A_990 : i32
      %ne3A_1008 = arith.constant 0 : i32
      %ne3A_1009 = arith.cmpi ne, %rem3A_1007, %ne3A_1008 : i32
      %and3A_1010 = arith.andi %ne3A_1006, %ne3A_1009 : i1
      %sub3A_1011 = arith.constant 1 : i32
      %sub3A_1012 = arith.subi %div3A_991, %sub3A_1011 : i32
      %select_n3A_1013 = arith.select %and3A_1010, %sub3A_1012, %div3A_991 : i32
      %jit3A_1014 = arith.constant 32 : i32
      %eq3A_1015 = arith.constant 0 : i32
      %eq3A_1016 = arith.cmpi eq, %jit3A_1014, %eq3A_1015 : i32
      %jit3A_1017 = arith.constant 1 : i32
      %select_n3A_1018 = arith.select %eq3A_1016, %jit3A_1017, %jit3A_1014 : i32
      %rem3A_1019 = arith.remsi %add3A_989, %select_n3A_1018 : i32
      %ne3A_1020 = arith.constant 0 : i32
      %ne3A_1021 = arith.cmpi ne, %rem3A_1019, %ne3A_1020 : i32
      %lt3A_1022 = arith.constant 0 : i32
      %lt3A_1023 = arith.cmpi slt, %rem3A_1019, %lt3A_1022 : i32
      %lt3A_1024 = arith.constant 0 : i32
      %lt3A_1025 = arith.cmpi slt, %select_n3A_1018, %lt3A_1024 : i32
      %ne3A_1026 = arith.xori %lt3A_1023, %lt3A_1025 : i1
      %and3A_1027 = arith.andi %ne3A_1026, %ne3A_1021 : i1
      %add3A_1028 = arith.addi %rem3A_1019, %select_n3A_1018 : i32
      %select_n3A_1029 = arith.select %and3A_1027, %add3A_1028, %rem3A_1019 : i32
      %dma_start3A_1030 = arith.constant 4 : i32
      %dma_start3A_1031 = arith.constant 0 : i32
      %dma_start3A_1032 = tpu.memref_slice %arg4[%select_n3A_1013, %dma_start3A_1030, %select_n3A_1029, %dma_start3A_1031] : memref<200x8x32x1024xf32, #tpu.memory_space<hbm>> -> memref<1x2x1x1024xf32, #tpu.memory_space<hbm>>
      %dma_start3A_1033 = tpu.memref_squeeze %dma_start3A_1032 : memref<1x2x1x1024xf32, #tpu.memory_space<hbm>> -> memref<2x1024xf32, #tpu.memory_space<hbm>>
      %dma_start3A_1034 = arith.constant 4 : i32
      %dma_start3A_1035 = arith.constant 0 : i32
      %dma_start3A_1036 = tpu.memref_slice %arg4[%select_n3A_1013, %dma_start3A_1034, %select_n3A_1029, %dma_start3A_1035] : memref<200x8x32x1024xf32, #tpu.memory_space<hbm>> -> memref<1x2x1x1024xf32, #tpu.memory_space<hbm>>
      %dma_start3A_1037 = tpu.memref_squeeze %dma_start3A_1036 : memref<1x2x1x1024xf32, #tpu.memory_space<hbm>> -> memref<2x1024xf32, #tpu.memory_space<hbm>>
      tpu.enqueue_dma source(%arg15 : memref<2x1024xf32, #tpu.memory_space<vmem>>) target(%dma_start3A_1037 : memref<2x1024xf32, #tpu.memory_space<hbm>>) target_semaphore(%arg22 : memref<!tpu.dma_semaphore, #tpu.memory_space<semaphore_mem>>)
      %add3A_1038 = arith.addi %mul3A_2, %add3A_843 : i32
      %jit3A_1039 = arith.constant 32 : i32
      %div3A_1040 = arith.divsi %add3A_1038, %jit3A_1039 : i32
      %sign3A_1041 = arith.constant 0 : i32
      %sign3A_1042 = arith.cmpi sgt, %add3A_1038, %sign3A_1041 : i32
      %sign3A_1043 = arith.extui %sign3A_1042 : i1 to i32
      %sign3A_1044 = arith.constant 0 : i32
      %sign3A_1045 = arith.cmpi slt, %add3A_1038, %sign3A_1044 : i32
      %sign3A_1046 = arith.extui %sign3A_1045 : i1 to i32
      %sign3A_1047 = arith.subi %sign3A_1043, %sign3A_1046 : i32
      %sign3A_1048 = arith.constant 0 : i32
      %sign3A_1049 = arith.cmpi sgt, %jit3A_1039, %sign3A_1048 : i32
      %sign3A_1050 = arith.extui %sign3A_1049 : i1 to i32
      %sign3A_1051 = arith.constant 0 : i32
      %sign3A_1052 = arith.cmpi slt, %jit3A_1039, %sign3A_1051 : i32
      %sign3A_1053 = arith.extui %sign3A_1052 : i1 to i32
      %sign3A_1054 = arith.subi %sign3A_1050, %sign3A_1053 : i32
      %ne3A_1055 = arith.cmpi ne, %sign3A_1047, %sign3A_1054 : i32
      %rem3A_1056 = arith.remsi %add3A_1038, %jit3A_1039 : i32
      %ne3A_1057 = arith.constant 0 : i32
      %ne3A_1058 = arith.cmpi ne, %rem3A_1056, %ne3A_1057 : i32
      %and3A_1059 = arith.andi %ne3A_1055, %ne3A_1058 : i1
      %sub3A_1060 = arith.constant 1 : i32
      %sub3A_1061 = arith.subi %div3A_1040, %sub3A_1060 : i32
      %select_n3A_1062 = arith.select %and3A_1059, %sub3A_1061, %div3A_1040 : i32
      %jit3A_1063 = arith.constant 32 : i32
      %eq3A_1064 = arith.constant 0 : i32
      %eq3A_1065 = arith.cmpi eq, %jit3A_1063, %eq3A_1064 : i32
      %jit3A_1066 = arith.constant 1 : i32
      %select_n3A_1067 = arith.select %eq3A_1065, %jit3A_1066, %jit3A_1063 : i32
      %rem3A_1068 = arith.remsi %add3A_1038, %select_n3A_1067 : i32
      %ne3A_1069 = arith.constant 0 : i32
      %ne3A_1070 = arith.cmpi ne, %rem3A_1068, %ne3A_1069 : i32
      %lt3A_1071 = arith.constant 0 : i32
      %lt3A_1072 = arith.cmpi slt, %rem3A_1068, %lt3A_1071 : i32
      %lt3A_1073 = arith.constant 0 : i32
      %lt3A_1074 = arith.cmpi slt, %select_n3A_1067, %lt3A_1073 : i32
      %ne3A_1075 = arith.xori %lt3A_1072, %lt3A_1074 : i1
      %and3A_1076 = arith.andi %ne3A_1075, %ne3A_1070 : i1
      %add3A_1077 = arith.addi %rem3A_1068, %select_n3A_1067 : i32
      %select_n3A_1078 = arith.select %and3A_1076, %add3A_1077, %rem3A_1068 : i32
      %dma_start3A_1079 = arith.constant 6 : i32
      %dma_start3A_1080 = arith.constant 0 : i32
      %dma_start3A_1081 = tpu.memref_slice %arg4[%select_n3A_1062, %dma_start3A_1079, %select_n3A_1078, %dma_start3A_1080] : memref<200x8x32x1024xf32, #tpu.memory_space<hbm>> -> memref<1x2x1x1024xf32, #tpu.memory_space<hbm>>
      %dma_start3A_1082 = tpu.memref_squeeze %dma_start3A_1081 : memref<1x2x1x1024xf32, #tpu.memory_space<hbm>> -> memref<2x1024xf32, #tpu.memory_space<hbm>>
      %dma_start3A_1083 = arith.constant 6 : i32
      %dma_start3A_1084 = arith.constant 0 : i32
      %dma_start3A_1085 = tpu.memref_slice %arg4[%select_n3A_1062, %dma_start3A_1083, %select_n3A_1078, %dma_start3A_1084] : memref<200x8x32x1024xf32, #tpu.memory_space<hbm>> -> memref<1x2x1x1024xf32, #tpu.memory_space<hbm>>
      %dma_start3A_1086 = tpu.memref_squeeze %dma_start3A_1085 : memref<1x2x1x1024xf32, #tpu.memory_space<hbm>> -> memref<2x1024xf32, #tpu.memory_space<hbm>>
      tpu.enqueue_dma source(%arg16 : memref<2x1024xf32, #tpu.memory_space<vmem>>) target(%dma_start3A_1086 : memref<2x1024xf32, #tpu.memory_space<hbm>>) target_semaphore(%arg22 : memref<!tpu.dma_semaphore, #tpu.memory_space<semaphore_mem>>)
    }
    %scan3A_201 = arith.constant 100 : i32
    %add3A_202 = arith.constant 198 : i32
    %add3A_203 = arith.addi %mul3A_2, %add3A_202 : i32
    %jit3A_204 = arith.constant 32 : i32
    %div3A_205 = arith.divsi %add3A_203, %jit3A_204 : i32
    %sign3A_206 = arith.constant 0 : i32
    %sign3A_207 = arith.cmpi sgt, %add3A_203, %sign3A_206 : i32
    %sign3A_208 = arith.extui %sign3A_207 : i1 to i32
    %sign3A_209 = arith.constant 0 : i32
    %sign3A_210 = arith.cmpi slt, %add3A_203, %sign3A_209 : i32
    %sign3A_211 = arith.extui %sign3A_210 : i1 to i32
    %sign3A_212 = arith.subi %sign3A_208, %sign3A_211 : i32
    %sign3A_213 = arith.constant 0 : i32
    %sign3A_214 = arith.cmpi sgt, %jit3A_204, %sign3A_213 : i32
    %sign3A_215 = arith.extui %sign3A_214 : i1 to i32
    %sign3A_216 = arith.constant 0 : i32
    %sign3A_217 = arith.cmpi slt, %jit3A_204, %sign3A_216 : i32
    %sign3A_218 = arith.extui %sign3A_217 : i1 to i32
    %sign3A_219 = arith.subi %sign3A_215, %sign3A_218 : i32
    %ne3A_220 = arith.cmpi ne, %sign3A_212, %sign3A_219 : i32
    %rem3A_221 = arith.remsi %add3A_203, %jit3A_204 : i32
    %ne3A_222 = arith.constant 0 : i32
    %ne3A_223 = arith.cmpi ne, %rem3A_221, %ne3A_222 : i32
    %and3A_224 = arith.andi %ne3A_220, %ne3A_223 : i1
    %sub3A_225 = arith.constant 1 : i32
    %sub3A_226 = arith.subi %div3A_205, %sub3A_225 : i32
    %select_n3A_227 = arith.select %and3A_224, %sub3A_226, %div3A_205 : i32
    %jit3A_228 = arith.constant 32 : i32
    %eq3A_229 = arith.constant 0 : i32
    %eq3A_230 = arith.cmpi eq, %jit3A_228, %eq3A_229 : i32
    %jit3A_231 = arith.constant 1 : i32
    %select_n3A_232 = arith.select %eq3A_230, %jit3A_231, %jit3A_228 : i32
    %rem3A_233 = arith.remsi %add3A_203, %select_n3A_232 : i32
    %ne3A_234 = arith.constant 0 : i32
    %ne3A_235 = arith.cmpi ne, %rem3A_233, %ne3A_234 : i32
    %lt3A_236 = arith.constant 0 : i32
    %lt3A_237 = arith.cmpi slt, %rem3A_233, %lt3A_236 : i32
    %lt3A_238 = arith.constant 0 : i32
    %lt3A_239 = arith.cmpi slt, %select_n3A_232, %lt3A_238 : i32
    %ne3A_240 = arith.xori %lt3A_237, %lt3A_239 : i1
    %and3A_241 = arith.andi %ne3A_240, %ne3A_235 : i1
    %add3A_242 = arith.addi %rem3A_233, %select_n3A_232 : i32
    %select_n3A_243 = arith.select %and3A_241, %add3A_242, %rem3A_233 : i32
    %dma_wait3A_244 = arith.constant 0 : i32
    %dma_wait3A_245 = arith.constant 0 : i32
    %dma_wait3A_246 = tpu.memref_slice %arg4[%select_n3A_227, %dma_wait3A_244, %select_n3A_243, %dma_wait3A_245] : memref<200x8x32x1024xf32, #tpu.memory_space<hbm>> -> memref<1x2x1x1024xf32, #tpu.memory_space<hbm>>
    %dma_wait3A_247 = tpu.memref_squeeze %dma_wait3A_246 : memref<1x2x1x1024xf32, #tpu.memory_space<hbm>> -> memref<2x1024xf32, #tpu.memory_space<hbm>>
    %dma_wait3A_248 = arith.constant 0 : i32
    %dma_wait3A_249 = arith.constant 0 : i32
    %dma_wait3A_250 = tpu.memref_slice %arg4[%select_n3A_227, %dma_wait3A_248, %select_n3A_243, %dma_wait3A_249] : memref<200x8x32x1024xf32, #tpu.memory_space<hbm>> -> memref<1x2x1x1024xf32, #tpu.memory_space<hbm>>
    %dma_wait3A_251 = tpu.memref_squeeze %dma_wait3A_250 : memref<1x2x1x1024xf32, #tpu.memory_space<hbm>> -> memref<2x1024xf32, #tpu.memory_space<hbm>>
    tpu.wait_dma2 semaphore(%arg21 : memref<!tpu.dma_semaphore, #tpu.memory_space<semaphore_mem>>) src(%arg9 : memref<2x1024xf32, #tpu.memory_space<vmem>>) dst(%dma_wait3A_251 : memref<2x1024xf32, #tpu.memory_space<hbm>>)
    %add3A_252 = arith.constant 198 : i32
    %add3A_253 = arith.addi %mul3A_2, %add3A_252 : i32
    %jit3A_254 = arith.constant 32 : i32
    %div3A_255 = arith.divsi %add3A_253, %jit3A_254 : i32
    %sign3A_256 = arith.constant 0 : i32
    %sign3A_257 = arith.cmpi sgt, %add3A_253, %sign3A_256 : i32
    %sign3A_258 = arith.extui %sign3A_257 : i1 to i32
    %sign3A_259 = arith.constant 0 : i32
    %sign3A_260 = arith.cmpi slt, %add3A_253, %sign3A_259 : i32
    %sign3A_261 = arith.extui %sign3A_260 : i1 to i32
    %sign3A_262 = arith.subi %sign3A_258, %sign3A_261 : i32
    %sign3A_263 = arith.constant 0 : i32
    %sign3A_264 = arith.cmpi sgt, %jit3A_254, %sign3A_263 : i32
    %sign3A_265 = arith.extui %sign3A_264 : i1 to i32
    %sign3A_266 = arith.constant 0 : i32
    %sign3A_267 = arith.cmpi slt, %jit3A_254, %sign3A_266 : i32
    %sign3A_268 = arith.extui %sign3A_267 : i1 to i32
    %sign3A_269 = arith.subi %sign3A_265, %sign3A_268 : i32
    %ne3A_270 = arith.cmpi ne, %sign3A_262, %sign3A_269 : i32
    %rem3A_271 = arith.remsi %add3A_253, %jit3A_254 : i32
    %ne3A_272 = arith.constant 0 : i32
    %ne3A_273 = arith.cmpi ne, %rem3A_271, %ne3A_272 : i32
    %and3A_274 = arith.andi %ne3A_270, %ne3A_273 : i1
    %sub3A_275 = arith.constant 1 : i32
    %sub3A_276 = arith.subi %div3A_255, %sub3A_275 : i32
    %select_n3A_277 = arith.select %and3A_274, %sub3A_276, %div3A_255 : i32
    %jit3A_278 = arith.constant 32 : i32
    %eq3A_279 = arith.constant 0 : i32
    %eq3A_280 = arith.cmpi eq, %jit3A_278, %eq3A_279 : i32
    %jit3A_281 = arith.constant 1 : i32
    %select_n3A_282 = arith.select %eq3A_280, %jit3A_281, %jit3A_278 : i32
    %rem3A_283 = arith.remsi %add3A_253, %select_n3A_282 : i32
    %ne3A_284 = arith.constant 0 : i32
    %ne3A_285 = arith.cmpi ne, %rem3A_283, %ne3A_284 : i32
    %lt3A_286 = arith.constant 0 : i32
    %lt3A_287 = arith.cmpi slt, %rem3A_283, %lt3A_286 : i32
    %lt3A_288 = arith.constant 0 : i32
    %lt3A_289 = arith.cmpi slt, %select_n3A_282, %lt3A_288 : i32
    %ne3A_290 = arith.xori %lt3A_287, %lt3A_289 : i1
    %and3A_291 = arith.andi %ne3A_290, %ne3A_285 : i1
    %add3A_292 = arith.addi %rem3A_283, %select_n3A_282 : i32
    %select_n3A_293 = arith.select %and3A_291, %add3A_292, %rem3A_283 : i32
    %dma_wait3A_294 = arith.constant 2 : i32
    %dma_wait3A_295 = arith.constant 0 : i32
    %dma_wait3A_296 = tpu.memref_slice %arg4[%select_n3A_277, %dma_wait3A_294, %select_n3A_293, %dma_wait3A_295] : memref<200x8x32x1024xf32, #tpu.memory_space<hbm>> -> memref<1x2x1x1024xf32, #tpu.memory_space<hbm>>
    %dma_wait3A_297 = tpu.memref_squeeze %dma_wait3A_296 : memref<1x2x1x1024xf32, #tpu.memory_space<hbm>> -> memref<2x1024xf32, #tpu.memory_space<hbm>>
    %dma_wait3A_298 = arith.constant 2 : i32
    %dma_wait3A_299 = arith.constant 0 : i32
    %dma_wait3A_300 = tpu.memref_slice %arg4[%select_n3A_277, %dma_wait3A_298, %select_n3A_293, %dma_wait3A_299] : memref<200x8x32x1024xf32, #tpu.memory_space<hbm>> -> memref<1x2x1x1024xf32, #tpu.memory_space<hbm>>
    %dma_wait3A_301 = tpu.memref_squeeze %dma_wait3A_300 : memref<1x2x1x1024xf32, #tpu.memory_space<hbm>> -> memref<2x1024xf32, #tpu.memory_space<hbm>>
    tpu.wait_dma2 semaphore(%arg21 : memref<!tpu.dma_semaphore, #tpu.memory_space<semaphore_mem>>) src(%arg10 : memref<2x1024xf32, #tpu.memory_space<vmem>>) dst(%dma_wait3A_301 : memref<2x1024xf32, #tpu.memory_space<hbm>>)
    %add3A_302 = arith.constant 198 : i32
    %add3A_303 = arith.addi %mul3A_2, %add3A_302 : i32
    %jit3A_304 = arith.constant 32 : i32
    %div3A_305 = arith.divsi %add3A_303, %jit3A_304 : i32
    %sign3A_306 = arith.constant 0 : i32
    %sign3A_307 = arith.cmpi sgt, %add3A_303, %sign3A_306 : i32
    %sign3A_308 = arith.extui %sign3A_307 : i1 to i32
    %sign3A_309 = arith.constant 0 : i32
    %sign3A_310 = arith.cmpi slt, %add3A_303, %sign3A_309 : i32
    %sign3A_311 = arith.extui %sign3A_310 : i1 to i32
    %sign3A_312 = arith.subi %sign3A_308, %sign3A_311 : i32
    %sign3A_313 = arith.constant 0 : i32
    %sign3A_314 = arith.cmpi sgt, %jit3A_304, %sign3A_313 : i32
    %sign3A_315 = arith.extui %sign3A_314 : i1 to i32
    %sign3A_316 = arith.constant 0 : i32
    %sign3A_317 = arith.cmpi slt, %jit3A_304, %sign3A_316 : i32
    %sign3A_318 = arith.extui %sign3A_317 : i1 to i32
    %sign3A_319 = arith.subi %sign3A_315, %sign3A_318 : i32
    %ne3A_320 = arith.cmpi ne, %sign3A_312, %sign3A_319 : i32
    %rem3A_321 = arith.remsi %add3A_303, %jit3A_304 : i32
    %ne3A_322 = arith.constant 0 : i32
    %ne3A_323 = arith.cmpi ne, %rem3A_321, %ne3A_322 : i32
    %and3A_324 = arith.andi %ne3A_320, %ne3A_323 : i1
    %sub3A_325 = arith.constant 1 : i32
    %sub3A_326 = arith.subi %div3A_305, %sub3A_325 : i32
    %select_n3A_327 = arith.select %and3A_324, %sub3A_326, %div3A_305 : i32
    %jit3A_328 = arith.constant 32 : i32
    %eq3A_329 = arith.constant 0 : i32
    %eq3A_330 = arith.cmpi eq, %jit3A_328, %eq3A_329 : i32
    %jit3A_331 = arith.constant 1 : i32
    %select_n3A_332 = arith.select %eq3A_330, %jit3A_331, %jit3A_328 : i32
    %rem3A_333 = arith.remsi %add3A_303, %select_n3A_332 : i32
    %ne3A_334 = arith.constant 0 : i32
    %ne3A_335 = arith.cmpi ne, %rem3A_333, %ne3A_334 : i32
    %lt3A_336 = arith.constant 0 : i32
    %lt3A_337 = arith.cmpi slt, %rem3A_333, %lt3A_336 : i32
    %lt3A_338 = arith.constant 0 : i32
    %lt3A_339 = arith.cmpi slt, %select_n3A_332, %lt3A_338 : i32
    %ne3A_340 = arith.xori %lt3A_337, %lt3A_339 : i1
    %and3A_341 = arith.andi %ne3A_340, %ne3A_335 : i1
    %add3A_342 = arith.addi %rem3A_333, %select_n3A_332 : i32
    %select_n3A_343 = arith.select %and3A_341, %add3A_342, %rem3A_333 : i32
    %dma_wait3A_344 = arith.constant 4 : i32
    %dma_wait3A_345 = arith.constant 0 : i32
    %dma_wait3A_346 = tpu.memref_slice %arg4[%select_n3A_327, %dma_wait3A_344, %select_n3A_343, %dma_wait3A_345] : memref<200x8x32x1024xf32, #tpu.memory_space<hbm>> -> memref<1x2x1x1024xf32, #tpu.memory_space<hbm>>
    %dma_wait3A_347 = tpu.memref_squeeze %dma_wait3A_346 : memref<1x2x1x1024xf32, #tpu.memory_space<hbm>> -> memref<2x1024xf32, #tpu.memory_space<hbm>>
    %dma_wait3A_348 = arith.constant 4 : i32
    %dma_wait3A_349 = arith.constant 0 : i32
    %dma_wait3A_350 = tpu.memref_slice %arg4[%select_n3A_327, %dma_wait3A_348, %select_n3A_343, %dma_wait3A_349] : memref<200x8x32x1024xf32, #tpu.memory_space<hbm>> -> memref<1x2x1x1024xf32, #tpu.memory_space<hbm>>
    %dma_wait3A_351 = tpu.memref_squeeze %dma_wait3A_350 : memref<1x2x1x1024xf32, #tpu.memory_space<hbm>> -> memref<2x1024xf32, #tpu.memory_space<hbm>>
    tpu.wait_dma2 semaphore(%arg21 : memref<!tpu.dma_semaphore, #tpu.memory_space<semaphore_mem>>) src(%arg11 : memref<2x1024xf32, #tpu.memory_space<vmem>>) dst(%dma_wait3A_351 : memref<2x1024xf32, #tpu.memory_space<hbm>>)
    %add3A_352 = arith.constant 198 : i32
    %add3A_353 = arith.addi %mul3A_2, %add3A_352 : i32
    %jit3A_354 = arith.constant 32 : i32
    %div3A_355 = arith.divsi %add3A_353, %jit3A_354 : i32
    %sign3A_356 = arith.constant 0 : i32
    %sign3A_357 = arith.cmpi sgt, %add3A_353, %sign3A_356 : i32
    %sign3A_358 = arith.extui %sign3A_357 : i1 to i32
    %sign3A_359 = arith.constant 0 : i32
    %sign3A_360 = arith.cmpi slt, %add3A_353, %sign3A_359 : i32
    %sign3A_361 = arith.extui %sign3A_360 : i1 to i32
    %sign3A_362 = arith.subi %sign3A_358, %sign3A_361 : i32
    %sign3A_363 = arith.constant 0 : i32
    %sign3A_364 = arith.cmpi sgt, %jit3A_354, %sign3A_363 : i32
    %sign3A_365 = arith.extui %sign3A_364 : i1 to i32
    %sign3A_366 = arith.constant 0 : i32
    %sign3A_367 = arith.cmpi slt, %jit3A_354, %sign3A_366 : i32
    %sign3A_368 = arith.extui %sign3A_367 : i1 to i32
    %sign3A_369 = arith.subi %sign3A_365, %sign3A_368 : i32
    %ne3A_370 = arith.cmpi ne, %sign3A_362, %sign3A_369 : i32
    %rem3A_371 = arith.remsi %add3A_353, %jit3A_354 : i32
    %ne3A_372 = arith.constant 0 : i32
    %ne3A_373 = arith.cmpi ne, %rem3A_371, %ne3A_372 : i32
    %and3A_374 = arith.andi %ne3A_370, %ne3A_373 : i1
    %sub3A_375 = arith.constant 1 : i32
    %sub3A_376 = arith.subi %div3A_355, %sub3A_375 : i32
    %select_n3A_377 = arith.select %and3A_374, %sub3A_376, %div3A_355 : i32
    %jit3A_378 = arith.constant 32 : i32
    %eq3A_379 = arith.constant 0 : i32
    %eq3A_380 = arith.cmpi eq, %jit3A_378, %eq3A_379 : i32
    %jit3A_381 = arith.constant 1 : i32
    %select_n3A_382 = arith.select %eq3A_380, %jit3A_381, %jit3A_378 : i32
    %rem3A_383 = arith.remsi %add3A_353, %select_n3A_382 : i32
    %ne3A_384 = arith.constant 0 : i32
    %ne3A_385 = arith.cmpi ne, %rem3A_383, %ne3A_384 : i32
    %lt3A_386 = arith.constant 0 : i32
    %lt3A_387 = arith.cmpi slt, %rem3A_383, %lt3A_386 : i32
    %lt3A_388 = arith.constant 0 : i32
    %lt3A_389 = arith.cmpi slt, %select_n3A_382, %lt3A_388 : i32
    %ne3A_390 = arith.xori %lt3A_387, %lt3A_389 : i1
    %and3A_391 = arith.andi %ne3A_390, %ne3A_385 : i1
    %add3A_392 = arith.addi %rem3A_383, %select_n3A_382 : i32
    %select_n3A_393 = arith.select %and3A_391, %add3A_392, %rem3A_383 : i32
    %dma_wait3A_394 = arith.constant 6 : i32
    %dma_wait3A_395 = arith.constant 0 : i32
    %dma_wait3A_396 = tpu.memref_slice %arg4[%select_n3A_377, %dma_wait3A_394, %select_n3A_393, %dma_wait3A_395] : memref<200x8x32x1024xf32, #tpu.memory_space<hbm>> -> memref<1x2x1x1024xf32, #tpu.memory_space<hbm>>
    %dma_wait3A_397 = tpu.memref_squeeze %dma_wait3A_396 : memref<1x2x1x1024xf32, #tpu.memory_space<hbm>> -> memref<2x1024xf32, #tpu.memory_space<hbm>>
    %dma_wait3A_398 = arith.constant 6 : i32
    %dma_wait3A_399 = arith.constant 0 : i32
    %dma_wait3A_400 = tpu.memref_slice %arg4[%select_n3A_377, %dma_wait3A_398, %select_n3A_393, %dma_wait3A_399] : memref<200x8x32x1024xf32, #tpu.memory_space<hbm>> -> memref<1x2x1x1024xf32, #tpu.memory_space<hbm>>
    %dma_wait3A_401 = tpu.memref_squeeze %dma_wait3A_400 : memref<1x2x1x1024xf32, #tpu.memory_space<hbm>> -> memref<2x1024xf32, #tpu.memory_space<hbm>>
    tpu.wait_dma2 semaphore(%arg21 : memref<!tpu.dma_semaphore, #tpu.memory_space<semaphore_mem>>) src(%arg12 : memref<2x1024xf32, #tpu.memory_space<vmem>>) dst(%dma_wait3A_401 : memref<2x1024xf32, #tpu.memory_space<hbm>>)
    %add3A_402 = arith.constant 199 : i32
    %add3A_403 = arith.addi %mul3A_2, %add3A_402 : i32
    %jit3A_404 = arith.constant 32 : i32
    %div3A_405 = arith.divsi %add3A_403, %jit3A_404 : i32
    %sign3A_406 = arith.constant 0 : i32
    %sign3A_407 = arith.cmpi sgt, %add3A_403, %sign3A_406 : i32
    %sign3A_408 = arith.extui %sign3A_407 : i1 to i32
    %sign3A_409 = arith.constant 0 : i32
    %sign3A_410 = arith.cmpi slt, %add3A_403, %sign3A_409 : i32
    %sign3A_411 = arith.extui %sign3A_410 : i1 to i32
    %sign3A_412 = arith.subi %sign3A_408, %sign3A_411 : i32
    %sign3A_413 = arith.constant 0 : i32
    %sign3A_414 = arith.cmpi sgt, %jit3A_404, %sign3A_413 : i32
    %sign3A_415 = arith.extui %sign3A_414 : i1 to i32
    %sign3A_416 = arith.constant 0 : i32
    %sign3A_417 = arith.cmpi slt, %jit3A_404, %sign3A_416 : i32
    %sign3A_418 = arith.extui %sign3A_417 : i1 to i32
    %sign3A_419 = arith.subi %sign3A_415, %sign3A_418 : i32
    %ne3A_420 = arith.cmpi ne, %sign3A_412, %sign3A_419 : i32
    %rem3A_421 = arith.remsi %add3A_403, %jit3A_404 : i32
    %ne3A_422 = arith.constant 0 : i32
    %ne3A_423 = arith.cmpi ne, %rem3A_421, %ne3A_422 : i32
    %and3A_424 = arith.andi %ne3A_420, %ne3A_423 : i1
    %sub3A_425 = arith.constant 1 : i32
    %sub3A_426 = arith.subi %div3A_405, %sub3A_425 : i32
    %select_n3A_427 = arith.select %and3A_424, %sub3A_426, %div3A_405 : i32
    %jit3A_428 = arith.constant 32 : i32
    %eq3A_429 = arith.constant 0 : i32
    %eq3A_430 = arith.cmpi eq, %jit3A_428, %eq3A_429 : i32
    %jit3A_431 = arith.constant 1 : i32
    %select_n3A_432 = arith.select %eq3A_430, %jit3A_431, %jit3A_428 : i32
    %rem3A_433 = arith.remsi %add3A_403, %select_n3A_432 : i32
    %ne3A_434 = arith.constant 0 : i32
    %ne3A_435 = arith.cmpi ne, %rem3A_433, %ne3A_434 : i32
    %lt3A_436 = arith.constant 0 : i32
    %lt3A_437 = arith.cmpi slt, %rem3A_433, %lt3A_436 : i32
    %lt3A_438 = arith.constant 0 : i32
    %lt3A_439 = arith.cmpi slt, %select_n3A_432, %lt3A_438 : i32
    %ne3A_440 = arith.xori %lt3A_437, %lt3A_439 : i1
    %and3A_441 = arith.andi %ne3A_440, %ne3A_435 : i1
    %add3A_442 = arith.addi %rem3A_433, %select_n3A_432 : i32
    %select_n3A_443 = arith.select %and3A_441, %add3A_442, %rem3A_433 : i32
    %dma_wait3A_444 = arith.constant 0 : i32
    %dma_wait3A_445 = arith.constant 0 : i32
    %dma_wait3A_446 = tpu.memref_slice %arg4[%select_n3A_427, %dma_wait3A_444, %select_n3A_443, %dma_wait3A_445] : memref<200x8x32x1024xf32, #tpu.memory_space<hbm>> -> memref<1x2x1x1024xf32, #tpu.memory_space<hbm>>
    %dma_wait3A_447 = tpu.memref_squeeze %dma_wait3A_446 : memref<1x2x1x1024xf32, #tpu.memory_space<hbm>> -> memref<2x1024xf32, #tpu.memory_space<hbm>>
    %dma_wait3A_448 = arith.constant 0 : i32
    %dma_wait3A_449 = arith.constant 0 : i32
    %dma_wait3A_450 = tpu.memref_slice %arg4[%select_n3A_427, %dma_wait3A_448, %select_n3A_443, %dma_wait3A_449] : memref<200x8x32x1024xf32, #tpu.memory_space<hbm>> -> memref<1x2x1x1024xf32, #tpu.memory_space<hbm>>
    %dma_wait3A_451 = tpu.memref_squeeze %dma_wait3A_450 : memref<1x2x1x1024xf32, #tpu.memory_space<hbm>> -> memref<2x1024xf32, #tpu.memory_space<hbm>>
    tpu.wait_dma2 semaphore(%arg22 : memref<!tpu.dma_semaphore, #tpu.memory_space<semaphore_mem>>) src(%arg13 : memref<2x1024xf32, #tpu.memory_space<vmem>>) dst(%dma_wait3A_451 : memref<2x1024xf32, #tpu.memory_space<hbm>>)
    %add3A_452 = arith.constant 199 : i32
    %add3A_453 = arith.addi %mul3A_2, %add3A_452 : i32
    %jit3A_454 = arith.constant 32 : i32
    %div3A_455 = arith.divsi %add3A_453, %jit3A_454 : i32
    %sign3A_456 = arith.constant 0 : i32
    %sign3A_457 = arith.cmpi sgt, %add3A_453, %sign3A_456 : i32
    %sign3A_458 = arith.extui %sign3A_457 : i1 to i32
    %sign3A_459 = arith.constant 0 : i32
    %sign3A_460 = arith.cmpi slt, %add3A_453, %sign3A_459 : i32
    %sign3A_461 = arith.extui %sign3A_460 : i1 to i32
    %sign3A_462 = arith.subi %sign3A_458, %sign3A_461 : i32
    %sign3A_463 = arith.constant 0 : i32
    %sign3A_464 = arith.cmpi sgt, %jit3A_454, %sign3A_463 : i32
    %sign3A_465 = arith.extui %sign3A_464 : i1 to i32
    %sign3A_466 = arith.constant 0 : i32
    %sign3A_467 = arith.cmpi slt, %jit3A_454, %sign3A_466 : i32
    %sign3A_468 = arith.extui %sign3A_467 : i1 to i32
    %sign3A_469 = arith.subi %sign3A_465, %sign3A_468 : i32
    %ne3A_470 = arith.cmpi ne, %sign3A_462, %sign3A_469 : i32
    %rem3A_471 = arith.remsi %add3A_453, %jit3A_454 : i32
    %ne3A_472 = arith.constant 0 : i32
    %ne3A_473 = arith.cmpi ne, %rem3A_471, %ne3A_472 : i32
    %and3A_474 = arith.andi %ne3A_470, %ne3A_473 : i1
    %sub3A_475 = arith.constant 1 : i32
    %sub3A_476 = arith.subi %div3A_455, %sub3A_475 : i32
    %select_n3A_477 = arith.select %and3A_474, %sub3A_476, %div3A_455 : i32
    %jit3A_478 = arith.constant 32 : i32
    %eq3A_479 = arith.constant 0 : i32
    %eq3A_480 = arith.cmpi eq, %jit3A_478, %eq3A_479 : i32
    %jit3A_481 = arith.constant 1 : i32
    %select_n3A_482 = arith.select %eq3A_480, %jit3A_481, %jit3A_478 : i32
    %rem3A_483 = arith.remsi %add3A_453, %select_n3A_482 : i32
    %ne3A_484 = arith.constant 0 : i32
    %ne3A_485 = arith.cmpi ne, %rem3A_483, %ne3A_484 : i32
    %lt3A_486 = arith.constant 0 : i32
    %lt3A_487 = arith.cmpi slt, %rem3A_483, %lt3A_486 : i32
    %lt3A_488 = arith.constant 0 : i32
    %lt3A_489 = arith.cmpi slt, %select_n3A_482, %lt3A_488 : i32
    %ne3A_490 = arith.xori %lt3A_487, %lt3A_489 : i1
    %and3A_491 = arith.andi %ne3A_490, %ne3A_485 : i1
    %add3A_492 = arith.addi %rem3A_483, %select_n3A_482 : i32
    %select_n3A_493 = arith.select %and3A_491, %add3A_492, %rem3A_483 : i32
    %dma_wait3A_494 = arith.constant 2 : i32
    %dma_wait3A_495 = arith.constant 0 : i32
    %dma_wait3A_496 = tpu.memref_slice %arg4[%select_n3A_477, %dma_wait3A_494, %select_n3A_493, %dma_wait3A_495] : memref<200x8x32x1024xf32, #tpu.memory_space<hbm>> -> memref<1x2x1x1024xf32, #tpu.memory_space<hbm>>
    %dma_wait3A_497 = tpu.memref_squeeze %dma_wait3A_496 : memref<1x2x1x1024xf32, #tpu.memory_space<hbm>> -> memref<2x1024xf32, #tpu.memory_space<hbm>>
    %dma_wait3A_498 = arith.constant 2 : i32
    %dma_wait3A_499 = arith.constant 0 : i32
    %dma_wait3A_500 = tpu.memref_slice %arg4[%select_n3A_477, %dma_wait3A_498, %select_n3A_493, %dma_wait3A_499] : memref<200x8x32x1024xf32, #tpu.memory_space<hbm>> -> memref<1x2x1x1024xf32, #tpu.memory_space<hbm>>
    %dma_wait3A_501 = tpu.memref_squeeze %dma_wait3A_500 : memref<1x2x1x1024xf32, #tpu.memory_space<hbm>> -> memref<2x1024xf32, #tpu.memory_space<hbm>>
    tpu.wait_dma2 semaphore(%arg22 : memref<!tpu.dma_semaphore, #tpu.memory_space<semaphore_mem>>) src(%arg14 : memref<2x1024xf32, #tpu.memory_space<vmem>>) dst(%dma_wait3A_501 : memref<2x1024xf32, #tpu.memory_space<hbm>>)
    %add3A_502 = arith.constant 199 : i32
    %add3A_503 = arith.addi %mul3A_2, %add3A_502 : i32
    %jit3A_504 = arith.constant 32 : i32
    %div3A_505 = arith.divsi %add3A_503, %jit3A_504 : i32
    %sign3A_506 = arith.constant 0 : i32
    %sign3A_507 = arith.cmpi sgt, %add3A_503, %sign3A_506 : i32
    %sign3A_508 = arith.extui %sign3A_507 : i1 to i32
    %sign3A_509 = arith.constant 0 : i32
    %sign3A_510 = arith.cmpi slt, %add3A_503, %sign3A_509 : i32
    %sign3A_511 = arith.extui %sign3A_510 : i1 to i32
    %sign3A_512 = arith.subi %sign3A_508, %sign3A_511 : i32
    %sign3A_513 = arith.constant 0 : i32
    %sign3A_514 = arith.cmpi sgt, %jit3A_504, %sign3A_513 : i32
    %sign3A_515 = arith.extui %sign3A_514 : i1 to i32
    %sign3A_516 = arith.constant 0 : i32
    %sign3A_517 = arith.cmpi slt, %jit3A_504, %sign3A_516 : i32
    %sign3A_518 = arith.extui %sign3A_517 : i1 to i32
    %sign3A_519 = arith.subi %sign3A_515, %sign3A_518 : i32
    %ne3A_520 = arith.cmpi ne, %sign3A_512, %sign3A_519 : i32
    %rem3A_521 = arith.remsi %add3A_503, %jit3A_504 : i32
    %ne3A_522 = arith.constant 0 : i32
    %ne3A_523 = arith.cmpi ne, %rem3A_521, %ne3A_522 : i32
    %and3A_524 = arith.andi %ne3A_520, %ne3A_523 : i1
    %sub3A_525 = arith.constant 1 : i32
    %sub3A_526 = arith.subi %div3A_505, %sub3A_525 : i32
    %select_n3A_527 = arith.select %and3A_524, %sub3A_526, %div3A_505 : i32
    %jit3A_528 = arith.constant 32 : i32
    %eq3A_529 = arith.constant 0 : i32
    %eq3A_530 = arith.cmpi eq, %jit3A_528, %eq3A_529 : i32
    %jit3A_531 = arith.constant 1 : i32
    %select_n3A_532 = arith.select %eq3A_530, %jit3A_531, %jit3A_528 : i32
    %rem3A_533 = arith.remsi %add3A_503, %select_n3A_532 : i32
    %ne3A_534 = arith.constant 0 : i32
    %ne3A_535 = arith.cmpi ne, %rem3A_533, %ne3A_534 : i32
    %lt3A_536 = arith.constant 0 : i32
    %lt3A_537 = arith.cmpi slt, %rem3A_533, %lt3A_536 : i32
    %lt3A_538 = arith.constant 0 : i32
    %lt3A_539 = arith.cmpi slt, %select_n3A_532, %lt3A_538 : i32
    %ne3A_540 = arith.xori %lt3A_537, %lt3A_539 : i1
    %and3A_541 = arith.andi %ne3A_540, %ne3A_535 : i1
    %add3A_542 = arith.addi %rem3A_533, %select_n3A_532 : i32
    %select_n3A_543 = arith.select %and3A_541, %add3A_542, %rem3A_533 : i32
    %dma_wait3A_544 = arith.constant 4 : i32
    %dma_wait3A_545 = arith.constant 0 : i32
    %dma_wait3A_546 = tpu.memref_slice %arg4[%select_n3A_527, %dma_wait3A_544, %select_n3A_543, %dma_wait3A_545] : memref<200x8x32x1024xf32, #tpu.memory_space<hbm>> -> memref<1x2x1x1024xf32, #tpu.memory_space<hbm>>
    %dma_wait3A_547 = tpu.memref_squeeze %dma_wait3A_546 : memref<1x2x1x1024xf32, #tpu.memory_space<hbm>> -> memref<2x1024xf32, #tpu.memory_space<hbm>>
    %dma_wait3A_548 = arith.constant 4 : i32
    %dma_wait3A_549 = arith.constant 0 : i32
    %dma_wait3A_550 = tpu.memref_slice %arg4[%select_n3A_527, %dma_wait3A_548, %select_n3A_543, %dma_wait3A_549] : memref<200x8x32x1024xf32, #tpu.memory_space<hbm>> -> memref<1x2x1x1024xf32, #tpu.memory_space<hbm>>
    %dma_wait3A_551 = tpu.memref_squeeze %dma_wait3A_550 : memref<1x2x1x1024xf32, #tpu.memory_space<hbm>> -> memref<2x1024xf32, #tpu.memory_space<hbm>>
    tpu.wait_dma2 semaphore(%arg22 : memref<!tpu.dma_semaphore, #tpu.memory_space<semaphore_mem>>) src(%arg15 : memref<2x1024xf32, #tpu.memory_space<vmem>>) dst(%dma_wait3A_551 : memref<2x1024xf32, #tpu.memory_space<hbm>>)
    %add3A_552 = arith.constant 199 : i32
    %add3A_553 = arith.addi %mul3A_2, %add3A_552 : i32
    %jit3A_554 = arith.constant 32 : i32
    %div3A_555 = arith.divsi %add3A_553, %jit3A_554 : i32
    %sign3A_556 = arith.constant 0 : i32
    %sign3A_557 = arith.cmpi sgt, %add3A_553, %sign3A_556 : i32
    %sign3A_558 = arith.extui %sign3A_557 : i1 to i32
    %sign3A_559 = arith.constant 0 : i32
    %sign3A_560 = arith.cmpi slt, %add3A_553, %sign3A_559 : i32
    %sign3A_561 = arith.extui %sign3A_560 : i1 to i32
    %sign3A_562 = arith.subi %sign3A_558, %sign3A_561 : i32
    %sign3A_563 = arith.constant 0 : i32
    %sign3A_564 = arith.cmpi sgt, %jit3A_554, %sign3A_563 : i32
    %sign3A_565 = arith.extui %sign3A_564 : i1 to i32
    %sign3A_566 = arith.constant 0 : i32
    %sign3A_567 = arith.cmpi slt, %jit3A_554, %sign3A_566 : i32
    %sign3A_568 = arith.extui %sign3A_567 : i1 to i32
    %sign3A_569 = arith.subi %sign3A_565, %sign3A_568 : i32
    %ne3A_570 = arith.cmpi ne, %sign3A_562, %sign3A_569 : i32
    %rem3A_571 = arith.remsi %add3A_553, %jit3A_554 : i32
    %ne3A_572 = arith.constant 0 : i32
    %ne3A_573 = arith.cmpi ne, %rem3A_571, %ne3A_572 : i32
    %and3A_574 = arith.andi %ne3A_570, %ne3A_573 : i1
    %sub3A_575 = arith.constant 1 : i32
    %sub3A_576 = arith.subi %div3A_555, %sub3A_575 : i32
    %select_n3A_577 = arith.select %and3A_574, %sub3A_576, %div3A_555 : i32
    %jit3A_578 = arith.constant 32 : i32
    %eq3A_579 = arith.constant 0 : i32
    %eq3A_580 = arith.cmpi eq, %jit3A_578, %eq3A_579 : i32
    %jit3A_581 = arith.constant 1 : i32
    %select_n3A_582 = arith.select %eq3A_580, %jit3A_581, %jit3A_578 : i32
    %rem3A_583 = arith.remsi %add3A_553, %select_n3A_582 : i32
    %ne3A_584 = arith.constant 0 : i32
    %ne3A_585 = arith.cmpi ne, %rem3A_583, %ne3A_584 : i32
    %lt3A_586 = arith.constant 0 : i32
    %lt3A_587 = arith.cmpi slt, %rem3A_583, %lt3A_586 : i32
    %lt3A_588 = arith.constant 0 : i32
    %lt3A_589 = arith.cmpi slt, %select_n3A_582, %lt3A_588 : i32
    %ne3A_590 = arith.xori %lt3A_587, %lt3A_589 : i1
    %and3A_591 = arith.andi %ne3A_590, %ne3A_585 : i1
    %add3A_592 = arith.addi %rem3A_583, %select_n3A_582 : i32
    %select_n3A_593 = arith.select %and3A_591, %add3A_592, %rem3A_583 : i32
    %dma_wait3A_594 = arith.constant 6 : i32
    %dma_wait3A_595 = arith.constant 0 : i32
    %dma_wait3A_596 = tpu.memref_slice %arg4[%select_n3A_577, %dma_wait3A_594, %select_n3A_593, %dma_wait3A_595] : memref<200x8x32x1024xf32, #tpu.memory_space<hbm>> -> memref<1x2x1x1024xf32, #tpu.memory_space<hbm>>
    %dma_wait3A_597 = tpu.memref_squeeze %dma_wait3A_596 : memref<1x2x1x1024xf32, #tpu.memory_space<hbm>> -> memref<2x1024xf32, #tpu.memory_space<hbm>>
    %dma_wait3A_598 = arith.constant 6 : i32
    %dma_wait3A_599 = arith.constant 0 : i32
    %dma_wait3A_600 = tpu.memref_slice %arg4[%select_n3A_577, %dma_wait3A_598, %select_n3A_593, %dma_wait3A_599] : memref<200x8x32x1024xf32, #tpu.memory_space<hbm>> -> memref<1x2x1x1024xf32, #tpu.memory_space<hbm>>
    %dma_wait3A_601 = tpu.memref_squeeze %dma_wait3A_600 : memref<1x2x1x1024xf32, #tpu.memory_space<hbm>> -> memref<2x1024xf32, #tpu.memory_space<hbm>>
    tpu.wait_dma2 semaphore(%arg22 : memref<!tpu.dma_semaphore, #tpu.memory_space<semaphore_mem>>) src(%arg16 : memref<2x1024xf32, #tpu.memory_space<vmem>>) dst(%dma_wait3A_601 : memref<2x1024xf32, #tpu.memory_space<hbm>>)
    return
  }
}

</mosaic_0001>

<sc_bundles>
// kernel: kernel.3.cloned.1.call-start
scs
__scs_entry_jumppad:
0x0: {  	(pc) =	sbr.rel $0x88, $3  }
0x1: {  	(tag) =	ssettag $0x0;
	lr =	simm.s32 $0x1  }
0x2: {  	[smem:$0x3F9F] =	sst lr;
	_ =	strace $0xD0000000  }
0x3: {  	_ = 	snop  }
0x4: {  	_ = 	snop  }
0x5: {  	_ = 	snop  }
0x6: {  	_ = 	snop  }
0x7: {  	_ = 	snop  }
__scs_overlays_trampoline_lowered:
0x8: {  	[smem:$0x3FAE] =	sst s0  }
0x9: {  	[smem:$0x3FAF] =	sst s1  }
0xa: {  	[smem:$0x3FB0] =	sst s2  }
0xb: {  	[smem:$0x3FB1] =	sst s3  }
0xc: {  	[smem:$0x3FB2] =	sst s4  }
0xd: {  	[smem:$0x3FB3] =	sst s5  }
0xe: {  	[smem:$0x3FB4] =	sst s6  }
0xf: {  	[smem:$0x3FB5] =	sst s7  }
0x10: {  	[smem:$0x3FB6] =	sst s8  }
0x11: {  	[smem:$0x3FB7] =	sst s9;
	s0 =	simm.s32 @!p0 $0x0  }
0x12: {  	s1 =	sld [smem:$0x3F9D];
	s0 =	simm.s32 @p0 $0x1  }
0x13: {  	[smem:$0x3FB8] =	sst s0;
	s0 =	simm.s32 @!p1 $0x0  }
0x14: {  	s2 =	sld [smem:$0x3F9C];
	s0 =	simm.s32 @p1 $0x1  }
0x15: {  	[smem:$0x3FB9] =	sst s0;
	s0 =	simm.s32 @!p2 $0x0  }
0x16: {  	s3 =	sld [smem:$0x3FDB];
	s0 =	simm.s32 @p2 $0x1  }
0x17: {  	s4 =	simm.s32 $0x1BF5;
	[smem:$0x3FBB] =	sst s0  }
0x18: {  	s0 =	sld [smem:$0x3F9E];
	_ =	swait.ge [sflag:s4], $0x0  }
0x19: {  	s7 =	sld [smem:$0x3F9F]  }
0x1a: {  	s8 =	sadd.s32 $0xFFFFE003, lr  }
0x1b: {  	s9 =	sadd.s32 $0xFFFFFEF7, lr;
	s5 =	simm.s32 $0xFFFFFFFF;
	p2 =	slt.u32 s8, $0xFFFFF086  }
0x1c: {  	p1 =	slt.u32 s9, $0xF7A;
	s5 =	simm.s32 @!p2 $0x0  }
0x1d: {  	s5 =	simm.s32 @p1 $0x1;
	p0 =	seq.s32 s7, s2  }
0x1e: {  	s7 =	smul.u32 @!p0 $0xF7A, s2;
	p2 =	seq.s32 @!p0 s5, $0x0  }
0x1f: {  	s9 =	smul.u32 $0xF7A, s1;
	s8 =	simm.s32 @!p0 $0x1BF5;
	p2 =	por !p2, p0  }
0x20: {  	[sflag:s8] =	ssyncset.s32 @!p0 $0xFFFFF086;
	s6 =	sadd.s32 @!p0 s3, s7;
	s7 =	simm.s32 @!p0 $0x108  }
0x21: {  	s3 =	sadd.s32 s3, s9;
	s6 =	sadd.s32 @!p0 $0x88, s6;
	s7 =	simm.s32 @p2 $0x1082  }
0x22: {  	[simem:s7], [sflag:s8] =	dma.local @!p0 [hbm:s6], $0xF7A  }
0x23: {  	s9 =	sor.u32 $0xD0000000, s2;
	s6 =	simm.s32 $0x108;
	_ =	swait.ge @!p0 [sflag:s8], $0x0  }
0x24: {  	s3 =	sadd.s32 $0x88, s3;
	s6 =	simm.s32 @!p1 $0x1082;
	[sflag:s4] =	ssyncset.s32 $0xFFFFF086  }
0x25: {  	[simem:s6], [sflag:s4] =	dma.local [hbm:s3], $0xF7A  }
0x26: {  	[smem:$0x3F9F] =	sst s1;
	(tag) =	ssettag s2;
	_ =	strace s9  }
0x27: {  	s1 =	sld [smem:$0x3FAF]  }
0x28: {  	s2 =	sld [smem:$0x3FB0]  }
0x29: {  	s4 =	sld [smem:$0x3FB2]  }
0x2a: {  	p0 =	seq.s32 s5, $0x0;
	s5 =	sld [smem:$0x3FB3]  }
0x2b: {  	s6 =	sld [smem:$0x3FB4]  }
0x2c: {  	s7 =	sld [smem:$0x3FB5]  }
0x2d: {  	s3 =	simm.s32 $0x108;
	s8 =	sld [smem:$0x3FB6]  }
0x2e: {  	s3 =	simm.s32 @!p0 $0x1082;
	s9 =	sld [smem:$0x3FB7]  }
0x2f: {  	lr =	sadd.s32 s0, s3;
	s0 =	sld [smem:$0x3FAE]  }
0x30: {  	s3 =	sld [smem:$0x3FB1]  }
0x31: {  	[smem:$0x3FBA] =	sst s10  }
0x32: {  	s10 =	sld [smem:$0x3FB8];
	_ =	sdelay $0x3  }
0x33: {  	p0 =	seq.s32 s10, $0x1;
	s10 =	sld [smem:$0x3FBA];
	_ =	sdelay $0x3  }
0x34: {  	[smem:$0x3FBA] =	sst s10  }
0x35: {  	s10 =	sld [smem:$0x3FB9];
	_ =	sdelay $0x3  }
0x36: {  	p1 =	seq.s32 s10, $0x1;
	s10 =	sld [smem:$0x3FBA];
	_ =	sdelay $0x3  }
0x37: {  	[smem:$0x3FBA] =	sst s10  }
0x38: {  	s10 =	sld [smem:$0x3FBB]  }
0x39: {  	_ = 	snop;
	(pc) =	sbr.ind lr, $3  }
0x3a: {  	_ = 	snop  }
0x3b: {  	_ = 	snop  }
0x3c: {  	p2 =	seq.s32 s10, $0x1;
	s10 =	sld [smem:$0x3FBA]  }
0x3d: {  	_ =	shalt  }
0x3e: {  	_ =	shalt  }
0x3f: {  	_ =	shalt  }
0x40: {  	_ =	shalt  }
0x41: {  	_ =	shalt  }
0x42: {  	_ =	shalt  }
0x43: {  	_ =	shalt  }
0x44: {  	_ =	shalt  }
0x45: {  	_ =	shalt  }
0x46: {  	_ =	shalt  }
0x47: {  	_ =	shalt  }
0x48: {  	_ =	shalt  }
0x49: {  	_ =	shalt  }
0x4a: {  	_ =	shalt  }
0x4b: {  	_ =	shalt  }
0x4c: {  	_ =	shalt  }
0x4d: {  	_ =	shalt  }
0x4e: {  	_ =	shalt  }
0x4f: {  	_ =	shalt  }
0x50: {  	_ =	shalt  }
0x51: {  	_ =	shalt  }
0x52: {  	_ =	shalt  }
0x53: {  	_ =	shalt  }
0x54: {  	_ =	shalt  }
0x55: {  	_ =	shalt  }
0x56: {  	_ =	shalt  }
0x57: {  	_ =	shalt  }
0x58: {  	_ =	shalt  }
0x59: {  	_ =	shalt  }
0x5a: {  	_ =	shalt  }
0x5b: {  	_ =	shalt  }
0x5c: {  	_ =	shalt  }
0x5d: {  	_ =	shalt  }
0x5e: {  	_ =	shalt  }
0x5f: {  	_ =	shalt  }
0x60: {  	_ =	shalt  }
0x61: {  	_ =	shalt  }
0x62: {  	_ =	shalt  }
0x63: {  	_ =	shalt  }
0x64: {  	_ =	shalt  }
0x65: {  	_ =	shalt  }
0x66: {  	_ =	shalt  }
0x67: {  	_ =	shalt  }
0x68: {  	_ =	shalt  }
0x69: {  	_ =	shalt  }
0x6a: {  	_ =	shalt  }
0x6b: {  	_ =	shalt  }
0x6c: {  	_ =	shalt  }
0x6d: {  	_ =	shalt  }
0x6e: {  	_ =	shalt  }
0x6f: {  	_ =	shalt  }
0x70: {  	_ =	shalt  }
0x71: {  	_ =	shalt  }
0x72: {  	_ =	shalt  }
0x73: {  	_ =	shalt  }
0x74: {  	_ =	shalt  }
0x75: {  	_ =	shalt  }
0x76: {  	_ =	shalt  }
0x77: {  	_ =	shalt  }
0x78: {  	_ =	shalt  }
0x79: {  	_ =	shalt  }
0x7a: {  	_ =	shalt  }
0x7b: {  	_ =	shalt  }
0x7c: {  	_ =	shalt  }
0x7d: {  	_ =	shalt  }
0x7e: {  	_ =	shalt  }
0x7f: {  	_ =	shalt  }
0x80: {  	_ =	shalt  }
0x81: {  	_ =	shalt  }
0x82: {  	_ =	shalt  }
0x83: {  	_ =	shalt  }
0x84: {  	_ =	shalt  }
0x85: {  	_ =	shalt  }
0x86: {  	_ =	shalt  }
0x87: {  	_ =	shalt  }
.Lfunc_end0:
.L_simem_size_0:
called_computation_lowered:
.L_overlay_start_0:
0x88: {  	s2 =	sld [smem:$0x3FD9]  }
0x89: {  	s3 =	sld [smem:$0x3FFE];
	_ =	sdelay $0x1  }
0x8a: {  	s1 =	srdreg.scid  }
0x8b: {  	s0 =	sand.u32 $0x1, s1  }
0x8c: {  	s17 =	sshll.u32 s0, $0xA;
	s2 =	sadd.s32 s3, s2  }
0x8d: {  	s2 =	sadd.s32 s2, s17  }
0x8e: {  	[smem:$0x3FC6] =	sst s2  }
0x8f: {  	_ = 	snop  }
0x90: {  	s2 =	sld [smem:$0x3FD0];
	(tm) =	ssettm $0x1  }
0x91: {  	s18 =	sld [smem:$0x3FFB];
	_ =	sdelay $0x3  }
0x92: {  	_ =	strace s18  }
0x93: {  	s3 =	sld [smem:$0x3FFC];
	_ =	sdelay $0x3  }
0x94: {  	_ =	strace s3  }
0x95: {  	s3 =	sld [smem:$0x3FFD];
	_ =	sdelay $0x3  }
0x96: {  	_ =	strace s3  }
0x97: {  	_ =	strace $0x8FFFFFFF  }
0x98: {  	s19 =	sld [smem:$0x3FDB];
	_ =	sdelay $0x1  }
0x99: {  	s4 =	simm.s32 $_scs_section_size  }
0x9a: {  	s5 =	simm.s32 $_size__tile_overlayer_lowered;
	s6 =	simm.s32 $_tile_overlayer_lowered  }
0x9b: {  	s22 =	simm.s32 $0x1BFF;
	s21 =	sshll.u32 s6, $0x1;
	s3 =	sadd.s32 s4, s19  }
0x9c: {  	s7 =	simm.s32 $0x0;
	s20 =	sshll.u32 s5, $0x1;
	s5 =	sadd.s32 s21, s3  }
0x9d: {  	[timem:s7], [sflag:s22] =	dma.local [hbm:s5], s20  }
0x9e: {  	_ =	swait.ge [sflag:s22], s20  }
0x9f: {  	s4 =	ssub.s32 $0x0, s20;
	[sflag:s22] =	ssyncset.done $0x0  }
0xa0: {  	[sflag:s22] =	ssyncadd.s32 s4;
	_ =	sdelay $0x1  }
0xa1: {  	s23 =	simm.s32 $0x1B8B  }
0xa2: {  	_ =	swait.ge [sflag:s23], $0x1  }
0xa3: {  	[sflag:s23] =	ssyncset.done $0x0  }
0xa4: {  	s25 =	simm.s32 $0x1B8E;
	s24 =	sld [smem:$0x3FFE];
	[sflag:s23] =	ssyncadd.s32 $0xFFFFFFFF  }
0xa5: {  	s26 =	simm.s32 $execute0_lowered;
	[smem:$0x3FD2] =	sst s25  }
0xa6: {  	s5 =	sshll.u32 s26, $0x1;
	_ =	strace $0x80000046;
	[dreg:$0x1] =	wrdreg $0xFFFFFFFF  }
0xa7: {  	s28 =	simm.s32 $_size_execute0_lowered;
	s3 =	sadd.s32 s3, s5;
	[dreg:$0x0] =	wrdreg $0x0  }
0xa8: {  	s5 =	sshll.u32 s28, $0x1;
	[dreg:$0x2] =	wrdreg s3  }
0xa9: {  	[dreg:$0x3] =	wrdreg s5  }
0xaa: {  	[dreg:$0x4] =	wrdreg $0xC0  }
0xab: {  	_ =	task [dreg:s7], $0x5FFFF  }
0xac: {  	[dreg:$0x1] =	wrdreg $0xFFFFFFFF  }
0xad: {  	[dreg:$0x0] =	wrdreg $0x60  }
0xae: {  	[dreg:$0x2] =	wrdreg s24  }
0xaf: {  	[dreg:$0x3] =	wrdreg s2  }
0xb0: {  	[dreg:$0x4] =	wrdreg $0x9  }
0xb1: {  	_ =	task.clear_ibuf [dreg:s7], $0x5FFFF;
	_ =	strace $0x90000046  }
0xb2: {  	s29 =	simm.s32 $0x9;
	_ =	strace $0x80000048  }
0xb3: {  	_ =	swait.ge [sflag:s29], $0x1  }
0xb4: {  	[sflag:s29] =	ssyncadd.s32 $0xFFFFFFFF  }
0xb5: {  	_ =	strace $0x90000048  }
0xb6: {  	_ =	sfence  }
0xb7: {  	s30 =	sld [smem:$0x0];
	_ =	sdelay $0x2  }
0xb8: {  	s31 =	sshll.u32 s1, $0xD;
	s1 =	sshrl.u32 s1, $0x2  }
0xb9: {  	s3 =	sand.u32 $0x4000, s31;
	s1 =	sadd.s32 s1, s30  }
0xba: {  	s0 =	sor.u32 s3, s0;
	s1 =	sshll.u32 s1, $0x11  }
0xbb: {  	s0 =	sor.u32 s1, s0  }
0xbc: {  	s0 =	sadd.s32 $0x8F2B, s0  }
0xbd: {  	[sflag:s0] =	ssyncadd.remote.s32 $0x1  }
0xbe: {  	_ =	sfence.sel $0xFFFF  }
0xbf: {  	[dreg:$0x0] =	wrdreg $0xFFFFFFFF;
	(pc) =	sbr.abs _section_cstart, $3  }
0xc0: {  	[dreg:$0x1] =	wrdreg $0xFFFFFFFF  }
0xc1: {  	_ =	task.clear_ibuf [dreg:s7], $0x2FFFF;
	_ =	strace $0x9FFFFFFF  }
0xc2: {  	(tm) =	ssettm $0x7FFFFFFF  }
0xc3: {  	_ =	shalt  }
tec
execute0_lowered:
.L_overlay_start_1:
0x0: {  	(tag) =	ssettag $0x1  }
0x1: {  	s0 =	srdreg.scid;
	s1 =	rddreg [dreg:$0x0]  }
0x2: {  	s2 =	stileid.u32;
	s21 =	rddreg [dreg:$0x1]  }
0x3: {  	s5 =	simm.s32 $0x0;
	s18 =	simm.s32 $0x3;
	s19 =	simm.s32 $0x2  }
0x4: {  	s28 =	simm.s32 $0x4;
	s29 =	simm.s32 $0x6100;
	s30 =	simm.s32 $0x6900  }
0x5: {  	s31 =	simm.s32 $0x7100;
	s17 =	simm.s32 $0x6;
	s0 =	sand.u32 $0x1, s0  }
0x6: {  	s3 =	sshll.u32 s2, $0x1;
	[smem:$0x7FF] =	sst s5;
	s10 =	sadd.s32 $0x2000, s21  }
0x7: {  	s11 =	sadd.s32 $0x4000, s21;
	s13 =	smov.u32 s21;
	s12 =	sadd.s32 $0x6000, s21  }
0x8: {  	s21 =	simm.s32 $0x4100;
	s2 =	simm.s32 $0x0;
	s3 =	sor.u32 s0, s3  }
0x9: {  	s0 =	ssub.s32 $0x2, s0;
	s4 =	smul.u32 $0x6400, s3;
	s22 =	sshll.u32 s3, $0xA  }
0xa: {  	_ =	strace $0x80000047;
	s7 =	sshrl.u32 s0, $0x1;
	s5 =	sand.u32 $0xC00, s22  }
0xb: {  	s0 =	ssub.s32 s0, s7;
	s22 =	simm.s32 $0x4900;
	s6 =	sand.u32 $0xFF000, s4  }
0xc: {  	v0 =	vlaneseq.u32;
	s4 =	sadd.s32 $0x600, s1;
	s0 =	smax.u32 s0, $0x1;
	s6 =	sor.u32 s5, s6  }
0xd: {  	v1 =	vshrl.u32 v0, $0x3;
	s5 =	smul.u32 $0xC8, s3;
	[dreg:$0x7] =	wrdreg s0;
	s23 =	sshrl.u32 s6, $0x3  }
.Ltmp0:
0xe: {  	v9 =	vmul.u32 $0x400, v1;
	s6 =	sadd.s32 $0xF42A00, s1;
	s24 =	sadd.s32 s4, s23;
	(pc) =	sbr.rel .LBB2_1-.Ltmp0, $4  }
0xf: {  	v11 =	vimm.f32 $0.0e+00;
	v2 =	vand.u32 $0x7, v0;
	v10 =	vor.u32 $0x78, v0;
	s25 =	sor.u32 $0x2, s5;
	s26 =	sor.u32 $0x3, s5;
	[dreg:$0x3] =	wrdreg s24  }
0x10: {  	v1 =	vmul.u32 $0x80, v0;
	v2 =	vmul.u32 $0x80, v2;
	v3 =	vor.u32 $0x1, v9;
	s23 =	simm.s32 $0x5100;
	s1 =	sadd.s32 $0x10, s24;
	[dreg:$0x5] =	wrdreg s25  }
0x11: {  	v4 =	vor.u32 $0x2, v9;
	v5 =	vor.u32 $0x3, v9;
	v6 =	vor.u32 $0x4, v9;
	[dreg:$0x6] =	wrdreg s26;
	s24 =	simm.s32 $0x5900;
	s25 =	simm.s32 $0x400  }
0x12: {  	v7 =	vor.u32 $0x5, v9;
	v8 =	vor.u32 $0x6, v9;
	v9 =	vor.u32 $0x7, v9;
	s26 =	simm.s32 $0x8000;
	[dreg:$0x4] =	wrdreg s1;
	s1 =	simm.s32 $0x7900  }
.LBB2_27:
0x13: {  	s0 =	simm.s32 $0x5  }
0x14: {  	_ =	swait.ge [sflag:s0], $0x800  }
0x15: {  	[sflag:s0] =	ssyncset.done $0x0  }
0x16: {  	[sflag:s0] =	ssyncadd.s32 $0xFFFFF800  }
0x17: {  	_ =	swait.ge [sflag:s0], $0x800  }
0x18: {  	[sflag:s0] =	ssyncset.done $0x0  }
0x19: {  	[sflag:s0] =	ssyncadd.s32 $0xFFFFF800  }
0x1a: {  	_ =	swait.ge [sflag:s0], $0x800  }
0x1b: {  	[sflag:s0] =	ssyncset.done $0x0  }
0x1c: {  	[sflag:s0] =	ssyncadd.s32 $0xFFFFF800  }
0x1d: {  	_ =	swait.ge [sflag:s0], $0x800  }
0x1e: {  	[sflag:s0] =	ssyncset.done $0x0  }
0x1f: {  	[sflag:s0] =	ssyncadd.s32 $0xFFFFF800  }
0x20: {  	_ =	swait.ge [sflag:s17], $0x800  }
0x21: {  	[sflag:s17] =	ssyncset.done $0x0  }
0x22: {  	[sflag:s17] =	ssyncadd.s32 $0xFFFFF800  }
0x23: {  	_ =	swait.ge [sflag:s17], $0x800  }
0x24: {  	[sflag:s17] =	ssyncset.done $0x0  }
0x25: {  	[sflag:s17] =	ssyncadd.s32 $0xFFFFF800  }
0x26: {  	_ =	swait.ge [sflag:s17], $0x800  }
0x27: {  	[sflag:s17] =	ssyncset.done $0x0  }
0x28: {  	[sflag:s17] =	ssyncadd.s32 $0xFFFFF800  }
0x29: {  	_ =	swait.ge [sflag:s17], $0x800  }
0x2a: {  	s2 =	rddreg [dreg:$0x8]  }
0x2b: {  	s20 =	rddreg [dreg:$0x7];
	s2 =	sadd.s32 $0x1, s2  }
0x2c: {  	p0 =	sne.s32 s2, s20  }
.Ltmp1:
0x2d: {  	_ = 	snop;
	(pc) =	sbr.rel @!p0 .LBB2_28-.Ltmp1, $3  }
0x2e: {  	_ =	sdelay $0x1  }
0x2f: {  	[sflag:s17] =	ssyncset.done $0x0  }
0x30: {  	[sflag:s17] =	ssyncadd.s32 $0xFFFFF800  }
.LBB2_1:
0x31: {  	s0 =	simm.s32 $0x0;
	s14 =	rddreg [dreg:$0x3]  }
0x32: {  	[tilespmem:s0], [sflag:$0x1] =	stream.linear.gather [hbm4b:s14+s0], $0x80, $0x38;
	[tilespmem:$0x8100] =	vst v63  }
0x33: {  	s15 =	rddreg [dreg:$0x4];
	s3 =	simm.s32 $0x80  }
0x34: {  	[tilespmem:s3], [sflag:$0x2] =	stream.linear.gather [hbm4b:s15+s0], $0x80, $0x38;
	[tilespmem:$0x8100] =	vst v63  }
.Ltmp2:
0x35: {  	[dreg:$0x8] =	wrdreg s2;
	s16 =	simm.s32 $0x1;
	(pc) =	sbr.rel .LBB2_2-.Ltmp2, $4  }
0x36: {  	_ =	swait.ge [sflag:s16], $0x80  }
0x37: {  	[sflag:s16] =	ssyncset.done $0x0  }
0x38: {  	s20 =	simm.s32 $0x100;
	s14 =	simm.s32 $0x0;
	[sflag:s16] =	ssyncadd.s32 $0xFFFFFF80  }
0x39: {  	[tilespmem:s20], [sflag:$0x3] =	stream.indirect.gather [hbm4b:s6+s3], $0x40, s0, s3, $0xb8;
	[tilespmem:$0x8100] =	vst v63  }
.LBB2_26:
0x3a: {  	s0 =	sadd.s32 s5, s7  }
0x3b: {  	s2 =	sshll.u32 s0, $0xA;
	s0 =	sshll.u32 s0, $0x7  }
0x3c: {  	s2 =	sand.u32 $0xFFF8000, s2;
	s0 =	sand.u32 $0xF80, s0  }
0x3d: {  	s0 =	sor.u32 s0, s2  }
0x3e: {  	s14 =	sadd.s32 $0x1, s14;
	s2 =	sadd.s32 s13, s0  }
0x3f: {  	[hbm4b:s2+s25] =	stream.strided.scatter [tilespmem:s29], [sflag:$0x6], $0x800, s26, s25, $0x38;
	[tilespmem:$0x8100] =	vst v63  }
0x40: {  	p0 =	sne.s32 s14, $0x64;
	s16 =	sadd.s32 s0, s10  }
0x41: {  	[hbm4b:s16+s25] =	stream.strided.scatter [tilespmem:s30], [sflag:$0x6], $0x800, s26, s25, $0x38;
	[tilespmem:$0x8100] =	vst v63  }
.Ltmp3:
0x42: {  	_ = 	snop;
	(pc) =	sbr.rel @!p0 .LBB2_27-.Ltmp3, $4  }
0x43: {  	s20 =	sadd.s32 s0, s11  }
0x44: {  	[hbm4b:s20+s25] =	stream.strided.scatter [tilespmem:s31], [sflag:$0x6], $0x800, s26, s25, $0x38;
	[tilespmem:$0x8100] =	vst v63  }
0x45: {  	s0 =	sadd.s32 s0, s12  }
0x46: {  	[hbm4b:s0+s25] =	stream.strided.scatter [tilespmem:s1], [sflag:$0x6], $0x800, s26, s25, $0x38;
	[tilespmem:$0x8100] =	vst v63  }
.LBB2_2:
0x47: {  	s3 =	sshll.u32 s14, $0x1;
	p0 =	seq.s32 s14, $0x63;
	s0 =	rddreg [dreg:$0x5]  }
0x48: {  	s0 =	sadd.s32 @!p0 s3, s0  }
0x49: {  	_ =	swait.ge [sflag:s18], $0x2000;
	s0 =	sshll.u32 @!p0 s0, $0x4  }
0x4a: {  	[sflag:s18] =	ssyncset.done $0x0;
	s0 =	sand.u32 @!p0 $0xFFFFFE0, s0  }
0x4b: {  	s7 =	simm.s32 @!p0 $0x0;
	[sflag:s18] =	ssyncadd.s32 $0xFFFFE000;
	s0 =	sadd.s32 @!p0 s4, s0  }
0x4c: {  	[tilespmem:s7], [sflag:$0x1] =	stream.linear.gather @!p0 [hbm4b:s0+s7], $0x80, $0x38;
	[tilespmem:$0x8100] =	vst v63  }
0x4d: {  	_ =	swait.ge [sflag:s19], $0x80  }
0x4e: {  	s20 =	simm.s32 $0x80;
	p1 =	seq.s32 s14, $0x0;
	[sflag:s19] =	ssyncset.done $0x0  }
0x4f: {  	s2 =	simm.s32 $0x2100;
	s0 =	simm.s32 @!p1 $0x5;
	[sflag:s19] =	ssyncadd.s32 $0xFFFFFF80  }
0x50: {  	[tilespmem:s2], [sflag:$0x4] =	stream.indirect.gather [hbm4b:s6+s20], $0x40, s20, s20, $0xb8;
	[tilespmem:$0x8100] =	vst v63  }
0x51: {  	_ =	swait.ge @!p1 [sflag:s0], $0x800  }
0x52: {  	[sflag:s0] =	ssyncset.done @!p1 $0x0  }
0x53: {  	[sflag:s0] =	ssyncadd.s32 @!p1 $0xFFFFF800  }
0x54: {  	_ =	swait.ge @!p1 [sflag:s0], $0x800  }
0x55: {  	[sflag:s0] =	ssyncset.done @!p1 $0x0  }
0x56: {  	[sflag:s0] =	ssyncadd.s32 @!p1 $0xFFFFF800  }
0x57: {  	_ =	swait.ge @!p1 [sflag:s0], $0x800  }
0x58: {  	[sflag:s0] =	ssyncset.done @!p1 $0x0  }
0x59: {  	[sflag:s0] =	ssyncadd.s32 @!p1 $0xFFFFF800  }
0x5a: {  	s16 =	simm.s32 $0x200;
	_ =	swait.ge @!p1 [sflag:s0], $0x800  }
0x5b: {  	s15 =	simm.s32 $0x0;
	s8 =	simm.s32 $0xF;
	[sflag:s0] =	ssyncset.done @!p1 $0x0  }
0x5c: {  	s7 =	sor.u32 $0x1, s3;
	[sflag:s0] =	ssyncadd.s32 @!p1 $0xFFFFF800;
	s0 =	simm.s32 $0x7  }
.LBB2_3:
0x5d: {  	p1 =	sne.s32 s8, $0x7F;
	v12 =	vld [tilespmem:s16+$0xFFFFFF00];
	v13 =	vor.u32 s15, v1;
	_ =	sdelay $0x4  }
0x5e: {  	[tilespmem:v13+s21+$0x0] =	vst.idx.msk $0xffff, v12  }
0x5f: {  	v12 =	vld [tilespmem:s16+$0xFFFFFF10];
	_ =	sdelay $0x4  }
0x60: {  	[tilespmem:v13+s22+$0x0] =	vst.idx.msk $0xffff, v12  }
0x61: {  	v12 =	vld [tilespmem:s16+$0xFFFFFF20];
	_ =	sdelay $0x4  }
0x62: {  	[tilespmem:v13+s23+$0x0] =	vst.idx.msk $0xffff, v12  }
0x63: {  	v12 =	vld [tilespmem:s16+$0xFFFFFF30];
	_ =	sdelay $0x2  }
0x64: {  	s15 =	sadd.s32 $0xFFFFFFFA, s0  }
0x65: {  	v14 =	vor.u32 s15, v2  }
0x66: {  	[tilespmem:v13+s24+$0x0] =	vst.idx.msk $0xffff, v12;
	v12 =	vand.u32 $0x3F8, v14  }
0x67: {  	v13 =	vld [tilespmem:s16+$0xFFFFFF40];
	v12 =	vor.u32 v3, v12;
	_ =	sdelay $0x4  }
0x68: {  	[tilespmem:v12+s21+$0x0] =	vst.idx.msk $0xffff, v13  }
0x69: {  	v13 =	vld [tilespmem:s16+$0xFFFFFF50];
	_ =	sdelay $0x4  }
0x6a: {  	[tilespmem:v12+s22+$0x0] =	vst.idx.msk $0xffff, v13  }
0x6b: {  	v13 =	vld [tilespmem:s16+$0xFFFFFF60];
	_ =	sdelay $0x4  }
0x6c: {  	[tilespmem:v12+s23+$0x0] =	vst.idx.msk $0xffff, v13  }
0x6d: {  	v13 =	vld [tilespmem:s16+$0xFFFFFF70];
	_ =	sdelay $0x2  }
0x6e: {  	s15 =	sadd.s32 $0xFFFFFFFB, s0  }
0x6f: {  	v14 =	vor.u32 s15, v2  }
0x70: {  	[tilespmem:v12+s24+$0x0] =	vst.idx.msk $0xffff, v13;
	v12 =	vand.u32 $0x3F8, v14  }
0x71: {  	v13 =	vld [tilespmem:s16+$0xFFFFFF80];
	v12 =	vor.u32 v4, v12;
	_ =	sdelay $0x4  }
0x72: {  	[tilespmem:v12+s21+$0x0] =	vst.idx.msk $0xffff, v13  }
0x73: {  	v13 =	vld [tilespmem:s16+$0xFFFFFF90];
	_ =	sdelay $0x4  }
0x74: {  	[tilespmem:v12+s22+$0x0] =	vst.idx.msk $0xffff, v13  }
0x75: {  	v13 =	vld [tilespmem:s16+$0xFFFFFFA0];
	_ =	sdelay $0x4  }
0x76: {  	[tilespmem:v12+s23+$0x0] =	vst.idx.msk $0xffff, v13  }
0x77: {  	v13 =	vld [tilespmem:s16+$0xFFFFFFB0];
	_ =	sdelay $0x2  }
0x78: {  	s15 =	sadd.s32 $0xFFFFFFFC, s0  }
0x79: {  	v14 =	vor.u32 s15, v2  }
0x7a: {  	[tilespmem:v12+s24+$0x0] =	vst.idx.msk $0xffff, v13;
	v12 =	vand.u32 $0x3F8, v14  }
0x7b: {  	v13 =	vld [tilespmem:s16+$0xFFFFFFC0];
	v12 =	vor.u32 v5, v12;
	_ =	sdelay $0x4  }
0x7c: {  	[tilespmem:v12+s21+$0x0] =	vst.idx.msk $0xffff, v13  }
0x7d: {  	v13 =	vld [tilespmem:s16+$0xFFFFFFD0];
	_ =	sdelay $0x4  }
0x7e: {  	[tilespmem:v12+s22+$0x0] =	vst.idx.msk $0xffff, v13  }
0x7f: {  	v13 =	vld [tilespmem:s16+$0xFFFFFFE0];
	_ =	sdelay $0x4  }
0x80: {  	[tilespmem:v12+s23+$0x0] =	vst.idx.msk $0xffff, v13  }
0x81: {  	v13 =	vld [tilespmem:s16+$0xFFFFFFF0];
	_ =	sdelay $0x2  }
0x82: {  	s15 =	sadd.s32 $0xFFFFFFFD, s0  }
0x83: {  	v14 =	vor.u32 s15, v2  }
0x84: {  	[tilespmem:v12+s24+$0x0] =	vst.idx.msk $0xffff, v13;
	v12 =	vand.u32 $0x3F8, v14  }
0x85: {  	v13 =	vld [tilespmem:s16+$0x0];
	v12 =	vor.u32 v6, v12;
	_ =	sdelay $0x4  }
0x86: {  	[tilespmem:v12+s21+$0x0] =	vst.idx.msk $0xffff, v13  }
0x87: {  	v13 =	vld [tilespmem:s16+$0x10];
	_ =	sdelay $0x4  }
0x88: {  	[tilespmem:v12+s22+$0x0] =	vst.idx.msk $0xffff, v13  }
0x89: {  	v13 =	vld [tilespmem:s16+$0x20];
	_ =	sdelay $0x4  }
0x8a: {  	[tilespmem:v12+s23+$0x0] =	vst.idx.msk $0xffff, v13  }
0x8b: {  	v13 =	vld [tilespmem:s16+$0x30];
	_ =	sdelay $0x2  }
0x8c: {  	s15 =	sadd.s32 $0xFFFFFFFE, s0  }
0x8d: {  	v14 =	vor.u32 s15, v2  }
0x8e: {  	[tilespmem:v12+s24+$0x0] =	vst.idx.msk $0xffff, v13;
	v12 =	vand.u32 $0x3F8, v14  }
0x8f: {  	v13 =	vld [tilespmem:s16+$0x40];
	v12 =	vor.u32 v7, v12;
	_ =	sdelay $0x4  }
0x90: {  	[tilespmem:v12+s21+$0x0] =	vst.idx.msk $0xffff, v13  }
0x91: {  	v13 =	vld [tilespmem:s16+$0x50];
	_ =	sdelay $0x4  }
0x92: {  	[tilespmem:v12+s22+$0x0] =	vst.idx.msk $0xffff, v13  }
0x93: {  	v13 =	vld [tilespmem:s16+$0x60];
	_ =	sdelay $0x4  }
0x94: {  	[tilespmem:v12+s23+$0x0] =	vst.idx.msk $0xffff, v13  }
0x95: {  	v13 =	vld [tilespmem:s16+$0x70];
	_ =	sdelay $0x2  }
0x96: {  	s15 =	sadd.s32 $0xFFFFFFFF, s0  }
0x97: {  	v14 =	vor.u32 s15, v2  }
0x98: {  	[tilespmem:v12+s24+$0x0] =	vst.idx.msk $0xffff, v13;
	v12 =	vand.u32 $0x3F8, v14  }
0x99: {  	v13 =	vld [tilespmem:s16+$0x80];
	v12 =	vor.u32 v8, v12;
	_ =	sdelay $0x4  }
0x9a: {  	[tilespmem:v12+s21+$0x0] =	vst.idx.msk $0xffff, v13  }
0x9b: {  	v13 =	vld [tilespmem:s16+$0x90];
	_ =	sdelay $0x4  }
0x9c: {  	[tilespmem:v12+s22+$0x0] =	vst.idx.msk $0xffff, v13  }
0x9d: {  	v13 =	vld [tilespmem:s16+$0xA0];
	_ =	sdelay $0x4  }
0x9e: {  	[tilespmem:v12+s23+$0x0] =	vst.idx.msk $0xffff, v13  }
0x9f: {  	v13 =	vld [tilespmem:s16+$0xB0];
	_ =	sdelay $0x3  }
0xa0: {  	v14 =	vor.u32 s0, v2;
	s0 =	smov.u32 s8  }
0xa1: {  	[tilespmem:v12+s24+$0x0] =	vst.idx.msk $0xffff, v13;
	v12 =	vand.u32 $0x3F8, v14  }
0xa2: {  	v13 =	vld [tilespmem:s16+$0xC0];
	v12 =	vor.u32 v9, v12;
	_ =	sdelay $0x4  }
0xa3: {  	[tilespmem:v12+s21+$0x0] =	vst.idx.msk $0xffff, v13  }
0xa4: {  	v13 =	vld [tilespmem:s16+$0xD0];
	_ =	sdelay $0x4  }
0xa5: {  	[tilespmem:v12+s22+$0x0] =	vst.idx.msk $0xffff, v13  }
0xa6: {  	v13 =	vld [tilespmem:s16+$0xE0];
	_ =	sdelay $0x4  }
0xa7: {  	[tilespmem:v12+s23+$0x0] =	vst.idx.msk $0xffff, v13  }
0xa8: {  	v13 =	vld [tilespmem:s16+$0xF0]  }
.Ltmp4:
0xa9: {  	(pc) =	sbr.rel @p1 .LBB2_3-.Ltmp4, $2  }
0xaa: {  	_ =	sdelay $0x2  }
0xab: {  	s8 =	sadd.s32 $0x8, s8;
	s15 =	sadd.s32 $0xFFFFFFF9, s0;
	s16 =	sadd.s32 $0x200, s16;
	[tilespmem:v12+s24+$0x0] =	vst.idx.msk $0xffff, v13  }
0xac: {  	v12 =	vld [tilespmem:s16+$0xFFFFFF00];
	v13 =	vor.u32 s15, v1;
	_ =	sdelay $0x4  }
0xad: {  	[tilespmem:v13+s21+$0x0] =	vst.idx.msk $0xffff, v12  }
0xae: {  	v12 =	vld [tilespmem:s16+$0xFFFFFF10];
	_ =	sdelay $0x4  }
0xaf: {  	[tilespmem:v13+s22+$0x0] =	vst.idx.msk $0xffff, v12  }
0xb0: {  	v12 =	vld [tilespmem:s16+$0xFFFFFF20];
	_ =	sdelay $0x4  }
0xb1: {  	[tilespmem:v13+s23+$0x0] =	vst.idx.msk $0xffff, v12  }
0xb2: {  	v12 =	vld [tilespmem:s16+$0xFFFFFF30];
	_ =	sdelay $0x2  }
0xb3: {  	s8 =	sadd.s32 $0xFFFFFFFA, s0  }
0xb4: {  	v14 =	vor.u32 s8, v2  }
0xb5: {  	v47 =	vand.u32 $0x3F8, v14;
	[tilespmem:v13+s24+$0x0] =	vst.idx.msk $0xffff, v12  }
0xb6: {  	v12 =	vor.u32 v3, v47;
	v13 =	vld [tilespmem:s16+$0xFFFFFF40];
	_ =	sdelay $0x4  }
0xb7: {  	[tilespmem:v12+s21+$0x0] =	vst.idx.msk $0xffff, v13  }
0xb8: {  	v13 =	vld [tilespmem:s16+$0xFFFFFF50];
	_ =	sdelay $0x4  }
0xb9: {  	[tilespmem:v12+s22+$0x0] =	vst.idx.msk $0xffff, v13  }
0xba: {  	v13 =	vld [tilespmem:s16+$0xFFFFFF60];
	_ =	sdelay $0x4  }
0xbb: {  	[tilespmem:v12+s23+$0x0] =	vst.idx.msk $0xffff, v13  }
0xbc: {  	v13 =	vld [tilespmem:s16+$0xFFFFFF70];
	_ =	sdelay $0x2  }
0xbd: {  	s15 =	sadd.s32 $0xFFFFFFFB, s0  }
0xbe: {  	v48 =	vor.u32 s15, v2  }
0xbf: {  	v49 =	vand.u32 $0x3F8, v48;
	[tilespmem:v12+s24+$0x0] =	vst.idx.msk $0xffff, v13  }
0xc0: {  	v12 =	vor.u32 v4, v49;
	v13 =	vld [tilespmem:s16+$0xFFFFFF80];
	_ =	sdelay $0x4  }
0xc1: {  	[tilespmem:v12+s21+$0x0] =	vst.idx.msk $0xffff, v13  }
0xc2: {  	v13 =	vld [tilespmem:s16+$0xFFFFFF90];
	_ =	sdelay $0x4  }
0xc3: {  	[tilespmem:v12+s22+$0x0] =	vst.idx.msk $0xffff, v13  }
0xc4: {  	v13 =	vld [tilespmem:s16+$0xFFFFFFA0];
	_ =	sdelay $0x4  }
0xc5: {  	[tilespmem:v12+s23+$0x0] =	vst.idx.msk $0xffff, v13  }
0xc6: {  	v13 =	vld [tilespmem:s16+$0xFFFFFFB0];
	_ =	sdelay $0x2  }
0xc7: {  	s20 =	sadd.s32 $0xFFFFFFFC, s0  }
0xc8: {  	v50 =	vor.u32 s20, v2  }
0xc9: {  	v51 =	vand.u32 $0x3F8, v50;
	[tilespmem:v12+s24+$0x0] =	vst.idx.msk $0xffff, v13  }
0xca: {  	v12 =	vor.u32 v5, v51;
	v13 =	vld [tilespmem:s16+$0xFFFFFFC0];
	_ =	sdelay $0x4  }
0xcb: {  	[tilespmem:v12+s21+$0x0] =	vst.idx.msk $0xffff, v13  }
0xcc: {  	v13 =	vld [tilespmem:s16+$0xFFFFFFD0];
	_ =	sdelay $0x4  }
0xcd: {  	[tilespmem:v12+s22+$0x0] =	vst.idx.msk $0xffff, v13  }
0xce: {  	v13 =	vld [tilespmem:s16+$0xFFFFFFE0];
	_ =	sdelay $0x4  }
0xcf: {  	[tilespmem:v12+s23+$0x0] =	vst.idx.msk $0xffff, v13  }
0xd0: {  	v13 =	vld [tilespmem:s16+$0xFFFFFFF0];
	_ =	sdelay $0x2  }
0xd1: {  	s2 =	sadd.s32 $0xFFFFFFFD, s0  }
0xd2: {  	v52 =	vor.u32 s2, v2  }
0xd3: {  	v53 =	vand.u32 $0x3F8, v52;
	[tilespmem:v12+s24+$0x0] =	vst.idx.msk $0xffff, v13  }
0xd4: {  	v12 =	vor.u32 v6, v53;
	v13 =	vld [tilespmem:s16+$0x0];
	_ =	sdelay $0x4  }
0xd5: {  	[tilespmem:v12+s21+$0x0] =	vst.idx.msk $0xffff, v13  }
0xd6: {  	v13 =	vld [tilespmem:s16+$0x10];
	_ =	sdelay $0x4  }
0xd7: {  	[tilespmem:v12+s22+$0x0] =	vst.idx.msk $0xffff, v13  }
0xd8: {  	v13 =	vld [tilespmem:s16+$0x20];
	_ =	sdelay $0x4  }
0xd9: {  	[tilespmem:v12+s23+$0x0] =	vst.idx.msk $0xffff, v13  }
0xda: {  	v13 =	vld [tilespmem:s16+$0x30];
	_ =	sdelay $0x2  }
0xdb: {  	s9 =	sadd.s32 $0xFFFFFFFE, s0  }
0xdc: {  	v54 =	vor.u32 s9, v2  }
0xdd: {  	v55 =	vand.u32 $0x3F8, v54;
	[tilespmem:v12+s24+$0x0] =	vst.idx.msk $0xffff, v13  }
0xde: {  	v12 =	vor.u32 v7, v55;
	v13 =	vld [tilespmem:s16+$0x40];
	_ =	sdelay $0x4  }
0xdf: {  	[tilespmem:v12+s21+$0x0] =	vst.idx.msk $0xffff, v13  }
0xe0: {  	v13 =	vld [tilespmem:s16+$0x50];
	_ =	sdelay $0x4  }
0xe1: {  	[tilespmem:v12+s22+$0x0] =	vst.idx.msk $0xffff, v13  }
0xe2: {  	v13 =	vld [tilespmem:s16+$0x60];
	_ =	sdelay $0x4  }
0xe3: {  	[tilespmem:v12+s23+$0x0] =	vst.idx.msk $0xffff, v13  }
0xe4: {  	v13 =	vld [tilespmem:s16+$0x70];
	_ =	sdelay $0x2  }
0xe5: {  	s15 =	sadd.s32 $0xFFFFFFFF, s0  }
0xe6: {  	v56 =	vor.u32 s15, v2  }
0xe7: {  	v57 =	vand.u32 $0x3F8, v56;
	[tilespmem:v12+s24+$0x0] =	vst.idx.msk $0xffff, v13  }
0xe8: {  	v12 =	vor.u32 v8, v57;
	v13 =	vld [tilespmem:s16+$0x80];
	_ =	sdelay $0x4  }
0xe9: {  	[tilespmem:v12+s21+$0x0] =	vst.idx.msk $0xffff, v13  }
0xea: {  	v13 =	vld [tilespmem:s16+$0x90];
	_ =	sdelay $0x4  }
0xeb: {  	[tilespmem:v12+s22+$0x0] =	vst.idx.msk $0xffff, v13  }
0xec: {  	v13 =	vld [tilespmem:s16+$0xA0];
	_ =	sdelay $0x4  }
0xed: {  	[tilespmem:v12+s23+$0x0] =	vst.idx.msk $0xffff, v13  }
0xee: {  	v13 =	vld [tilespmem:s16+$0xB0];
	_ =	sdelay $0x3  }
0xef: {  	v58 =	vor.u32 s0, v2  }
0xf0: {  	v59 =	vand.u32 $0x3F8, v58;
	[tilespmem:v12+s24+$0x0] =	vst.idx.msk $0xffff, v13  }
0xf1: {  	v12 =	vor.u32 v9, v59;
	v13 =	vld [tilespmem:s16+$0xC0];
	_ =	sdelay $0x4  }
0xf2: {  	[tilespmem:v12+s21+$0x0] =	vst.idx.msk $0xffff, v13  }
0xf3: {  	v13 =	vld [tilespmem:s16+$0xD0];
	_ =	sdelay $0x4  }
0xf4: {  	[tilespmem:v12+s22+$0x0] =	vst.idx.msk $0xffff, v13  }
0xf5: {  	v13 =	vld [tilespmem:s16+$0xE0];
	_ =	sdelay $0x4  }
0xf6: {  	[tilespmem:v12+s23+$0x0] =	vst.idx.msk $0xffff, v13  }
0xf7: {  	v13 =	vld [tilespmem:s16+$0xF0];
	_ =	sdelay $0x4  }
0xf8: {  	[tilespmem:v12+s24+$0x0] =	vst.idx.msk $0xffff, v13  }
0xf9: {  	v12 =	vld [tilespmem:$0x0]  }
0xfa: {  	v13 =	vld [tilespmem:$0x10]  }
0xfb: {  	v60 =	vld [tilespmem:$0x20]  }
0xfc: {  	v15 =	vld [tilespmem:$0x30]  }
0xfd: {  	v16 =	vld [tilespmem:$0x40]  }
0xfe: {  	v17 =	vld [tilespmem:$0x50]  }
0xff: {  	v61 =	vld [tilespmem:$0x60];
	vm0 =	veq.s32 v12, $0x0;
	vm1 =	veq.s32 v13, $0x0  }
0x100: {  	v62 =	vld [tilespmem:$0x70];
	vm10 =	veq.s32 v60, $0x0;
	vm0 =	vmor vm0, vm1  }
0x101: {  	vm11 =	veq.s32 v15, $0x0;
	vm0 =	vmor vm0, vm10  }
0x102: {  	vm12 =	veq.s32 v16, $0x0;
	vm0 =	vmor vm0, vm11  }
0x103: {  	vm13 =	veq.s32 v17, $0x0;
	vm0 =	vmor vm0, vm12  }
0x104: {  	vm14 =	veq.s32 v61, $0x0;
	vm0 =	vmor vm0, vm13  }
0x105: {  	vm15 =	veq.s32 v62, $0x0;
	vm0 =	vmor vm0, vm14  }
0x106: {  	vm0 =	vmor vm0, vm15  }
0x107: {  	v63 =	vmpcnt.ones.xlane vm0;
	_ =	sdelay $0x1  }
0x108: {  	(v2sf) =	vpush v63, $0x0;
	_ =	sdelay $0xe  }
0x109: {  	s20 =	spop (v2sf)  }
0x10a: {  	p1 =	slt.s32 s20, $0x1  }
.Ltmp5:
0x10b: {  	_ = 	snop;
	(pc) =	sbr.rel @p1 .LBB2_14-.Ltmp5, $2  }
0x10c: {  	_ =	sdelay $0x2  }
0x10d: {  	s0 =	simm.s32 $0x0;
	s8 =	simm.s32 $0x0  }
.LBB2_5:
0x10e: {  	s15 =	sshll.u32 s8, $0x4  }
0x10f: {  	v13 =	vld [tilespmem:s15+$0x0];
	_ =	sdelay $0x2  }
0x110: {  	s16 =	simm.s32 $0x0  }
0x111: {  	s20 =	sand.u32 $0x380, s0;
	v12 =	vor.u32 s15, v0;
	s16 =	sand.u32 $0xFFFFFC00, s16  }
0x112: {  	v12 =	vand.u32 v10, v12;
	s15 =	sor.u32 s20, s16;
	vm0 =	veq.s32 v13, $0x0  }
0x113: {  	v13 =	vor.u32 s15, v12;
	_ =	sdelay $0x1  }
0x114: {  	s16 =	simm.s32 $0x1;
	s20 =	simm.s32 $0x80  }
.LBB2_6:
0x115: {  	s15 =	sshll.u32 s16, $0x7;
	p1 =	sne.s32 s16, $0xF;
	s16 =	sadd.s32 $0x1, s16  }
.Ltmp6:
0x116: {  	s2 =	sand.u32 $0x380, s20;
	s15 =	sand.u32 $0xFFFFFC00, s15;
	(pc) =	sbr.rel @p1 .LBB2_6-.Ltmp6, $3  }
0x117: {  	s2 =	sor.u32 s2, s15;
	[tilespmem:v13+s21+$0x0] =	vst.idx.msk vm0, v11  }
0x118: {  	v13 =	vor.u32 s2, v12;
	_ =	sdelay $0x1  }
0x119: {  	s20 =	sadd.s32 $0x80, s20  }
0x11a: {  	_ =	sdelay $0x1  }
0x11b: {  	s16 =	simm.s32 $0x0;
	s2 =	simm.s32 $0x0  }
0x11c: {  	s15 =	sand.u32 $0x380, s16;
	s2 =	sand.u32 $0xFFFFFC00, s2  }
0x11d: {  	s2 =	sor.u32 s15, s2  }
0x11e: {  	[tilespmem:v13+s21+$0x0] =	vst.idx.msk vm0, v11;
	v13 =	vor.u32 s2, v12;
	_ =	sdelay $0x1  }
0x11f: {  	s20 =	simm.s32 $0x1;
	s15 =	simm.s32 $0x80  }
.LBB2_8:
0x120: {  	s2 =	sshll.u32 s20, $0x7;
	p1 =	sne.s32 s20, $0xF;
	s20 =	sadd.s32 $0x1, s20  }
.Ltmp7:
0x121: {  	s9 =	sand.u32 $0x380, s15;
	s2 =	sand.u32 $0xFFFFFC00, s2;
	(pc) =	sbr.rel @p1 .LBB2_8-.Ltmp7, $3  }
0x122: {  	s2 =	sor.u32 s9, s2;
	[tilespmem:v13+s22+$0x0] =	vst.idx.msk vm0, v11  }
0x123: {  	v13 =	vor.u32 s2, v12;
	_ =	sdelay $0x1  }
0x124: {  	s15 =	sadd.s32 $0x80, s15  }
0x125: {  	_ =	sdelay $0x4  }
0x126: {  	[tilespmem:v13+s22+$0x0] =	vst.idx.msk vm0, v11;
	s15 =	simm.s32 $0x0  }
.LBB2_10:
0x127: {  	s2 =	sshll.u32 s15, $0x7  }
0x128: {  	s9 =	sand.u32 $0x380, s16;
	s2 =	sand.u32 $0xFFFFFC00, s2  }
0x129: {  	s2 =	sor.u32 s9, s2  }
0x12a: {  	p1 =	sne.s32 s15, $0xF;
	v13 =	vor.u32 s2, v12  }
.Ltmp8:
0x12b: {  	_ = 	snop;
	(pc) =	sbr.rel @p1 .LBB2_10-.Ltmp8, $2  }
0x12c: {  	_ =	sdelay $0x2  }
0x12d: {  	s16 =	sadd.s32 $0x80, s16;
	s15 =	sadd.s32 $0x1, s15;
	[tilespmem:v13+s23+$0x0] =	vst.idx.msk vm0, v11  }
0x12e: {  	s2 =	simm.s32 $0x0;
	s9 =	simm.s32 $0x0  }
0x12f: {  	s2 =	sand.u32 $0x380, s2;
	s9 =	sand.u32 $0xFFFFFC00, s9  }
0x130: {  	s2 =	sor.u32 s2, s9  }
0x131: {  	v13 =	vor.u32 s2, v12;
	_ =	sdelay $0x1  }
0x132: {  	s16 =	simm.s32 $0x1;
	s15 =	simm.s32 $0x80  }
.LBB2_12:
0x133: {  	s2 =	sshll.u32 s16, $0x7;
	p1 =	sne.s32 s16, $0xF;
	s16 =	sadd.s32 $0x1, s16  }
.Ltmp9:
0x134: {  	s9 =	sand.u32 $0x380, s15;
	s2 =	sand.u32 $0xFFFFFC00, s2;
	(pc) =	sbr.rel @p1 .LBB2_12-.Ltmp9, $3  }
0x135: {  	s2 =	sor.u32 s9, s2;
	[tilespmem:v13+s24+$0x0] =	vst.idx.msk vm0, v11  }
0x136: {  	v13 =	vor.u32 s2, v12;
	_ =	sdelay $0x1  }
0x137: {  	s15 =	sadd.s32 $0x80, s15  }
0x138: {  	s8 =	sadd.s32 $0x1, s8  }
0x139: {  	p1 =	sne.s32 s8, $0x8  }
.Ltmp10:
0x13a: {  	_ = 	snop;
	(pc) =	sbr.rel @p1 .LBB2_5-.Ltmp10, $2  }
0x13b: {  	_ =	sdelay $0x2  }
0x13c: {  	[tilespmem:v13+s24+$0x0] =	vst.idx.msk vm0, v11  }
.LBB2_14:
0x13d: {  	s0 =	sadd.s32 s5, s3  }
0x13e: {  	s2 =	sshll.u32 s0, $0xA;
	s0 =	sshll.u32 s0, $0x7  }
0x13f: {  	s2 =	sand.u32 $0xFFF8000, s2;
	s0 =	sand.u32 $0xF00, s0  }
0x140: {  	s0 =	sor.u32 s0, s2  }
0x141: {  	s2 =	sadd.s32 s13, s0  }
0x142: {  	[hbm4b:s2+s25] =	stream.strided.scatter [tilespmem:s21], [sflag:$0x5], $0x800, s26, s25, $0x38;
	[tilespmem:$0x8100] =	vst v63  }
0x143: {  	s16 =	sadd.s32 s0, s10  }
0x144: {  	[hbm4b:s16+s25] =	stream.strided.scatter [tilespmem:s22], [sflag:$0x5], $0x800, s26, s25, $0x38;
	[tilespmem:$0x8100] =	vst v63  }
0x145: {  	s20 =	sadd.s32 s0, s11  }
0x146: {  	[hbm4b:s20+s25] =	stream.strided.scatter [tilespmem:s23], [sflag:$0x5], $0x800, s26, s25, $0x38;
	[tilespmem:$0x8100] =	vst v63  }
0x147: {  	s0 =	sadd.s32 s0, s12  }
0x148: {  	[hbm4b:s0+s25] =	stream.strided.scatter [tilespmem:s24], [sflag:$0x5], $0x800, s26, s25, $0x38;
	[tilespmem:$0x8100] =	vst v63  }
0x149: {  	_ =	swait.ge [sflag:s28], $0x2000  }
0x14a: {  	s0 =	rddreg [dreg:$0x6]  }
0x14b: {  	s0 =	sadd.s32 @!p0 s3, s0  }
0x14c: {  	s0 =	sshll.u32 @!p0 s0, $0x4  }
0x14d: {  	s2 =	simm.s32 @!p0 $0x0;
	[sflag:s28] =	ssyncset.done $0x0;
	s0 =	sand.u32 @!p0 $0xFFFFFF0, s0  }
0x14e: {  	[sflag:s28] =	ssyncadd.s32 $0xFFFFE000;
	s3 =	simm.s32 @!p0 $0x80;
	s0 =	sadd.s32 @!p0 s4, s0  }
0x14f: {  	[tilespmem:s3], [sflag:$0x2] =	stream.linear.gather @!p0 [hbm4b:s0+s2], $0x80, $0x38;
	[tilespmem:$0x8100] =	vst v63  }
0x150: {  	s0 =	simm.s32 @!p0 $0x1  }
0x151: {  	_ =	swait.ge @!p0 [sflag:s0], $0x80  }
0x152: {  	[sflag:s0] =	ssyncset.done @!p0 $0x0  }
0x153: {  	p1 =	seq.s32 @!p0 s14, $0x0;
	[sflag:s0] =	ssyncadd.s32 @!p0 $0xFFFFFF80;
	s0 =	simm.s32 @!p0 $0x100  }
0x154: {  	[tilespmem:s0], [sflag:$0x3] =	stream.indirect.gather @!p0 [hbm4b:s6+s3], $0x40, s2, s3, $0xb8;
	[tilespmem:$0x8100] =	vst v63  }
0x155: {  	p0 =	por p0, !p1  }
0x156: {  	_ =	swait.ge @p0 [sflag:s17], $0x800  }
0x157: {  	[sflag:s17] =	ssyncset.done @p0 $0x0  }
0x158: {  	[sflag:s17] =	ssyncadd.s32 @p0 $0xFFFFF800  }
0x159: {  	_ =	swait.ge @p0 [sflag:s17], $0x800  }
0x15a: {  	[sflag:s17] =	ssyncset.done @p0 $0x0  }
0x15b: {  	[sflag:s17] =	ssyncadd.s32 @p0 $0xFFFFF800  }
0x15c: {  	_ =	swait.ge @p0 [sflag:s17], $0x800  }
0x15d: {  	[sflag:s17] =	ssyncset.done @p0 $0x0  }
0x15e: {  	[sflag:s17] =	ssyncadd.s32 @p0 $0xFFFFF800  }
0x15f: {  	_ =	swait.ge @p0 [sflag:s17], $0x800  }
0x160: {  	s15 =	simm.s32 $0x0;
	s8 =	simm.s32 $0xF;
	[sflag:s17] =	ssyncset.done @p0 $0x0  }
0x161: {  	s0 =	simm.s32 $0x7;
	s3 =	simm.s32 $0x2200;
	[sflag:s17] =	ssyncadd.s32 @p0 $0xFFFFF800  }
.LBB2_15:
0x162: {  	p0 =	sne.s32 s8, $0x7F;
	v12 =	vld [tilespmem:s3+$0xFFFFFF00];
	v13 =	vor.u32 s15, v1;
	_ =	sdelay $0x4  }
0x163: {  	[tilespmem:v13+s29+$0x0] =	vst.idx.msk $0xffff, v12  }
0x164: {  	v12 =	vld [tilespmem:s3+$0xFFFFFF10];
	_ =	sdelay $0x4  }
0x165: {  	[tilespmem:v13+s30+$0x0] =	vst.idx.msk $0xffff, v12  }
0x166: {  	v12 =	vld [tilespmem:s3+$0xFFFFFF20];
	_ =	sdelay $0x4  }
0x167: {  	[tilespmem:v13+s31+$0x0] =	vst.idx.msk $0xffff, v12  }
0x168: {  	v12 =	vld [tilespmem:s3+$0xFFFFFF30];
	_ =	sdelay $0x2  }
0x169: {  	s2 =	sadd.s32 $0xFFFFFFFA, s0  }
0x16a: {  	v14 =	vor.u32 s2, v2  }
0x16b: {  	[tilespmem:v13+s1+$0x0] =	vst.idx.msk $0xffff, v12;
	v12 =	vand.u32 $0x3F8, v14  }
0x16c: {  	v13 =	vld [tilespmem:s3+$0xFFFFFF40];
	v12 =	vor.u32 v3, v12;
	_ =	sdelay $0x4  }
0x16d: {  	[tilespmem:v12+s29+$0x0] =	vst.idx.msk $0xffff, v13  }
0x16e: {  	v13 =	vld [tilespmem:s3+$0xFFFFFF50];
	_ =	sdelay $0x4  }
0x16f: {  	[tilespmem:v12+s30+$0x0] =	vst.idx.msk $0xffff, v13  }
0x170: {  	v13 =	vld [tilespmem:s3+$0xFFFFFF60];
	_ =	sdelay $0x4  }
0x171: {  	[tilespmem:v12+s31+$0x0] =	vst.idx.msk $0xffff, v13  }
0x172: {  	v13 =	vld [tilespmem:s3+$0xFFFFFF70];
	_ =	sdelay $0x2  }
0x173: {  	s2 =	sadd.s32 $0xFFFFFFFB, s0  }
0x174: {  	v14 =	vor.u32 s2, v2  }
0x175: {  	[tilespmem:v12+s1+$0x0] =	vst.idx.msk $0xffff, v13;
	v12 =	vand.u32 $0x3F8, v14  }
0x176: {  	v13 =	vld [tilespmem:s3+$0xFFFFFF80];
	v12 =	vor.u32 v4, v12;
	_ =	sdelay $0x4  }
0x177: {  	[tilespmem:v12+s29+$0x0] =	vst.idx.msk $0xffff, v13  }
0x178: {  	v13 =	vld [tilespmem:s3+$0xFFFFFF90];
	_ =	sdelay $0x4  }
0x179: {  	[tilespmem:v12+s30+$0x0] =	vst.idx.msk $0xffff, v13  }
0x17a: {  	v13 =	vld [tilespmem:s3+$0xFFFFFFA0];
	_ =	sdelay $0x4  }
0x17b: {  	[tilespmem:v12+s31+$0x0] =	vst.idx.msk $0xffff, v13  }
0x17c: {  	v13 =	vld [tilespmem:s3+$0xFFFFFFB0];
	_ =	sdelay $0x2  }
0x17d: {  	s2 =	sadd.s32 $0xFFFFFFFC, s0  }
0x17e: {  	v14 =	vor.u32 s2, v2  }
0x17f: {  	[tilespmem:v12+s1+$0x0] =	vst.idx.msk $0xffff, v13;
	v12 =	vand.u32 $0x3F8, v14  }
0x180: {  	v13 =	vld [tilespmem:s3+$0xFFFFFFC0];
	v12 =	vor.u32 v5, v12;
	_ =	sdelay $0x4  }
0x181: {  	[tilespmem:v12+s29+$0x0] =	vst.idx.msk $0xffff, v13  }
0x182: {  	v13 =	vld [tilespmem:s3+$0xFFFFFFD0];
	_ =	sdelay $0x4  }
0x183: {  	[tilespmem:v12+s30+$0x0] =	vst.idx.msk $0xffff, v13  }
0x184: {  	v13 =	vld [tilespmem:s3+$0xFFFFFFE0];
	_ =	sdelay $0x4  }
0x185: {  	[tilespmem:v12+s31+$0x0] =	vst.idx.msk $0xffff, v13  }
0x186: {  	v13 =	vld [tilespmem:s3+$0xFFFFFFF0];
	_ =	sdelay $0x2  }
0x187: {  	s2 =	sadd.s32 $0xFFFFFFFD, s0  }
0x188: {  	v14 =	vor.u32 s2, v2  }
0x189: {  	[tilespmem:v12+s1+$0x0] =	vst.idx.msk $0xffff, v13;
	v12 =	vand.u32 $0x3F8, v14  }
0x18a: {  	v13 =	vld [tilespmem:s3+$0x0];
	v12 =	vor.u32 v6, v12;
	_ =	sdelay $0x4  }
0x18b: {  	[tilespmem:v12+s29+$0x0] =	vst.idx.msk $0xffff, v13  }
0x18c: {  	v13 =	vld [tilespmem:s3+$0x10];
	_ =	sdelay $0x4  }
0x18d: {  	[tilespmem:v12+s30+$0x0] =	vst.idx.msk $0xffff, v13  }
0x18e: {  	v13 =	vld [tilespmem:s3+$0x20];
	_ =	sdelay $0x4  }
0x18f: {  	[tilespmem:v12+s31+$0x0] =	vst.idx.msk $0xffff, v13  }
0x190: {  	v13 =	vld [tilespmem:s3+$0x30];
	_ =	sdelay $0x2  }
0x191: {  	s2 =	sadd.s32 $0xFFFFFFFE, s0  }
0x192: {  	v14 =	vor.u32 s2, v2  }
0x193: {  	[tilespmem:v12+s1+$0x0] =	vst.idx.msk $0xffff, v13;
	v12 =	vand.u32 $0x3F8, v14  }
0x194: {  	v13 =	vld [tilespmem:s3+$0x40];
	v12 =	vor.u32 v7, v12;
	_ =	sdelay $0x4  }
0x195: {  	[tilespmem:v12+s29+$0x0] =	vst.idx.msk $0xffff, v13  }
0x196: {  	v13 =	vld [tilespmem:s3+$0x50];
	_ =	sdelay $0x4  }
0x197: {  	[tilespmem:v12+s30+$0x0] =	vst.idx.msk $0xffff, v13  }
0x198: {  	v13 =	vld [tilespmem:s3+$0x60];
	_ =	sdelay $0x4  }
0x199: {  	[tilespmem:v12+s31+$0x0] =	vst.idx.msk $0xffff, v13  }
0x19a: {  	v13 =	vld [tilespmem:s3+$0x70];
	_ =	sdelay $0x2  }
0x19b: {  	s2 =	sadd.s32 $0xFFFFFFFF, s0  }
0x19c: {  	v14 =	vor.u32 s2, v2  }
0x19d: {  	[tilespmem:v12+s1+$0x0] =	vst.idx.msk $0xffff, v13;
	v12 =	vand.u32 $0x3F8, v14  }
0x19e: {  	v13 =	vld [tilespmem:s3+$0x80];
	v12 =	vor.u32 v8, v12;
	_ =	sdelay $0x4  }
0x19f: {  	[tilespmem:v12+s29+$0x0] =	vst.idx.msk $0xffff, v13  }
0x1a0: {  	v13 =	vld [tilespmem:s3+$0x90];
	_ =	sdelay $0x4  }
0x1a1: {  	[tilespmem:v12+s30+$0x0] =	vst.idx.msk $0xffff, v13  }
0x1a2: {  	v13 =	vld [tilespmem:s3+$0xA0];
	_ =	sdelay $0x4  }
0x1a3: {  	[tilespmem:v12+s31+$0x0] =	vst.idx.msk $0xffff, v13  }
0x1a4: {  	v13 =	vld [tilespmem:s3+$0xB0];
	_ =	sdelay $0x3  }
0x1a5: {  	v14 =	vor.u32 s0, v2;
	s0 =	smov.u32 s8  }
0x1a6: {  	[tilespmem:v12+s1+$0x0] =	vst.idx.msk $0xffff, v13;
	v12 =	vand.u32 $0x3F8, v14  }
0x1a7: {  	v13 =	vld [tilespmem:s3+$0xC0];
	v12 =	vor.u32 v9, v12;
	_ =	sdelay $0x4  }
0x1a8: {  	[tilespmem:v12+s29+$0x0] =	vst.idx.msk $0xffff, v13  }
0x1a9: {  	v13 =	vld [tilespmem:s3+$0xD0];
	_ =	sdelay $0x4  }
0x1aa: {  	[tilespmem:v12+s30+$0x0] =	vst.idx.msk $0xffff, v13  }
0x1ab: {  	v13 =	vld [tilespmem:s3+$0xE0];
	_ =	sdelay $0x4  }
0x1ac: {  	[tilespmem:v12+s31+$0x0] =	vst.idx.msk $0xffff, v13  }
0x1ad: {  	v13 =	vld [tilespmem:s3+$0xF0]  }
.Ltmp11:
0x1ae: {  	(pc) =	sbr.rel @p0 .LBB2_15-.Ltmp11, $2  }
0x1af: {  	_ =	sdelay $0x2  }
0x1b0: {  	s8 =	sadd.s32 $0x8, s8;
	s15 =	sadd.s32 $0xFFFFFFF9, s0;
	s3 =	sadd.s32 $0x200, s3;
	[tilespmem:v12+s1+$0x0] =	vst.idx.msk $0xffff, v13  }
0x1b1: {  	v12 =	vld [tilespmem:s3+$0xFFFFFF00];
	v13 =	vor.u32 s15, v1;
	_ =	sdelay $0x4  }
0x1b2: {  	[tilespmem:v13+s29+$0x0] =	vst.idx.msk $0xffff, v12  }
0x1b3: {  	v12 =	vld [tilespmem:s3+$0xFFFFFF10];
	_ =	sdelay $0x4  }
0x1b4: {  	[tilespmem:v13+s30+$0x0] =	vst.idx.msk $0xffff, v12  }
0x1b5: {  	v12 =	vld [tilespmem:s3+$0xFFFFFF20];
	_ =	sdelay $0x4  }
0x1b6: {  	[tilespmem:v13+s31+$0x0] =	vst.idx.msk $0xffff, v12  }
0x1b7: {  	v12 =	vld [tilespmem:s3+$0xFFFFFF30];
	_ =	sdelay $0x2  }
0x1b8: {  	s2 =	sadd.s32 $0xFFFFFFFA, s0  }
0x1b9: {  	v14 =	vor.u32 s2, v2  }
0x1ba: {  	v47 =	vand.u32 $0x3F8, v14;
	[tilespmem:v13+s1+$0x0] =	vst.idx.msk $0xffff, v12  }
0x1bb: {  	v12 =	vor.u32 v3, v47;
	v13 =	vld [tilespmem:s3+$0xFFFFFF40];
	_ =	sdelay $0x4  }
0x1bc: {  	[tilespmem:v12+s29+$0x0] =	vst.idx.msk $0xffff, v13  }
0x1bd: {  	v13 =	vld [tilespmem:s3+$0xFFFFFF50];
	_ =	sdelay $0x4  }
0x1be: {  	[tilespmem:v12+s30+$0x0] =	vst.idx.msk $0xffff, v13  }
0x1bf: {  	v13 =	vld [tilespmem:s3+$0xFFFFFF60];
	_ =	sdelay $0x4  }
0x1c0: {  	[tilespmem:v12+s31+$0x0] =	vst.idx.msk $0xffff, v13  }
0x1c1: {  	v13 =	vld [tilespmem:s3+$0xFFFFFF70];
	_ =	sdelay $0x2  }
0x1c2: {  	s20 =	sadd.s32 $0xFFFFFFFB, s0  }
0x1c3: {  	v48 =	vor.u32 s20, v2  }
0x1c4: {  	v49 =	vand.u32 $0x3F8, v48;
	[tilespmem:v12+s1+$0x0] =	vst.idx.msk $0xffff, v13  }
0x1c5: {  	v12 =	vor.u32 v4, v49;
	v13 =	vld [tilespmem:s3+$0xFFFFFF80];
	_ =	sdelay $0x4  }
0x1c6: {  	[tilespmem:v12+s29+$0x0] =	vst.idx.msk $0xffff, v13  }
0x1c7: {  	v13 =	vld [tilespmem:s3+$0xFFFFFF90];
	_ =	sdelay $0x4  }
0x1c8: {  	[tilespmem:v12+s30+$0x0] =	vst.idx.msk $0xffff, v13  }
0x1c9: {  	v13 =	vld [tilespmem:s3+$0xFFFFFFA0];
	_ =	sdelay $0x4  }
0x1ca: {  	[tilespmem:v12+s31+$0x0] =	vst.idx.msk $0xffff, v13  }
0x1cb: {  	v13 =	vld [tilespmem:s3+$0xFFFFFFB0];
	_ =	sdelay $0x2  }
0x1cc: {  	s8 =	sadd.s32 $0xFFFFFFFC, s0  }
0x1cd: {  	v50 =	vor.u32 s8, v2  }
0x1ce: {  	v51 =	vand.u32 $0x3F8, v50;
	[tilespmem:v12+s1+$0x0] =	vst.idx.msk $0xffff, v13  }
0x1cf: {  	v12 =	vor.u32 v5, v51;
	v13 =	vld [tilespmem:s3+$0xFFFFFFC0];
	_ =	sdelay $0x4  }
0x1d0: {  	[tilespmem:v12+s29+$0x0] =	vst.idx.msk $0xffff, v13  }
0x1d1: {  	v13 =	vld [tilespmem:s3+$0xFFFFFFD0];
	_ =	sdelay $0x4  }
0x1d2: {  	[tilespmem:v12+s30+$0x0] =	vst.idx.msk $0xffff, v13  }
0x1d3: {  	v13 =	vld [tilespmem:s3+$0xFFFFFFE0];
	_ =	sdelay $0x4  }
0x1d4: {  	[tilespmem:v12+s31+$0x0] =	vst.idx.msk $0xffff, v13  }
0x1d5: {  	v13 =	vld [tilespmem:s3+$0xFFFFFFF0];
	_ =	sdelay $0x2  }
0x1d6: {  	s9 =	sadd.s32 $0xFFFFFFFD, s0  }
0x1d7: {  	v52 =	vor.u32 s9, v2  }
0x1d8: {  	v53 =	vand.u32 $0x3F8, v52;
	[tilespmem:v12+s1+$0x0] =	vst.idx.msk $0xffff, v13  }
0x1d9: {  	v12 =	vor.u32 v6, v53;
	v13 =	vld [tilespmem:s3+$0x0];
	_ =	sdelay $0x4  }
0x1da: {  	[tilespmem:v12+s29+$0x0] =	vst.idx.msk $0xffff, v13  }
0x1db: {  	v13 =	vld [tilespmem:s3+$0x10];
	_ =	sdelay $0x4  }
0x1dc: {  	[tilespmem:v12+s30+$0x0] =	vst.idx.msk $0xffff, v13  }
0x1dd: {  	v13 =	vld [tilespmem:s3+$0x20];
	_ =	sdelay $0x4  }
0x1de: {  	[tilespmem:v12+s31+$0x0] =	vst.idx.msk $0xffff, v13  }
0x1df: {  	v13 =	vld [tilespmem:s3+$0x30];
	_ =	sdelay $0x2  }
0x1e0: {  	s15 =	sadd.s32 $0xFFFFFFFE, s0  }
0x1e1: {  	v54 =	vor.u32 s15, v2  }
0x1e2: {  	v55 =	vand.u32 $0x3F8, v54;
	[tilespmem:v12+s1+$0x0] =	vst.idx.msk $0xffff, v13  }
0x1e3: {  	v12 =	vor.u32 v7, v55;
	v13 =	vld [tilespmem:s3+$0x40];
	_ =	sdelay $0x4  }
0x1e4: {  	[tilespmem:v12+s29+$0x0] =	vst.idx.msk $0xffff, v13  }
0x1e5: {  	v13 =	vld [tilespmem:s3+$0x50];
	_ =	sdelay $0x4  }
0x1e6: {  	[tilespmem:v12+s30+$0x0] =	vst.idx.msk $0xffff, v13  }
0x1e7: {  	v13 =	vld [tilespmem:s3+$0x60];
	_ =	sdelay $0x4  }
0x1e8: {  	[tilespmem:v12+s31+$0x0] =	vst.idx.msk $0xffff, v13  }
0x1e9: {  	v13 =	vld [tilespmem:s3+$0x70];
	_ =	sdelay $0x2  }
0x1ea: {  	s16 =	sadd.s32 $0xFFFFFFFF, s0  }
0x1eb: {  	v56 =	vor.u32 s16, v2  }
0x1ec: {  	v57 =	vand.u32 $0x3F8, v56;
	[tilespmem:v12+s1+$0x0] =	vst.idx.msk $0xffff, v13  }
0x1ed: {  	v12 =	vor.u32 v8, v57;
	v13 =	vld [tilespmem:s3+$0x80];
	_ =	sdelay $0x4  }
0x1ee: {  	[tilespmem:v12+s29+$0x0] =	vst.idx.msk $0xffff, v13  }
0x1ef: {  	v13 =	vld [tilespmem:s3+$0x90];
	_ =	sdelay $0x4  }
0x1f0: {  	[tilespmem:v12+s30+$0x0] =	vst.idx.msk $0xffff, v13  }
0x1f1: {  	v13 =	vld [tilespmem:s3+$0xA0];
	_ =	sdelay $0x4  }
0x1f2: {  	[tilespmem:v12+s31+$0x0] =	vst.idx.msk $0xffff, v13  }
0x1f3: {  	v13 =	vld [tilespmem:s3+$0xB0];
	_ =	sdelay $0x3  }
0x1f4: {  	v58 =	vor.u32 s0, v2  }
0x1f5: {  	v59 =	vand.u32 $0x3F8, v58;
	[tilespmem:v12+s1+$0x0] =	vst.idx.msk $0xffff, v13  }
0x1f6: {  	v12 =	vor.u32 v9, v59;
	v13 =	vld [tilespmem:s3+$0xC0];
	_ =	sdelay $0x4  }
0x1f7: {  	[tilespmem:v12+s29+$0x0] =	vst.idx.msk $0xffff, v13  }
0x1f8: {  	v13 =	vld [tilespmem:s3+$0xD0];
	_ =	sdelay $0x4  }
0x1f9: {  	[tilespmem:v12+s30+$0x0] =	vst.idx.msk $0xffff, v13  }
0x1fa: {  	v13 =	vld [tilespmem:s3+$0xE0];
	_ =	sdelay $0x4  }
0x1fb: {  	[tilespmem:v12+s31+$0x0] =	vst.idx.msk $0xffff, v13  }
0x1fc: {  	v13 =	vld [tilespmem:s3+$0xF0];
	_ =	sdelay $0x4  }
0x1fd: {  	[tilespmem:v12+s1+$0x0] =	vst.idx.msk $0xffff, v13  }
0x1fe: {  	v12 =	vld [tilespmem:$0x80]  }
0x1ff: {  	v13 =	vld [tilespmem:$0x90]  }
0x200: {  	v60 =	vld [tilespmem:$0xA0]  }
0x201: {  	v15 =	vld [tilespmem:$0xB0]  }
0x202: {  	v16 =	vld [tilespmem:$0xC0]  }
0x203: {  	v17 =	vld [tilespmem:$0xD0]  }
0x204: {  	v61 =	vld [tilespmem:$0xE0];
	vm0 =	veq.s32 v12, $0x0;
	vm1 =	veq.s32 v13, $0x0  }
0x205: {  	v62 =	vld [tilespmem:$0xF0];
	vm10 =	veq.s32 v60, $0x0;
	vm0 =	vmor vm0, vm1  }
0x206: {  	vm11 =	veq.s32 v15, $0x0;
	vm0 =	vmor vm0, vm10  }
0x207: {  	vm12 =	veq.s32 v16, $0x0;
	vm0 =	vmor vm0, vm11  }
0x208: {  	vm13 =	veq.s32 v17, $0x0;
	vm0 =	vmor vm0, vm12  }
0x209: {  	vm14 =	veq.s32 v61, $0x0;
	vm0 =	vmor vm0, vm13  }
0x20a: {  	vm15 =	veq.s32 v62, $0x0;
	vm0 =	vmor vm0, vm14  }
0x20b: {  	vm0 =	vmor vm0, vm15  }
0x20c: {  	v63 =	vmpcnt.ones.xlane vm0;
	_ =	sdelay $0x1  }
0x20d: {  	(v2sf) =	vpush v63, $0x0;
	_ =	sdelay $0xe  }
0x20e: {  	s20 =	spop (v2sf)  }
0x20f: {  	p0 =	slt.s32 s20, $0x1  }
.Ltmp12:
0x210: {  	_ = 	snop;
	(pc) =	sbr.rel @p0 .LBB2_26-.Ltmp12, $2  }
0x211: {  	_ =	sdelay $0x2  }
0x212: {  	s0 =	simm.s32 $0x0;
	s3 =	simm.s32 $0x0  }
.LBB2_17:
0x213: {  	s2 =	sshll.u32 s3, $0x4  }
0x214: {  	v13 =	vld [tilespmem:s2+$0x80];
	_ =	sdelay $0x2  }
0x215: {  	s8 =	simm.s32 $0x0  }
0x216: {  	s20 =	sand.u32 $0x380, s0;
	v12 =	vor.u32 s2, v0;
	s8 =	sand.u32 $0xFFFFFC00, s8  }
0x217: {  	v12 =	vand.u32 v10, v12;
	s2 =	sor.u32 s20, s8;
	vm0 =	veq.s32 v13, $0x0  }
0x218: {  	v13 =	vor.u32 s2, v12;
	_ =	sdelay $0x1  }
0x219: {  	s15 =	simm.s32 $0x80;
	s8 =	simm.s32 $0x1  }
.LBB2_18:
0x21a: {  	s2 =	sshll.u32 s8, $0x7;
	p0 =	sne.s32 s8, $0xF;
	s8 =	sadd.s32 $0x1, s8  }
.Ltmp13:
0x21b: {  	s9 =	sand.u32 $0x380, s15;
	s2 =	sand.u32 $0xFFFFFC00, s2;
	(pc) =	sbr.rel @p0 .LBB2_18-.Ltmp13, $3  }
0x21c: {  	s2 =	sor.u32 s9, s2;
	[tilespmem:v13+s29+$0x0] =	vst.idx.msk vm0, v11  }
0x21d: {  	v13 =	vor.u32 s2, v12;
	_ =	sdelay $0x1  }
0x21e: {  	s15 =	sadd.s32 $0x80, s15  }
0x21f: {  	_ =	sdelay $0x1  }
0x220: {  	s8 =	simm.s32 $0x0;
	s2 =	simm.s32 $0x0  }
0x221: {  	s9 =	sand.u32 $0x380, s8;
	s2 =	sand.u32 $0xFFFFFC00, s2  }
0x222: {  	s2 =	sor.u32 s9, s2  }
0x223: {  	[tilespmem:v13+s29+$0x0] =	vst.idx.msk vm0, v11;
	v13 =	vor.u32 s2, v12;
	_ =	sdelay $0x1  }
0x224: {  	s16 =	simm.s32 $0x1;
	s15 =	simm.s32 $0x80  }
.LBB2_20:
0x225: {  	s2 =	sshll.u32 s16, $0x7;
	p0 =	sne.s32 s16, $0xF;
	s16 =	sadd.s32 $0x1, s16  }
.Ltmp14:
0x226: {  	s9 =	sand.u32 $0x380, s15;
	s2 =	sand.u32 $0xFFFFFC00, s2;
	(pc) =	sbr.rel @p0 .LBB2_20-.Ltmp14, $3  }
0x227: {  	s2 =	sor.u32 s9, s2;
	[tilespmem:v13+s30+$0x0] =	vst.idx.msk vm0, v11  }
0x228: {  	v13 =	vor.u32 s2, v12;
	_ =	sdelay $0x1  }
0x229: {  	s15 =	sadd.s32 $0x80, s15  }
0x22a: {  	_ =	sdelay $0x4  }
0x22b: {  	[tilespmem:v13+s30+$0x0] =	vst.idx.msk vm0, v11;
	s15 =	simm.s32 $0x0  }
.LBB2_22:
0x22c: {  	s2 =	sshll.u32 s15, $0x7  }
0x22d: {  	s9 =	sand.u32 $0x380, s8;
	s2 =	sand.u32 $0xFFFFFC00, s2  }
0x22e: {  	s2 =	sor.u32 s9, s2  }
0x22f: {  	p0 =	sne.s32 s15, $0xF;
	v13 =	vor.u32 s2, v12  }
.Ltmp15:
0x230: {  	_ = 	snop;
	(pc) =	sbr.rel @p0 .LBB2_22-.Ltmp15, $2  }
0x231: {  	_ =	sdelay $0x2  }
0x232: {  	s8 =	sadd.s32 $0x80, s8;
	s15 =	sadd.s32 $0x1, s15;
	[tilespmem:v13+s31+$0x0] =	vst.idx.msk vm0, v11  }
0x233: {  	s2 =	simm.s32 $0x0;
	s8 =	simm.s32 $0x0  }
0x234: {  	s2 =	sand.u32 $0x380, s2;
	s8 =	sand.u32 $0xFFFFFC00, s8  }
0x235: {  	s2 =	sor.u32 s2, s8  }
0x236: {  	v13 =	vor.u32 s2, v12;
	_ =	sdelay $0x1  }
0x237: {  	s15 =	simm.s32 $0x80;
	s8 =	simm.s32 $0x1  }
.LBB2_24:
0x238: {  	s2 =	sshll.u32 s8, $0x7;
	p0 =	sne.s32 s8, $0xF;
	s8 =	sadd.s32 $0x1, s8  }
.Ltmp16:
0x239: {  	s9 =	sand.u32 $0x380, s15;
	s2 =	sand.u32 $0xFFFFFC00, s2;
	(pc) =	sbr.rel @p0 .LBB2_24-.Ltmp16, $3  }
0x23a: {  	s2 =	sor.u32 s9, s2;
	[tilespmem:v13+s1+$0x0] =	vst.idx.msk vm0, v11  }
0x23b: {  	v13 =	vor.u32 s2, v12;
	_ =	sdelay $0x1  }
0x23c: {  	s15 =	sadd.s32 $0x80, s15  }
0x23d: {  	s3 =	sadd.s32 $0x1, s3  }
0x23e: {  	p0 =	sne.s32 s3, $0x8  }
.Ltmp17:
0x23f: {  	_ = 	snop;
	(pc) =	sbr.rel @p0 .LBB2_17-.Ltmp17, $4  }
.Ltmp18:
0x240: {  	_ = 	snop;
	(pc) =	sbr.rel @!p0 .LBB2_26-.Ltmp18, $4  }
0x241: {  	_ = 	snop  }
0x242: {  	_ = 	snop  }
0x243: {  	[tilespmem:v13+s1+$0x0] =	vst.idx.msk vm0, v11  }
0x244: {  	_ = 	snop  }
.LBB2_28:
0x245: {  	_ =	sfence.sel $0x180000  }
0x246: {  	[bflag:$0x0] =	sbarrier.arrive $0xFFFF  }
0x247: {  	_ =	strace $0x90000047  }
0x248: {  	s0 =	stileid.u32;
	[bflag:$0x2] =	sbarrier.arrive $0xFFFF  }
0x249: {  	p0 =	sne.s32 s0, $0x0;
	s0 =	rddreg [dreg:$0x2]  }
0x24a: {  	s0 =	sadd.s32 @!p0 $0x100000, s0  }
0x24b: {  	[sflag:s0] =	ssyncadd.tile.s32 @!p0 $0x1;
	_ =	shalt  }
.Lfunc_end2:
_tile_overlayer_lowered:
.L_overlay_start_2:
0x24c: {  	(tag) =	ssettag $0x2  }
0x24d: {  	s0 =	rddreg [dreg:$0x0];
	s2 =	stileid.u32  }
0x24e: {  	s1 =	rddreg [dreg:$0x1];
	p0 =	sne.s32 s2, $0x0  }
0x24f: {  	s3 =	rddreg [dreg:$0x2];
	[bflag:$0x3] =	sbarrier.arrive $0xFFFF;
	s2 =	simm.s32 @!p0 $0x1C07  }
0x250: {  	[timem:s3], [sflag:s2] =	dma.local @!p0 [hbm:s0], s1  }
0x251: {  	s0 =	simm.s32 @!p0 $0x7  }
0x252: {  	_ =	swait.ge @!p0 [sflag:s0], s1  }
0x253: {  	s1 =	ssub.s32 @!p0 $0x0, s1;
	[sflag:s0] =	ssyncset.done @!p0 $0x0  }
0x254: {  	[sflag:s0] =	ssyncadd.s32 @!p0 s1  }
0x255: {  	[bflag:$0x3] =	sbarrier.arrive $0xFFFF  }
0x256: {  	_ =	shalt  }

</sc_bundles>
